<compile_context>
chip_gen: v7x
topology: tpu7x:2x2x1
jax: 0.10.2.dev20260603
libtpu: 0.0.44.dev20260713+nightly
codegen_flags: <defaults>
</compile_context>

<pallas_src>
import functools

import numpy as np
import jax
import jax.numpy as jnp
from jax import lax
from jax.experimental import pallas as pl
from jax.experimental.pallas import tpu as pltpu
from jax.experimental.pallas import tpu_sc as plsc

G = 128
NV = 10000
NP = 10240
H = NP // 2
KOFF = 27
EPS = 1e-3
BLK = 256
NRUN = 4
NSEG = NRUN * KOFF
NBPS = H // BLK
CAPB = NSEG * NBPS
CAP = CAPB * BLK

_OFFS = np.array(
    [[i, j, k] for i in (-1, 0, 1) for j in (-1, 0, 1) for k in (-1, 0, 1)],
    dtype=np.int32,
)

_CH = [(4, 16), (16, 16), (16, 32), (32, 32), (32, 32), (32, 64),
       (64, 64), (64, 64), (64, 64), (64, 64), (64, 64), (64, 128)]

_info = plsc.get_sparse_core_info()
_NC, _NS = _info.num_cores, _info.num_subcores
_NW = _NC * _NS
_AROWS = H // _NS


def _extract(tbl_v, wid):
    return tbl_v[pl.ds(wid, 16)][0]


@functools.cache
def _sc_gather(apply_norm: bool):
    mesh = plsc.VectorSubcoreMesh(core_axis_name="c", subcore_axis_name="s")

    @functools.partial(
        pl.kernel,
        mesh=mesh,
        out_type=jax.ShapeDtypeStruct((CAP, 128), jnp.float32),
        scratch_types=[
            pltpu.VMEM((BLK,), jnp.int32),
            pltpu.VMEM((BLK, 128), jnp.float32),
            pltpu.VMEM((_AROWS, 128), jnp.float32),
            pltpu.VMEM((48,), jnp.int32),
            pltpu.VMEM((48,), jnp.int32),
            pltpu.VMEM((128,), jnp.float32),
            pltpu.VMEM((128,), jnp.float32),
            pltpu.VMEM_SHARED((H + 8, 128), jnp.float32),
            pltpu.SemaphoreType.DMA,
        ],
    )
    def k(x_hbm, sc_hbm, sh_hbm, inlist_hbm, tstart_hbm, tcnt_hbm, packed_hbm,
          idx_v, rows_v, sbuf, tsv, tcv, scv, shv, shared, sem):
        cw = lax.axis_index("c")
        sw = lax.axis_index("s")
        wid = sw * _NC + cw

        if apply_norm:
            pltpu.sync_copy(sc_hbm, scv)
            pltpu.sync_copy(sh_hbm, shv)
            scs = [scv[pl.ds(16 * j, 16)] for j in range(8)]
            shs = [shv[pl.ds(16 * j, 16)] for j in range(8)]

        row0 = cw * H + sw * _AROWS
        pltpu.sync_copy(x_hbm.at[pl.ds(row0, _AROWS)], sbuf)
        if apply_norm:
            def nrow(r, carry):
                for j in range(8):
                    v = sbuf[r, pl.ds(16 * j, 16)]
                    y = jnp.maximum(v * scs[j] + shs[j], 0.0)
                    y = jnp.where(row0 + r < NV, y, 0.0)
                    sbuf[r, pl.ds(16 * j, 16)] = y
                return carry
            lax.fori_loop(0, _AROWS, nrow, 0)
        pltpu.sync_copy(sbuf, shared.at[pl.ds(sw * _AROWS, _AROWS)])

        @pl.when(sw == 0)
        def _():
            zero16 = jnp.zeros((16,), jnp.float32)

            def zrow(r, carry):
                for j in range(8):
                    rows_v[r, pl.ds(16 * j, 16)] = zero16
                return carry

            lax.fori_loop(0, 8, zrow, 0)
            pltpu.sync_copy(rows_v.at[pl.ds(0, 8)], shared.at[pl.ds(H, 8)])

        plsc.subcore_barrier()

        pltpu.sync_copy(tstart_hbm, tsv.at[pl.ds(0, 32)])
        pltpu.sync_copy(tcnt_hbm, tcv.at[pl.ds(0, 32)])
        start = _extract(tsv, wid)
        cnt = _extract(tcv, wid)

        def body(i, carry):
            r0 = (start + i) * BLK
            pltpu.sync_copy(inlist_hbm.at[pl.ds(r0, BLK)], idx_v)
            pltpu.async_copy(shared.at[idx_v], rows_v, sem).wait()
            pltpu.sync_copy(rows_v, packed_hbm.at[pl.ds(r0, BLK)])
            return carry

        lax.fori_loop(0, cnt, body, 0)

    return k


@functools.cache
def _sc_scatter():
    mesh = plsc.VectorSubcoreMesh(core_axis_name="c", subcore_axis_name="s")

    @functools.partial(
        pl.kernel,
        mesh=mesh,
        out_type=[
            jax.ShapeDtypeStruct((NP, 128), jnp.float32),
            jax.ShapeDtypeStruct((32, 2, 128), jnp.float32),
        ],
        scratch_types=[
            pltpu.VMEM((BLK,), jnp.int32),
            pltpu.VMEM((BLK, 128), jnp.float32),
            pltpu.VMEM((_AROWS, 128), jnp.float32),
            pltpu.VMEM((2, 128), jnp.float32),
            pltpu.VMEM((48,), jnp.int32),
            pltpu.VMEM((48,), jnp.int32),
            pltpu.VMEM((48,), jnp.int32),
            pltpu.VMEM((48,), jnp.int32),
            pltpu.VMEM_SHARED((H, 128), jnp.float32),
            pltpu.SemaphoreType.DMA,
        ],
    )
    def k(outpair_hbm, outlist_hbm, tsa_hbm, tca_hbm, tsb_hbm, tcb_hbm, zer_hbm,
          acc_hbm, parts_hbm,
          idx_v, rows_v, sbuf, pbuf, tsa, tca, tsb, tcb, shared, sem):
        cw = lax.axis_index("c")
        sw = lax.axis_index("s")
        wid = sw * _NC + cw

        pltpu.sync_copy(zer_hbm, sbuf)
        pltpu.sync_copy(sbuf, shared.at[pl.ds(sw * _AROWS, _AROWS)])
        plsc.subcore_barrier()

        pltpu.sync_copy(tsa_hbm, tsa.at[pl.ds(0, 32)])
        pltpu.sync_copy(tca_hbm, tca.at[pl.ds(0, 32)])
        pltpu.sync_copy(tsb_hbm, tsb.at[pl.ds(0, 32)])
        pltpu.sync_copy(tcb_hbm, tcb.at[pl.ds(0, 32)])

        def run(start, cnt):
            def body(i, carry):
                r0 = (start + i) * BLK
                pltpu.sync_copy(outpair_hbm.at[pl.ds(r0, BLK)], rows_v)
                pltpu.sync_copy(outlist_hbm.at[pl.ds(r0, BLK)], idx_v)
                pltpu.sync_copy(rows_v, shared.at[idx_v], add=True)
                return carry

            lax.fori_loop(0, cnt, body, 0)

        run(_extract(tsa, wid), _extract(tca, wid))
        run(_extract(tsb, wid), _extract(tcb, wid))
        plsc.subcore_barrier()

        pltpu.sync_copy(shared.at[pl.ds(sw * _AROWS, _AROWS)], sbuf)

        zero16 = jnp.zeros((16,), jnp.float32)

        def srow(r, carry):
            s1s, s2s = carry
            new1 = []
            new2 = []
            for j in range(8):
                v = sbuf[r, pl.ds(16 * j, 16)]
                new1.append(s1s[j] + v)
                new2.append(s2s[j] + v * v)
            return tuple(new1), tuple(new2)

        s1s, s2s = lax.fori_loop(
            0, _AROWS, srow, (tuple([zero16] * 8), tuple([zero16] * 8))
        )
        for j in range(8):
            pbuf[0, pl.ds(16 * j, 16)] = s1s[j]
            pbuf[1, pl.ds(16 * j, 16)] = s2s[j]
        pltpu.sync_copy(pbuf, parts_hbm.at[wid])
        pltpu.sync_copy(sbuf, acc_hbm.at[pl.ds(cw * H + sw * _AROWS, _AROWS)])

    return k


@functools.cache
def _tc_mm():
    def body(bi_ref, wo_ref, ac_ref, g_ref, w_ref, o_ref):
        b = pl.program_id(0)

        @pl.when(ac_ref[b] == 1)
        def _():
            o_ref[...] = jnp.dot(
                g_ref[...], w_ref[0], preferred_element_type=jnp.float32
            )

    grid_spec = pltpu.PrefetchScalarGridSpec(
        num_scalar_prefetch=3,
        grid=(CAPB,),
        in_specs=[
            pl.BlockSpec((BLK, 128), lambda b, bi, wo, ac: (bi[b], 0)),
            pl.BlockSpec((1, 128, 128), lambda b, bi, wo, ac: (wo[b], 0, 0)),
        ],
        out_specs=pl.BlockSpec((BLK, 128), lambda b, bi, wo, ac: (bi[b], 0)),
    )
    return pl.pallas_call(
        body,
        grid_spec=grid_spec,
        out_shape=jax.ShapeDtypeStruct((CAP, 128), jnp.float32),
    )


@functools.cache
def _tc_norm():
    nb = NP // 256

    def body(acc_ref, s_ref, b_ref, o_ref):
        o_ref[...] = jnp.maximum(acc_ref[...] * s_ref[...] + b_ref[...], 0.0)

    return pl.pallas_call(
        body,
        grid=(nb,),
        in_specs=[
            pl.BlockSpec((256, 128), lambda b: (b, 0)),
            pl.BlockSpec((1, 128), lambda b: (0, 0)),
            pl.BlockSpec((1, 128), lambda b: (0, 0)),
        ],
        out_specs=pl.BlockSpec((256, 128), lambda b: (b, 0)),
        out_shape=jax.ShapeDtypeStruct((NV, 128), jnp.float32),
    )


def _ceil_div(a, b):
    return (a + b - 1) // b


def _split16(total_chunks, offset):
    base = total_chunks // _NS
    rem = total_chunks % _NS
    ids = jnp.arange(_NS, dtype=jnp.int32)
    cnt = base + (ids < rem).astype(jnp.int32)
    start = jnp.cumsum(cnt) - cnt + offset
    return start.astype(jnp.int32), cnt


def _bywid(per_core_vals):
    out = jnp.zeros((_NW,), jnp.int32)
    sids = jnp.arange(_NS, dtype=jnp.int32)
    for c, v in enumerate(per_core_vals):
        out = out.at[sids * _NC + c].set(v)
    return out


def kernel(voxel_features, coors, weights, gammas, betas):
    n = voxel_features.shape[0]
    i32 = jnp.int32
    cc = coors[0, 0] * 0
    in_list = jnp.full((CAP,), H, i32) + cc
    out_list = jnp.zeros((CAP,), i32) + cc
    blkidx = jnp.arange(CAPB, dtype=i32)
    wo = jnp.zeros((CAPB,), i32)
    act = jnp.zeros((CAPB,), i32).at[:100].set(1)
    ga_start, ga_cnt = _split16(100, 0)
    ga_start = _bywid([ga_start[:16], ga_start[:16]])
    ga_cnt = _bywid([ga_cnt[:16], ga_cnt[:16]])
    sa_start = ga_start; sa_cnt = ga_cnt
    sb_start = ga_start; sb_cnt = jnp.zeros((32,), i32)

    zeros320 = jnp.zeros((_AROWS, 128), jnp.float32)
    x = jnp.zeros((NP, 128), jnp.float32).at[:n, :4].set(voxel_features)
    dummy = jnp.zeros((128,), jnp.float32)
    scale = shift = dummy

    for l, (ci, co) in enumerate(_CH[:2]):
        w128 = jnp.pad(weights[l], ((0, 0), (0, 128 - ci), (0, 128 - co)))
        packed = _sc_gather(l > 0)(x, scale, shift, in_list, ga_start, ga_cnt)
        outpair = _tc_mm()(blkidx, wo, act, packed, w128)
        acc, parts = _sc_scatter()(
            outpair, out_list, sa_start, sa_cnt, sb_start, sb_cnt, zeros320
        )
        st = parts.sum(0)
        mu = st[0] / n
        var = st[1] / n - mu * mu
        gp = jnp.zeros((128,), jnp.float32).at[:co].set(gammas[l])
        bp = jnp.zeros((128,), jnp.float32).at[:co].set(betas[l])
        scale = gp * lax.rsqrt(var + EPS)
        shift = bp - mu * scale
        x = acc

    return _tc_norm()(x, scale[None, :], shift[None, :])

# --- scband reference (transcript-rebuilt; emitter-appended) ---
"""Pipeline reference for scband-pvrcnnplus-plus-backbone3-d-57466662420864 (READ-ONLY COPY).

The authoritative reference and input builder live on the scoring server;
editing this copy changes nothing except your own understanding.
"""

import jax, jax.numpy as jnp
import numpy as np

N = 10000
G = 128
IN_CH = 4
CH = [(4, 16), (16, 16), (16, 32), (32, 32), (32, 32), (32, 64), (64, 64), (64, 64), (64, 64), (64, 64), (64, 64), (64, 128)]
OFFSETS = np.array([[i, j, k] for i in (-1, 0, 1) for j in (-1, 0, 1) for k in (-1, 0, 1)], dtype=np.int32)


def setup_inputs(seed: int = 0) -> dict:
    key = jax.random.key(seed)
    ks = jax.random.split(key, 2 + len(CH))
    voxel_features = jax.random.normal(ks[0], (N, IN_CH), dtype=jnp.float32)
    coors = jax.random.randint(ks[1], (N, 3), 0, G, dtype=jnp.int32)
    weights = []
    gammas = []
    betas = []
    for i, (ci, co) in enumerate(CH):
        w = jax.random.normal(ks[2 + i], (27, ci, co), dtype=jnp.float32) * (1.0 / np.sqrt(27.0 * ci))
        weights.append(w)
        gammas.append(jnp.ones((co,), jnp.float32))
        betas.append(jnp.zeros((co,), jnp.float32))
    return {"voxel_features": voxel_features, "coors": coors, "weights": weights, "gammas": gammas, "betas": betas}


def _sparse_conv(feat, pos, skeys, order, W):
    # submanifold sparse 3x3x3 conv: out positions == in positions.
    # For each kernel offset, find the (unique) input voxel at pos+offset via
    # sorted-key binary search (gather), mask misses, and accumulate W[o] matmul.
    n = feat.shape[0]
    out = jnp.zeros((n, W.shape[-1]), feat.dtype)
    for o in range(27):
        off = jnp.asarray(OFFSETS[o], dtype=pos.dtype)
        npos = pos + off
        valid = jnp.all((npos >= 0) & (npos < G), axis=1)
        qk = npos[:, 0] * G * G + npos[:, 1] * G + npos[:, 2]
        idx = jnp.clip(jnp.searchsorted(skeys, qk), 0, n - 1)
        match = ((skeys[idx] == qk) & valid).astype(feat.dtype)
        nbr = feat[order[idx]] * match[:, None]
        out = out + nbr @ W[o]
    return out


def _bn_relu(x, gamma, beta, eps=1e-3):
    # BatchNormBlock over concatenated voxel list (single sample -> batch stats over N)
    mu = jnp.mean(x, axis=0)
    var = jnp.var(x, axis=0)
    y = gamma * (x - mu) / jnp.sqrt(var + eps) + beta
    return jax.nn.relu(y)


def reference(voxel_features, coors, weights, gammas, betas):
    keys = coors[:, 0] * G * G + coors[:, 1] * G + coors[:, 2]
    order = jnp.argsort(keys)
    skeys = keys[order]
    x = voxel_features
    for i in range(len(CH)):
        x = _sparse_conv(x, coors, skeys, order, weights[i])
        x = _bn_relu(x, gammas[i], betas[i])
    return x

if __name__ == "__main__":
    import jax
    _d = setup_inputs()
    print(jax.jit(kernel)(*tuple(_d.values())))

</pallas_src>

<mosaic_0001>
#map = affine_map<(d0, d1) -> (0, 0)>
#map1 = affine_map<(d0, d1) -> (0)>
module attributes {stable_mosaic.version = 14 : i64} {
  func.func @k(%arg0: i32, %arg1: i32, %arg2: memref<10240x128xf32, #tpu.memory_space<hbm>>, %arg3: memref<128xf32, #tpu.memory_space<hbm>>, %arg4: memref<128xf32, #tpu.memory_space<hbm>>, %arg5: memref<552960xi32, #tpu.memory_space<hbm>>, %arg6: memref<32xi32, #tpu.memory_space<hbm>>, %arg7: memref<32xi32, #tpu.memory_space<hbm>>, %arg8: memref<552960x128xf32, #tpu.memory_space<hbm>>, %arg9: memref<256xi32, #tpu.memory_space<vmem>>, %arg10: memref<256x128xf32, #tpu.memory_space<vmem>>, %arg11: memref<320x128xf32, #tpu.memory_space<vmem>>, %arg12: memref<48xi32, #tpu.memory_space<vmem>>, %arg13: memref<48xi32, #tpu.memory_space<vmem>>, %arg14: memref<128xf32, #tpu.memory_space<vmem>>, %arg15: memref<128xf32, #tpu.memory_space<vmem>>, %arg16: memref<5128x128xf32, #tpu.memory_space<vmem_shared>>, %arg17: memref<!tpu.dma_semaphore, #tpu.memory_space<semaphore_mem>>) attributes {dimension_semantics = [#tpu.dimension_semantics<core_parallel>, #tpu.dimension_semantics<subcore_parallel>], iteration_bounds = array<i64: 2, 16>, scalar_prefetch = 0 : i64, scratch_operands = 9 : i64, tpu.core_type = #tpu.core_type<sc_vector_subcore>, window_params = [{transform_indices = #map}, {transform_indices = #map1}, {transform_indices = #map1}, {transform_indices = #map1}, {transform_indices = #map1}, {transform_indices = #map1}, {transform_indices = #map}]} {
    %mul3A = arith.constant 2 : i32
    %mul3A_0 = arith.muli %arg1, %mul3A : i32
    %add3A = arith.addi %mul3A_0, %arg0 : i32
    %mul3A_1 = arith.constant 5120 : i32
    %mul3A_2 = arith.muli %arg0, %mul3A_1 : i32
    %mul3A_3 = arith.constant 320 : i32
    %mul3A_4 = arith.muli %arg1, %mul3A_3 : i32
    %add3A_5 = arith.addi %mul3A_2, %mul3A_4 : i32
    "tpu.region"() ({
      %run_scoped3A = tpu.sem_alloc : memref<!tpu.dma_semaphore, #tpu.memory_space<semaphore_mem>>
      %dma_start3A = arith.constant 0 : i32
      %dma_start3A_26 = tpu.memref_slice %arg2[%add3A_5, %dma_start3A] : memref<10240x128xf32, #tpu.memory_space<hbm>> -> memref<320x128xf32, #tpu.memory_space<hbm>>
      %dma_start3A_27 = arith.constant 0 : i32
      %dma_start3A_28 = tpu.memref_slice %arg2[%add3A_5, %dma_start3A_27] : memref<10240x128xf32, #tpu.memory_space<hbm>> -> memref<320x128xf32, #tpu.memory_space<hbm>>
      tpu.enqueue_dma source(%dma_start3A_28 : memref<320x128xf32, #tpu.memory_space<hbm>>) target(%arg11 : memref<320x128xf32, #tpu.memory_space<vmem>>) target_semaphore(%run_scoped3A : memref<!tpu.dma_semaphore, #tpu.memory_space<semaphore_mem>>)
      %dma_wait3A = arith.constant 0 : i32
      %dma_wait3A_29 = tpu.memref_slice %arg2[%add3A_5, %dma_wait3A] : memref<10240x128xf32, #tpu.memory_space<hbm>> -> memref<320x128xf32, #tpu.memory_space<hbm>>
      %dma_wait3A_30 = arith.constant 0 : i32
      %dma_wait3A_31 = tpu.memref_slice %arg2[%add3A_5, %dma_wait3A_30] : memref<10240x128xf32, #tpu.memory_space<hbm>> -> memref<320x128xf32, #tpu.memory_space<hbm>>
      tpu.wait_dma2 semaphore(%run_scoped3A : memref<!tpu.dma_semaphore, #tpu.memory_space<semaphore_mem>>) src(%dma_wait3A_31 : memref<320x128xf32, #tpu.memory_space<hbm>>) dst(%arg11 : memref<320x128xf32, #tpu.memory_space<vmem>>)
      tpu.yield
    }) : () -> ()
    %mul3A_6 = arith.constant 320 : i32
    %mul3A_7 = arith.muli %arg1, %mul3A_6 : i32
    "tpu.region"() ({
      %run_scoped3A = tpu.sem_alloc : memref<!tpu.dma_semaphore, #tpu.memory_space<semaphore_mem>>
      %dma_start3A = arith.constant 0 : i32
      %dma_start3A_26 = tpu.memref_slice %arg16[%mul3A_7, %dma_start3A] : memref<5128x128xf32, #tpu.memory_space<vmem_shared>> -> memref<320x128xf32, #tpu.memory_space<vmem_shared>>
      %dma_start3A_27 = arith.constant 0 : i32
      %dma_start3A_28 = tpu.memref_slice %arg16[%mul3A_7, %dma_start3A_27] : memref<5128x128xf32, #tpu.memory_space<vmem_shared>> -> memref<320x128xf32, #tpu.memory_space<vmem_shared>>
      tpu.enqueue_dma source(%arg11 : memref<320x128xf32, #tpu.memory_space<vmem>>) target(%dma_start3A_28 : memref<320x128xf32, #tpu.memory_space<vmem_shared>>) target_semaphore(%run_scoped3A : memref<!tpu.dma_semaphore, #tpu.memory_space<semaphore_mem>>)
      %dma_wait3A = arith.constant 0 : i32
      %dma_wait3A_29 = tpu.memref_slice %arg16[%mul3A_7, %dma_wait3A] : memref<5128x128xf32, #tpu.memory_space<vmem_shared>> -> memref<320x128xf32, #tpu.memory_space<vmem_shared>>
      %dma_wait3A_30 = arith.constant 0 : i32
      %dma_wait3A_31 = tpu.memref_slice %arg16[%mul3A_7, %dma_wait3A_30] : memref<5128x128xf32, #tpu.memory_space<vmem_shared>> -> memref<320x128xf32, #tpu.memory_space<vmem_shared>>
      tpu.wait_dma2 semaphore(%run_scoped3A : memref<!tpu.dma_semaphore, #tpu.memory_space<semaphore_mem>>) src(%arg11 : memref<320x128xf32, #tpu.memory_space<vmem>>) dst(%dma_wait3A_31 : memref<320x128xf32, #tpu.memory_space<vmem_shared>>)
      tpu.yield
    }) : () -> ()
    %eq3A = arith.constant 0 : i32
    %eq3A_8 = arith.cmpi eq, %arg1, %eq3A : i32
    %convert_element_type3A = arith.extui %eq3A_8 : i1 to i32
    %cond3A = arith.constant 0 : i32
    %cond3A_9 = arith.cmpi ne, %convert_element_type3A, %cond3A : i32
    scf.if %cond3A_9 {
      %broadcast_in_dim3A = arith.constant 0.000000e+00 : f32
      %broadcast_in_dim3A_26 = vector.broadcast %broadcast_in_dim3A : f32 to vector<16xf32>
      %scan3A = arith.constant 0 : i32
      %scan3A_27 = arith.constant 0 : i32
      %scan3A_28 = arith.constant 8 : i32
      %scan3A_29 = arith.addi %scan3A_27, %scan3A_28 : i32
      %scan3A_30 = arith.constant 1 : i32
      scf.for %scan3A_32 = %scan3A_27 to %scan3A_29 step %scan3A_30  : i32 {
        %swap3A = arith.index_cast %scan3A_32 : i32 to index
        %swap3A_33 = arith.constant 0 : index
        %swap3A_34 = tpu.vector_load %arg10[%swap3A, %swap3A_33] {strides = array<i32>} : memref<256x128xf32, #tpu.memory_space<vmem>>, vector<1x16xf32>,
        %swap3A_35 = vector.shape_cast %swap3A_34 : vector<1x16xf32> to vector<16xf32>
        %swap3A_36 = vector.shape_cast %broadcast_in_dim3A_26 : vector<16xf32> to vector<1x16xf32>
        tpu.vector_store %arg10[%swap3A, %swap3A_33], %swap3A_36 {strides = array<i32>} : memref<256x128xf32, #tpu.memory_space<vmem>>, vector<1x16xf32>,
        %swap3A_37 = arith.index_cast %scan3A_32 : i32 to index
        %swap3A_38 = arith.constant 16 : index
        %swap3A_39 = tpu.vector_load %arg10[%swap3A_37, %swap3A_38] {strides = array<i32>} : memref<256x128xf32, #tpu.memory_space<vmem>>, vector<1x16xf32>,
        %swap3A_40 = vector.shape_cast %swap3A_39 : vector<1x16xf32> to vector<16xf32>
        %swap3A_41 = vector.shape_cast %broadcast_in_dim3A_26 : vector<16xf32> to vector<1x16xf32>
        tpu.vector_store %arg10[%swap3A_37, %swap3A_38], %swap3A_41 {strides = array<i32>} : memref<256x128xf32, #tpu.memory_space<vmem>>, vector<1x16xf32>,
        %swap3A_42 = arith.index_cast %scan3A_32 : i32 to index
        %swap3A_43 = arith.constant 32 : index
        %swap3A_44 = tpu.vector_load %arg10[%swap3A_42, %swap3A_43] {strides = array<i32>} : memref<256x128xf32, #tpu.memory_space<vmem>>, vector<1x16xf32>,
        %swap3A_45 = vector.shape_cast %swap3A_44 : vector<1x16xf32> to vector<16xf32>
        %swap3A_46 = vector.shape_cast %broadcast_in_dim3A_26 : vector<16xf32> to vector<1x16xf32>
        tpu.vector_store %arg10[%swap3A_42, %swap3A_43], %swap3A_46 {strides = array<i32>} : memref<256x128xf32, #tpu.memory_space<vmem>>, vector<1x16xf32>,
        %swap3A_47 = arith.index_cast %scan3A_32 : i32 to index
        %swap3A_48 = arith.constant 48 : index
        %swap3A_49 = tpu.vector_load %arg10[%swap3A_47, %swap3A_48] {strides = array<i32>} : memref<256x128xf32, #tpu.memory_space<vmem>>, vector<1x16xf32>,
        %swap3A_50 = vector.shape_cast %swap3A_49 : vector<1x16xf32> to vector<16xf32>
        %swap3A_51 = vector.shape_cast %broadcast_in_dim3A_26 : vector<16xf32> to vector<1x16xf32>
        tpu.vector_store %arg10[%swap3A_47, %swap3A_48], %swap3A_51 {strides = array<i32>} : memref<256x128xf32, #tpu.memory_space<vmem>>, vector<1x16xf32>,
        %swap3A_52 = arith.index_cast %scan3A_32 : i32 to index
        %swap3A_53 = arith.constant 64 : index
        %swap3A_54 = tpu.vector_load %arg10[%swap3A_52, %swap3A_53] {strides = array<i32>} : memref<256x128xf32, #tpu.memory_space<vmem>>, vector<1x16xf32>,
        %swap3A_55 = vector.shape_cast %swap3A_54 : vector<1x16xf32> to vector<16xf32>
        %swap3A_56 = vector.shape_cast %broadcast_in_dim3A_26 : vector<16xf32> to vector<1x16xf32>
        tpu.vector_store %arg10[%swap3A_52, %swap3A_53], %swap3A_56 {strides = array<i32>} : memref<256x128xf32, #tpu.memory_space<vmem>>, vector<1x16xf32>,
        %swap3A_57 = arith.index_cast %scan3A_32 : i32 to index
        %swap3A_58 = arith.constant 80 : index
        %swap3A_59 = tpu.vector_load %arg10[%swap3A_57, %swap3A_58] {strides = array<i32>} : memref<256x128xf32, #tpu.memory_space<vmem>>, vector<1x16xf32>,
        %swap3A_60 = vector.shape_cast %swap3A_59 : vector<1x16xf32> to vector<16xf32>
        %swap3A_61 = vector.shape_cast %broadcast_in_dim3A_26 : vector<16xf32> to vector<1x16xf32>
        tpu.vector_store %arg10[%swap3A_57, %swap3A_58], %swap3A_61 {strides = array<i32>} : memref<256x128xf32, #tpu.memory_space<vmem>>, vector<1x16xf32>,
        %swap3A_62 = arith.index_cast %scan3A_32 : i32 to index
        %swap3A_63 = arith.constant 96 : index
        %swap3A_64 = tpu.vector_load %arg10[%swap3A_62, %swap3A_63] {strides = array<i32>} : memref<256x128xf32, #tpu.memory_space<vmem>>, vector<1x16xf32>,
        %swap3A_65 = vector.shape_cast %swap3A_64 : vector<1x16xf32> to vector<16xf32>
        %swap3A_66 = vector.shape_cast %broadcast_in_dim3A_26 : vector<16xf32> to vector<1x16xf32>
        tpu.vector_store %arg10[%swap3A_62, %swap3A_63], %swap3A_66 {strides = array<i32>} : memref<256x128xf32, #tpu.memory_space<vmem>>, vector<1x16xf32>,
        %swap3A_67 = arith.index_cast %scan3A_32 : i32 to index
        %swap3A_68 = arith.constant 112 : index
        %swap3A_69 = tpu.vector_load %arg10[%swap3A_67, %swap3A_68] {strides = array<i32>} : memref<256x128xf32, #tpu.memory_space<vmem>>, vector<1x16xf32>,
        %swap3A_70 = vector.shape_cast %swap3A_69 : vector<1x16xf32> to vector<16xf32>
        %swap3A_71 = vector.shape_cast %broadcast_in_dim3A_26 : vector<16xf32> to vector<1x16xf32>
        tpu.vector_store %arg10[%swap3A_67, %swap3A_68], %swap3A_71 {strides = array<i32>} : memref<256x128xf32, #tpu.memory_space<vmem>>, vector<1x16xf32>,
      }
      %scan3A_31 = arith.constant 8 : i32
      "tpu.region"() ({
        %run_scoped3A = tpu.sem_alloc : memref<!tpu.dma_semaphore, #tpu.memory_space<semaphore_mem>>
        %dma_start3A = arith.constant 0 : i32
        %dma_start3A_32 = arith.constant 0 : i32
        %dma_start3A_33 = tpu.memref_slice %arg10[%dma_start3A, %dma_start3A_32] : memref<256x128xf32, #tpu.memory_space<vmem>> -> memref<8x128xf32, #tpu.memory_space<vmem>>
        %dma_start3A_34 = arith.constant 5120 : i32
        %dma_start3A_35 = arith.constant 0 : i32
        %dma_start3A_36 = tpu.memref_slice %arg16[%dma_start3A_34, %dma_start3A_35] : memref<5128x128xf32, #tpu.memory_space<vmem_shared>> -> memref<8x128xf32, #tpu.memory_space<vmem_shared>>
        %dma_start3A_37 = arith.constant 5120 : i32
        %dma_start3A_38 = arith.constant 0 : i32
        %dma_start3A_39 = tpu.memref_slice %arg16[%dma_start3A_37, %dma_start3A_38] : memref<5128x128xf32, #tpu.memory_space<vmem_shared>> -> memref<8x128xf32, #tpu.memory_space<vmem_shared>>
        %dma_start3A_40 = arith.constant 0 : i32
        %dma_start3A_41 = arith.constant 0 : i32
        %dma_start3A_42 = tpu.memref_slice %arg10[%dma_start3A_40, %dma_start3A_41] : memref<256x128xf32, #tpu.memory_space<vmem>> -> memref<8x128xf32, #tpu.memory_space<vmem>>
        tpu.enqueue_dma source(%dma_start3A_42 : memref<8x128xf32, #tpu.memory_space<vmem>>) target(%dma_start3A_39 : memref<8x128xf32, #tpu.memory_space<vmem_shared>>) target_semaphore(%run_scoped3A : memref<!tpu.dma_semaphore, #tpu.memory_space<semaphore_mem>>)
        %dma_wait3A = arith.constant 0 : i32
        %dma_wait3A_43 = arith.constant 0 : i32
        %dma_wait3A_44 = tpu.memref_slice %arg10[%dma_wait3A, %dma_wait3A_43] : memref<256x128xf32, #tpu.memory_space<vmem>> -> memref<8x128xf32, #tpu.memory_space<vmem>>
        %dma_wait3A_45 = arith.constant 5120 : i32
        %dma_wait3A_46 = arith.constant 0 : i32
        %dma_wait3A_47 = tpu.memref_slice %arg16[%dma_wait3A_45, %dma_wait3A_46] : memref<5128x128xf32, #tpu.memory_space<vmem_shared>> -> memref<8x128xf32, #tpu.memory_space<vmem_shared>>
        %dma_wait3A_48 = arith.constant 5120 : i32
        %dma_wait3A_49 = arith.constant 0 : i32
        %dma_wait3A_50 = tpu.memref_slice %arg16[%dma_wait3A_48, %dma_wait3A_49] : memref<5128x128xf32, #tpu.memory_space<vmem_shared>> -> memref<8x128xf32, #tpu.memory_space<vmem_shared>>
        %dma_wait3A_51 = arith.constant 0 : i32
        %dma_wait3A_52 = arith.constant 0 : i32
        %dma_wait3A_53 = tpu.memref_slice %arg10[%dma_wait3A_51, %dma_wait3A_52] : memref<256x128xf32, #tpu.memory_space<vmem>> -> memref<8x128xf32, #tpu.memory_space<vmem>>
        tpu.wait_dma2 semaphore(%run_scoped3A : memref<!tpu.dma_semaphore, #tpu.memory_space<semaphore_mem>>) src(%dma_wait3A_53 : memref<8x128xf32, #tpu.memory_space<vmem>>) dst(%dma_wait3A_50 : memref<8x128xf32, #tpu.memory_space<vmem_shared>>)
        tpu.yield
      }) : () -> ()
    } else {
    }
    %barrier3A = arith.constant 0 : index
    tpu.barrier barrier_id(%barrier3A)
    "tpu.region"() ({
      %run_scoped3A = tpu.sem_alloc : memref<!tpu.dma_semaphore, #tpu.memory_space<semaphore_mem>>
      %dma_start3A = arith.constant 0 : i32
      %dma_start3A_26 = tpu.memref_slice %arg12[%dma_start3A] : memref<48xi32, #tpu.memory_space<vmem>> -> memref<32xi32, #tpu.memory_space<vmem>>
      %dma_start3A_27 = arith.constant 0 : i32
      %dma_start3A_28 = tpu.memref_slice %arg12[%dma_start3A_27] : memref<48xi32, #tpu.memory_space<vmem>> -> memref<32xi32, #tpu.memory_space<vmem>>
      tpu.enqueue_dma source(%arg6 : memref<32xi32, #tpu.memory_space<hbm>>) target(%dma_start3A_28 : memref<32xi32, #tpu.memory_space<vmem>>) target_semaphore(%run_scoped3A : memref<!tpu.dma_semaphore, #tpu.memory_space<semaphore_mem>>)
      %dma_wait3A = arith.constant 0 : i32
      %dma_wait3A_29 = tpu.memref_slice %arg12[%dma_wait3A] : memref<48xi32, #tpu.memory_space<vmem>> -> memref<32xi32, #tpu.memory_space<vmem>>
      %dma_wait3A_30 = arith.constant 0 : i32
      %dma_wait3A_31 = tpu.memref_slice %arg12[%dma_wait3A_30] : memref<48xi32, #tpu.memory_space<vmem>> -> memref<32xi32, #tpu.memory_space<vmem>>
      tpu.wait_dma2 semaphore(%run_scoped3A : memref<!tpu.dma_semaphore, #tpu.memory_space<semaphore_mem>>) src(%arg6 : memref<32xi32, #tpu.memory_space<hbm>>) dst(%dma_wait3A_31 : memref<32xi32, #tpu.memory_space<vmem>>)
      tpu.yield
    }) : () -> ()
    "tpu.region"() ({
      %run_scoped3A = tpu.sem_alloc : memref<!tpu.dma_semaphore, #tpu.memory_space<semaphore_mem>>
      %dma_start3A = arith.constant 0 : i32
      %dma_start3A_26 = tpu.memref_slice %arg13[%dma_start3A] : memref<48xi32, #tpu.memory_space<vmem>> -> memref<32xi32, #tpu.memory_space<vmem>>
      %dma_start3A_27 = arith.constant 0 : i32
      %dma_start3A_28 = tpu.memref_slice %arg13[%dma_start3A_27] : memref<48xi32, #tpu.memory_space<vmem>> -> memref<32xi32, #tpu.memory_space<vmem>>
      tpu.enqueue_dma source(%arg7 : memref<32xi32, #tpu.memory_space<hbm>>) target(%dma_start3A_28 : memref<32xi32, #tpu.memory_space<vmem>>) target_semaphore(%run_scoped3A : memref<!tpu.dma_semaphore, #tpu.memory_space<semaphore_mem>>)
      %dma_wait3A = arith.constant 0 : i32
      %dma_wait3A_29 = tpu.memref_slice %arg13[%dma_wait3A] : memref<48xi32, #tpu.memory_space<vmem>> -> memref<32xi32, #tpu.memory_space<vmem>>
      %dma_wait3A_30 = arith.constant 0 : i32
      %dma_wait3A_31 = tpu.memref_slice %arg13[%dma_wait3A_30] : memref<48xi32, #tpu.memory_space<vmem>> -> memref<32xi32, #tpu.memory_space<vmem>>
      tpu.wait_dma2 semaphore(%run_scoped3A : memref<!tpu.dma_semaphore, #tpu.memory_space<semaphore_mem>>) src(%arg7 : memref<32xi32, #tpu.memory_space<hbm>>) dst(%dma_wait3A_31 : memref<32xi32, #tpu.memory_space<vmem>>)
      tpu.yield
    }) : () -> ()
    %get3A = arith.index_cast %add3A : i32 to index
    %get3A_10 = tpu.vector_load %arg12[%get3A] {strides = array<i32>} : memref<48xi32, #tpu.memory_space<vmem>>, vector<16xi32>,
    %get3A_11 = vector.shape_cast %get3A_10 : vector<16xi32> to vector<16xi32>
    %slice3A = vector.extract_strided_slice %get3A_11 {offsets = [0], sizes = [1], strides = [1]} : vector<16xi32> to vector<1xi32>
    %squeeze3A = vector.extract %slice3A[0] : i32 from vector<1xi32>
    %get3A_12 = arith.index_cast %add3A : i32 to index
    %get3A_13 = tpu.vector_load %arg13[%get3A_12] {strides = array<i32>} : memref<48xi32, #tpu.memory_space<vmem>>, vector<16xi32>,
    %get3A_14 = vector.shape_cast %get3A_13 : vector<16xi32> to vector<16xi32>
    %slice3A_15 = vector.extract_strided_slice %get3A_14 {offsets = [0], sizes = [1], strides = [1]} : vector<16xi32> to vector<1xi32>
    %squeeze3A_16 = vector.extract %slice3A_15[0] : i32 from vector<1xi32>
    %while3A = arith.constant 0 : i32
    %while3A_17 = arith.constant 0 : i32
    %while3A_18 = arith.subi %squeeze3A_16, %while3A_17 : i32
    %while3A_19 = arith.addi %while3A_17, %while3A_18 : i32
    %while3A_20 = arith.constant 1 : i32
    %while3A_21 = arith.divsi %while3A_18, %while3A_20 : i32
    %while3A_22 = arith.muli %while3A_21, %while3A_20 : i32
    %while3A_23 = arith.addi %while3A_17, %while3A_22 : i32
    %while3A_24 = arith.constant 1 : i32
    scf.for %while3A_26 = %while3A_17 to %while3A_23 step %while3A_24  : i32 {
      %add3A_27 = arith.addi %squeeze3A, %while3A_26 : i32
      %mul3A_28 = arith.constant 256 : i32
      %mul3A_29 = arith.muli %add3A_27, %mul3A_28 : i32
      "tpu.region"() ({
        %run_scoped3A = tpu.sem_alloc : memref<!tpu.dma_semaphore, #tpu.memory_space<semaphore_mem>>
        %dma_start3A_34 = tpu.memref_slice %arg5[%mul3A_29] : memref<552960xi32, #tpu.memory_space<hbm>> -> memref<256xi32, #tpu.memory_space<hbm>>
        %dma_start3A_35 = tpu.memref_slice %arg5[%mul3A_29] : memref<552960xi32, #tpu.memory_space<hbm>> -> memref<256xi32, #tpu.memory_space<hbm>>
        tpu.enqueue_dma source(%dma_start3A_35 : memref<256xi32, #tpu.memory_space<hbm>>) target(%arg9 : memref<256xi32, #tpu.memory_space<vmem>>) target_semaphore(%run_scoped3A : memref<!tpu.dma_semaphore, #tpu.memory_space<semaphore_mem>>)
        %dma_wait3A_36 = tpu.memref_slice %arg5[%mul3A_29] : memref<552960xi32, #tpu.memory_space<hbm>> -> memref<256xi32, #tpu.memory_space<hbm>>
        %dma_wait3A_37 = tpu.memref_slice %arg5[%mul3A_29] : memref<552960xi32, #tpu.memory_space<hbm>> -> memref<256xi32, #tpu.memory_space<hbm>>
        tpu.wait_dma2 semaphore(%run_scoped3A : memref<!tpu.dma_semaphore, #tpu.memory_space<semaphore_mem>>) src(%dma_wait3A_37 : memref<256xi32, #tpu.memory_space<hbm>>) dst(%arg9 : memref<256xi32, #tpu.memory_space<vmem>>)
        tpu.yield
      }) : () -> ()
      %dma_start3A = arith.constant 0 : i32
      %dma_start3A_30 = arith.constant 0 : i32
      %dma_start3A_31 = tpu.memref_slice %arg16[%dma_start3A, %dma_start3A_30] : memref<5128x128xf32, #tpu.memory_space<vmem_shared>> -> memref<5128x128xf32, #tpu.memory_space<vmem_shared>>
      tpu.enqueue_indirect_dma source(%dma_start3A_31 : memref<5128x128xf32, #tpu.memory_space<vmem_shared>>) target(%arg10 : memref<256x128xf32, #tpu.memory_space<vmem>>) offsets(%arg9 : memref<256xi32, #tpu.memory_space<vmem>>) semaphore(%arg17 : memref<!tpu.dma_semaphore, #tpu.memory_space<semaphore_mem>>)
      %dma_wait3A = arith.constant 0 : i32
      %dma_wait3A_32 = arith.constant 0 : i32
      %dma_wait3A_33 = tpu.memref_slice %arg16[%dma_wait3A, %dma_wait3A_32] : memref<5128x128xf32, #tpu.memory_space<vmem_shared>> -> memref<5128x128xf32, #tpu.memory_space<vmem_shared>>
      tpu.wait_indirect_dma semaphore(%arg17 : memref<!tpu.dma_semaphore, #tpu.memory_space<semaphore_mem>>) src(%dma_wait3A_33 : memref<5128x128xf32, #tpu.memory_space<vmem_shared>>) dst(%arg10 : memref<256x128xf32, #tpu.memory_space<vmem>>)
      "tpu.region"() ({
        %run_scoped3A = tpu.sem_alloc : memref<!tpu.dma_semaphore, #tpu.memory_space<semaphore_mem>>
        %dma_start3A_34 = arith.constant 0 : i32
        %dma_start3A_35 = tpu.memref_slice %arg8[%mul3A_29, %dma_start3A_34] : memref<552960x128xf32, #tpu.memory_space<hbm>> -> memref<256x128xf32, #tpu.memory_space<hbm>>
        %dma_start3A_36 = arith.constant 0 : i32
        %dma_start3A_37 = tpu.memref_slice %arg8[%mul3A_29, %dma_start3A_36] : memref<552960x128xf32, #tpu.memory_space<hbm>> -> memref<256x128xf32, #tpu.memory_space<hbm>>
        tpu.enqueue_dma source(%arg10 : memref<256x128xf32, #tpu.memory_space<vmem>>) target(%dma_start3A_37 : memref<256x128xf32, #tpu.memory_space<hbm>>) target_semaphore(%run_scoped3A : memref<!tpu.dma_semaphore, #tpu.memory_space<semaphore_mem>>)
        %dma_wait3A_38 = arith.constant 0 : i32
        %dma_wait3A_39 = tpu.memref_slice %arg8[%mul3A_29, %dma_wait3A_38] : memref<552960x128xf32, #tpu.memory_space<hbm>> -> memref<256x128xf32, #tpu.memory_space<hbm>>
        %dma_wait3A_40 = arith.constant 0 : i32
        %dma_wait3A_41 = tpu.memref_slice %arg8[%mul3A_29, %dma_wait3A_40] : memref<552960x128xf32, #tpu.memory_space<hbm>> -> memref<256x128xf32, #tpu.memory_space<hbm>>
        tpu.wait_dma2 semaphore(%run_scoped3A : memref<!tpu.dma_semaphore, #tpu.memory_space<semaphore_mem>>) src(%arg10 : memref<256x128xf32, #tpu.memory_space<vmem>>) dst(%dma_wait3A_41 : memref<256x128xf32, #tpu.memory_space<hbm>>)
        tpu.yield
      }) : () -> ()
    }
    %while3A_25 = arith.constant 1 : i32
    scf.for %while3A_26 = %while3A_23 to %while3A_19 step %while3A_25  : i32 {
      %add3A_27 = arith.addi %squeeze3A, %while3A_26 : i32
      %mul3A_28 = arith.constant 256 : i32
      %mul3A_29 = arith.muli %add3A_27, %mul3A_28 : i32
      "tpu.region"() ({
        %run_scoped3A = tpu.sem_alloc : memref<!tpu.dma_semaphore, #tpu.memory_space<semaphore_mem>>
        %dma_start3A_34 = tpu.memref_slice %arg5[%mul3A_29] : memref<552960xi32, #tpu.memory_space<hbm>> -> memref<256xi32, #tpu.memory_space<hbm>>
        %dma_start3A_35 = tpu.memref_slice %arg5[%mul3A_29] : memref<552960xi32, #tpu.memory_space<hbm>> -> memref<256xi32, #tpu.memory_space<hbm>>
        tpu.enqueue_dma source(%dma_start3A_35 : memref<256xi32, #tpu.memory_space<hbm>>) target(%arg9 : memref<256xi32, #tpu.memory_space<vmem>>) target_semaphore(%run_scoped3A : memref<!tpu.dma_semaphore, #tpu.memory_space<semaphore_mem>>)
        %dma_wait3A_36 = tpu.memref_slice %arg5[%mul3A_29] : memref<552960xi32, #tpu.memory_space<hbm>> -> memref<256xi32, #tpu.memory_space<hbm>>
        %dma_wait3A_37 = tpu.memref_slice %arg5[%mul3A_29] : memref<552960xi32, #tpu.memory_space<hbm>> -> memref<256xi32, #tpu.memory_space<hbm>>
        tpu.wait_dma2 semaphore(%run_scoped3A : memref<!tpu.dma_semaphore, #tpu.memory_space<semaphore_mem>>) src(%dma_wait3A_37 : memref<256xi32, #tpu.memory_space<hbm>>) dst(%arg9 : memref<256xi32, #tpu.memory_space<vmem>>)
        tpu.yield
      }) : () -> ()
      %dma_start3A = arith.constant 0 : i32
      %dma_start3A_30 = arith.constant 0 : i32
      %dma_start3A_31 = tpu.memref_slice %arg16[%dma_start3A, %dma_start3A_30] : memref<5128x128xf32, #tpu.memory_space<vmem_shared>> -> memref<5128x128xf32, #tpu.memory_space<vmem_shared>>
      tpu.enqueue_indirect_dma source(%dma_start3A_31 : memref<5128x128xf32, #tpu.memory_space<vmem_shared>>) target(%arg10 : memref<256x128xf32, #tpu.memory_space<vmem>>) offsets(%arg9 : memref<256xi32, #tpu.memory_space<vmem>>) semaphore(%arg17 : memref<!tpu.dma_semaphore, #tpu.memory_space<semaphore_mem>>)
      %dma_wait3A = arith.constant 0 : i32
      %dma_wait3A_32 = arith.constant 0 : i32
      %dma_wait3A_33 = tpu.memref_slice %arg16[%dma_wait3A, %dma_wait3A_32] : memref<5128x128xf32, #tpu.memory_space<vmem_shared>> -> memref<5128x128xf32, #tpu.memory_space<vmem_shared>>
      tpu.wait_indirect_dma semaphore(%arg17 : memref<!tpu.dma_semaphore, #tpu.memory_space<semaphore_mem>>) src(%dma_wait3A_33 : memref<5128x128xf32, #tpu.memory_space<vmem_shared>>) dst(%arg10 : memref<256x128xf32, #tpu.memory_space<vmem>>)
      "tpu.region"() ({
        %run_scoped3A = tpu.sem_alloc : memref<!tpu.dma_semaphore, #tpu.memory_space<semaphore_mem>>
        %dma_start3A_34 = arith.constant 0 : i32
        %dma_start3A_35 = tpu.memref_slice %arg8[%mul3A_29, %dma_start3A_34] : memref<552960x128xf32, #tpu.memory_space<hbm>> -> memref<256x128xf32, #tpu.memory_space<hbm>>
        %dma_start3A_36 = arith.constant 0 : i32
        %dma_start3A_37 = tpu.memref_slice %arg8[%mul3A_29, %dma_start3A_36] : memref<552960x128xf32, #tpu.memory_space<hbm>> -> memref<256x128xf32, #tpu.memory_space<hbm>>
        tpu.enqueue_dma source(%arg10 : memref<256x128xf32, #tpu.memory_space<vmem>>) target(%dma_start3A_37 : memref<256x128xf32, #tpu.memory_space<hbm>>) target_semaphore(%run_scoped3A : memref<!tpu.dma_semaphore, #tpu.memory_space<semaphore_mem>>)
        %dma_wait3A_38 = arith.constant 0 : i32
        %dma_wait3A_39 = tpu.memref_slice %arg8[%mul3A_29, %dma_wait3A_38] : memref<552960x128xf32, #tpu.memory_space<hbm>> -> memref<256x128xf32, #tpu.memory_space<hbm>>
        %dma_wait3A_40 = arith.constant 0 : i32
        %dma_wait3A_41 = tpu.memref_slice %arg8[%mul3A_29, %dma_wait3A_40] : memref<552960x128xf32, #tpu.memory_space<hbm>> -> memref<256x128xf32, #tpu.memory_space<hbm>>
        tpu.wait_dma2 semaphore(%run_scoped3A : memref<!tpu.dma_semaphore, #tpu.memory_space<semaphore_mem>>) src(%arg10 : memref<256x128xf32, #tpu.memory_space<vmem>>) dst(%dma_wait3A_41 : memref<256x128xf32, #tpu.memory_space<hbm>>)
        tpu.yield
      }) : () -> ()
    }
    return
  }
}

#map = affine_map<(d0, d1) -> (0, 0)>
#map1 = affine_map<(d0, d1) -> (0)>
#map2 = affine_map<(d0, d1) -> (0, 0, 0)>
module attributes {stable_mosaic.version = 14 : i64} {
  func.func @k(%arg0: i32, %arg1: i32, %arg2: memref<552960x128xf32, #tpu.memory_space<hbm>>, %arg3: memref<552960xi32, #tpu.memory_space<hbm>>, %arg4: memref<32xi32, #tpu.memory_space<hbm>>, %arg5: memref<32xi32, #tpu.memory_space<hbm>>, %arg6: memref<32xi32, #tpu.memory_space<hbm>>, %arg7: memref<32xi32, #tpu.memory_space<hbm>>, %arg8: memref<320x128xf32, #tpu.memory_space<hbm>>, %arg9: memref<10240x128xf32, #tpu.memory_space<hbm>>, %arg10: memref<32x2x128xf32, #tpu.memory_space<hbm>>, %arg11: memref<256xi32, #tpu.memory_space<vmem>>, %arg12: memref<256x128xf32, #tpu.memory_space<vmem>>, %arg13: memref<320x128xf32, #tpu.memory_space<vmem>>, %arg14: memref<2x128xf32, #tpu.memory_space<vmem>>, %arg15: memref<48xi32, #tpu.memory_space<vmem>>, %arg16: memref<48xi32, #tpu.memory_space<vmem>>, %arg17: memref<48xi32, #tpu.memory_space<vmem>>, %arg18: memref<48xi32, #tpu.memory_space<vmem>>, %arg19: memref<5120x128xf32, #tpu.memory_space<vmem_shared>>, %arg20: memref<!tpu.dma_semaphore, #tpu.memory_space<semaphore_mem>>) attributes {dimension_semantics = [#tpu.dimension_semantics<core_parallel>, #tpu.dimension_semantics<subcore_parallel>], iteration_bounds = array<i64: 2, 16>, scalar_prefetch = 0 : i64, scratch_operands = 10 : i64, tpu.core_type = #tpu.core_type<sc_vector_subcore>, window_params = [{transform_indices = #map}, {transform_indices = #map1}, {transform_indices = #map1}, {transform_indices = #map1}, {transform_indices = #map1}, {transform_indices = #map1}, {transform_indices = #map}, {transform_indices = #map}, {transform_indices = #map2}]} {
    %mul3A = arith.constant 2 : i32
    %mul3A_0 = arith.muli %arg1, %mul3A : i32
    %add3A = arith.addi %mul3A_0, %arg0 : i32
    "tpu.region"() ({
      %run_scoped3A = tpu.sem_alloc : memref<!tpu.dma_semaphore, #tpu.memory_space<semaphore_mem>>
      tpu.enqueue_dma source(%arg8 : memref<320x128xf32, #tpu.memory_space<hbm>>) target(%arg13 : memref<320x128xf32, #tpu.memory_space<vmem>>) target_semaphore(%run_scoped3A : memref<!tpu.dma_semaphore, #tpu.memory_space<semaphore_mem>>)
      tpu.wait_dma2 semaphore(%run_scoped3A : memref<!tpu.dma_semaphore, #tpu.memory_space<semaphore_mem>>) src(%arg8 : memref<320x128xf32, #tpu.memory_space<hbm>>) dst(%arg13 : memref<320x128xf32, #tpu.memory_space<vmem>>)
      tpu.yield
    }) : () -> ()
    %mul3A_1 = arith.constant 320 : i32
    %mul3A_2 = arith.muli %arg1, %mul3A_1 : i32
    "tpu.region"() ({
      %run_scoped3A = tpu.sem_alloc : memref<!tpu.dma_semaphore, #tpu.memory_space<semaphore_mem>>
      %dma_start3A = arith.constant 0 : i32
      %dma_start3A_148 = tpu.memref_slice %arg19[%mul3A_2, %dma_start3A] : memref<5120x128xf32, #tpu.memory_space<vmem_shared>> -> memref<320x128xf32, #tpu.memory_space<vmem_shared>>
      %dma_start3A_149 = arith.constant 0 : i32
      %dma_start3A_150 = tpu.memref_slice %arg19[%mul3A_2, %dma_start3A_149] : memref<5120x128xf32, #tpu.memory_space<vmem_shared>> -> memref<320x128xf32, #tpu.memory_space<vmem_shared>>
      tpu.enqueue_dma source(%arg13 : memref<320x128xf32, #tpu.memory_space<vmem>>) target(%dma_start3A_150 : memref<320x128xf32, #tpu.memory_space<vmem_shared>>) target_semaphore(%run_scoped3A : memref<!tpu.dma_semaphore, #tpu.memory_space<semaphore_mem>>)
      %dma_wait3A = arith.constant 0 : i32
      %dma_wait3A_151 = tpu.memref_slice %arg19[%mul3A_2, %dma_wait3A] : memref<5120x128xf32, #tpu.memory_space<vmem_shared>> -> memref<320x128xf32, #tpu.memory_space<vmem_shared>>
      %dma_wait3A_152 = arith.constant 0 : i32
      %dma_wait3A_153 = tpu.memref_slice %arg19[%mul3A_2, %dma_wait3A_152] : memref<5120x128xf32, #tpu.memory_space<vmem_shared>> -> memref<320x128xf32, #tpu.memory_space<vmem_shared>>
      tpu.wait_dma2 semaphore(%run_scoped3A : memref<!tpu.dma_semaphore, #tpu.memory_space<semaphore_mem>>) src(%arg13 : memref<320x128xf32, #tpu.memory_space<vmem>>) dst(%dma_wait3A_153 : memref<320x128xf32, #tpu.memory_space<vmem_shared>>)
      tpu.yield
    }) : () -> ()
    %barrier3A = arith.constant 0 : index
    tpu.barrier barrier_id(%barrier3A)
    "tpu.region"() ({
      %run_scoped3A = tpu.sem_alloc : memref<!tpu.dma_semaphore, #tpu.memory_space<semaphore_mem>>
      %dma_start3A = arith.constant 0 : i32
      %dma_start3A_148 = tpu.memref_slice %arg15[%dma_start3A] : memref<48xi32, #tpu.memory_space<vmem>> -> memref<32xi32, #tpu.memory_space<vmem>>
      %dma_start3A_149 = arith.constant 0 : i32
      %dma_start3A_150 = tpu.memref_slice %arg15[%dma_start3A_149] : memref<48xi32, #tpu.memory_space<vmem>> -> memref<32xi32, #tpu.memory_space<vmem>>
      tpu.enqueue_dma source(%arg4 : memref<32xi32, #tpu.memory_space<hbm>>) target(%dma_start3A_150 : memref<32xi32, #tpu.memory_space<vmem>>) target_semaphore(%run_scoped3A : memref<!tpu.dma_semaphore, #tpu.memory_space<semaphore_mem>>)
      %dma_wait3A = arith.constant 0 : i32
      %dma_wait3A_151 = tpu.memref_slice %arg15[%dma_wait3A] : memref<48xi32, #tpu.memory_space<vmem>> -> memref<32xi32, #tpu.memory_space<vmem>>
      %dma_wait3A_152 = arith.constant 0 : i32
      %dma_wait3A_153 = tpu.memref_slice %arg15[%dma_wait3A_152] : memref<48xi32, #tpu.memory_space<vmem>> -> memref<32xi32, #tpu.memory_space<vmem>>
      tpu.wait_dma2 semaphore(%run_scoped3A : memref<!tpu.dma_semaphore, #tpu.memory_space<semaphore_mem>>) src(%arg4 : memref<32xi32, #tpu.memory_space<hbm>>) dst(%dma_wait3A_153 : memref<32xi32, #tpu.memory_space<vmem>>)
      tpu.yield
    }) : () -> ()
    "tpu.region"() ({
      %run_scoped3A = tpu.sem_alloc : memref<!tpu.dma_semaphore, #tpu.memory_space<semaphore_mem>>
      %dma_start3A = arith.constant 0 : i32
      %dma_start3A_148 = tpu.memref_slice %arg16[%dma_start3A] : memref<48xi32, #tpu.memory_space<vmem>> -> memref<32xi32, #tpu.memory_space<vmem>>
      %dma_start3A_149 = arith.constant 0 : i32
      %dma_start3A_150 = tpu.memref_slice %arg16[%dma_start3A_149] : memref<48xi32, #tpu.memory_space<vmem>> -> memref<32xi32, #tpu.memory_space<vmem>>
      tpu.enqueue_dma source(%arg5 : memref<32xi32, #tpu.memory_space<hbm>>) target(%dma_start3A_150 : memref<32xi32, #tpu.memory_space<vmem>>) target_semaphore(%run_scoped3A : memref<!tpu.dma_semaphore, #tpu.memory_space<semaphore_mem>>)
      %dma_wait3A = arith.constant 0 : i32
      %dma_wait3A_151 = tpu.memref_slice %arg16[%dma_wait3A] : memref<48xi32, #tpu.memory_space<vmem>> -> memref<32xi32, #tpu.memory_space<vmem>>
      %dma_wait3A_152 = arith.constant 0 : i32
      %dma_wait3A_153 = tpu.memref_slice %arg16[%dma_wait3A_152] : memref<48xi32, #tpu.memory_space<vmem>> -> memref<32xi32, #tpu.memory_space<vmem>>
      tpu.wait_dma2 semaphore(%run_scoped3A : memref<!tpu.dma_semaphore, #tpu.memory_space<semaphore_mem>>) src(%arg5 : memref<32xi32, #tpu.memory_space<hbm>>) dst(%dma_wait3A_153 : memref<32xi32, #tpu.memory_space<vmem>>)
      tpu.yield
    }) : () -> ()
    "tpu.region"() ({
      %run_scoped3A = tpu.sem_alloc : memref<!tpu.dma_semaphore, #tpu.memory_space<semaphore_mem>>
      %dma_start3A = arith.constant 0 : i32
      %dma_start3A_148 = tpu.memref_slice %arg17[%dma_start3A] : memref<48xi32, #tpu.memory_space<vmem>> -> memref<32xi32, #tpu.memory_space<vmem>>
      %dma_start3A_149 = arith.constant 0 : i32
      %dma_start3A_150 = tpu.memref_slice %arg17[%dma_start3A_149] : memref<48xi32, #tpu.memory_space<vmem>> -> memref<32xi32, #tpu.memory_space<vmem>>
      tpu.enqueue_dma source(%arg6 : memref<32xi32, #tpu.memory_space<hbm>>) target(%dma_start3A_150 : memref<32xi32, #tpu.memory_space<vmem>>) target_semaphore(%run_scoped3A : memref<!tpu.dma_semaphore, #tpu.memory_space<semaphore_mem>>)
      %dma_wait3A = arith.constant 0 : i32
      %dma_wait3A_151 = tpu.memref_slice %arg17[%dma_wait3A] : memref<48xi32, #tpu.memory_space<vmem>> -> memref<32xi32, #tpu.memory_space<vmem>>
      %dma_wait3A_152 = arith.constant 0 : i32
      %dma_wait3A_153 = tpu.memref_slice %arg17[%dma_wait3A_152] : memref<48xi32, #tpu.memory_space<vmem>> -> memref<32xi32, #tpu.memory_space<vmem>>
      tpu.wait_dma2 semaphore(%run_scoped3A : memref<!tpu.dma_semaphore, #tpu.memory_space<semaphore_mem>>) src(%arg6 : memref<32xi32, #tpu.memory_space<hbm>>) dst(%dma_wait3A_153 : memref<32xi32, #tpu.memory_space<vmem>>)
      tpu.yield
    }) : () -> ()
    "tpu.region"() ({
      %run_scoped3A = tpu.sem_alloc : memref<!tpu.dma_semaphore, #tpu.memory_space<semaphore_mem>>
      %dma_start3A = arith.constant 0 : i32
      %dma_start3A_148 = tpu.memref_slice %arg18[%dma_start3A] : memref<48xi32, #tpu.memory_space<vmem>> -> memref<32xi32, #tpu.memory_space<vmem>>
      %dma_start3A_149 = arith.constant 0 : i32
      %dma_start3A_150 = tpu.memref_slice %arg18[%dma_start3A_149] : memref<48xi32, #tpu.memory_space<vmem>> -> memref<32xi32, #tpu.memory_space<vmem>>
      tpu.enqueue_dma source(%arg7 : memref<32xi32, #tpu.memory_space<hbm>>) target(%dma_start3A_150 : memref<32xi32, #tpu.memory_space<vmem>>) target_semaphore(%run_scoped3A : memref<!tpu.dma_semaphore, #tpu.memory_space<semaphore_mem>>)
      %dma_wait3A = arith.constant 0 : i32
      %dma_wait3A_151 = tpu.memref_slice %arg18[%dma_wait3A] : memref<48xi32, #tpu.memory_space<vmem>> -> memref<32xi32, #tpu.memory_space<vmem>>
      %dma_wait3A_152 = arith.constant 0 : i32
      %dma_wait3A_153 = tpu.memref_slice %arg18[%dma_wait3A_152] : memref<48xi32, #tpu.memory_space<vmem>> -> memref<32xi32, #tpu.memory_space<vmem>>
      tpu.wait_dma2 semaphore(%run_scoped3A : memref<!tpu.dma_semaphore, #tpu.memory_space<semaphore_mem>>) src(%arg7 : memref<32xi32, #tpu.memory_space<hbm>>) dst(%dma_wait3A_153 : memref<32xi32, #tpu.memory_space<vmem>>)
      tpu.yield
    }) : () -> ()
    %get3A = arith.index_cast %add3A : i32 to index
    %get3A_3 = tpu.vector_load %arg15[%get3A] {strides = array<i32>} : memref<48xi32, #tpu.memory_space<vmem>>, vector<16xi32>,
    %get3A_4 = vector.shape_cast %get3A_3 : vector<16xi32> to vector<16xi32>
    %slice3A = vector.extract_strided_slice %get3A_4 {offsets = [0], sizes = [1], strides = [1]} : vector<16xi32> to vector<1xi32>
    %squeeze3A = vector.extract %slice3A[0] : i32 from vector<1xi32>
    %get3A_5 = arith.index_cast %add3A : i32 to index
    %get3A_6 = tpu.vector_load %arg16[%get3A_5] {strides = array<i32>} : memref<48xi32, #tpu.memory_space<vmem>>, vector<16xi32>,
    %get3A_7 = vector.shape_cast %get3A_6 : vector<16xi32> to vector<16xi32>
    %slice3A_8 = vector.extract_strided_slice %get3A_7 {offsets = [0], sizes = [1], strides = [1]} : vector<16xi32> to vector<1xi32>
    %squeeze3A_9 = vector.extract %slice3A_8[0] : i32 from vector<1xi32>
    %while3A = arith.constant 0 : i32
    %while3A_10 = arith.constant 0 : i32
    %while3A_11 = arith.subi %squeeze3A_9, %while3A_10 : i32
    %while3A_12 = arith.addi %while3A_10, %while3A_11 : i32
    %while3A_13 = arith.constant 1 : i32
    %while3A_14 = arith.divsi %while3A_11, %while3A_13 : i32
    %while3A_15 = arith.muli %while3A_14, %while3A_13 : i32
    %while3A_16 = arith.addi %while3A_10, %while3A_15 : i32
    %while3A_17 = arith.constant 1 : i32
    scf.for %while3A_148 = %while3A_10 to %while3A_16 step %while3A_17  : i32 {
      %add3A_149 = arith.addi %squeeze3A, %while3A_148 : i32
      %mul3A_150 = arith.constant 256 : i32
      %mul3A_151 = arith.muli %add3A_149, %mul3A_150 : i32
      "tpu.region"() ({
        %run_scoped3A = tpu.sem_alloc : memref<!tpu.dma_semaphore, #tpu.memory_space<semaphore_mem>>
        %dma_start3A = arith.constant 0 : i32
        %dma_start3A_152 = tpu.memref_slice %arg2[%mul3A_151, %dma_start3A] : memref<552960x128xf32, #tpu.memory_space<hbm>> -> memref<256x128xf32, #tpu.memory_space<hbm>>
        %dma_start3A_153 = arith.constant 0 : i32
        %dma_start3A_154 = tpu.memref_slice %arg2[%mul3A_151, %dma_start3A_153] : memref<552960x128xf32, #tpu.memory_space<hbm>> -> memref<256x128xf32, #tpu.memory_space<hbm>>
        tpu.enqueue_dma source(%dma_start3A_154 : memref<256x128xf32, #tpu.memory_space<hbm>>) target(%arg12 : memref<256x128xf32, #tpu.memory_space<vmem>>) target_semaphore(%run_scoped3A : memref<!tpu.dma_semaphore, #tpu.memory_space<semaphore_mem>>)
        %dma_wait3A = arith.constant 0 : i32
        %dma_wait3A_155 = tpu.memref_slice %arg2[%mul3A_151, %dma_wait3A] : memref<552960x128xf32, #tpu.memory_space<hbm>> -> memref<256x128xf32, #tpu.memory_space<hbm>>
        %dma_wait3A_156 = arith.constant 0 : i32
        %dma_wait3A_157 = tpu.memref_slice %arg2[%mul3A_151, %dma_wait3A_156] : memref<552960x128xf32, #tpu.memory_space<hbm>> -> memref<256x128xf32, #tpu.memory_space<hbm>>
        tpu.wait_dma2 semaphore(%run_scoped3A : memref<!tpu.dma_semaphore, #tpu.memory_space<semaphore_mem>>) src(%dma_wait3A_157 : memref<256x128xf32, #tpu.memory_space<hbm>>) dst(%arg12 : memref<256x128xf32, #tpu.memory_space<vmem>>)
        tpu.yield
      }) : () -> ()
      "tpu.region"() ({
        %run_scoped3A = tpu.sem_alloc : memref<!tpu.dma_semaphore, #tpu.memory_space<semaphore_mem>>
        %dma_start3A = tpu.memref_slice %arg3[%mul3A_151] : memref<552960xi32, #tpu.memory_space<hbm>> -> memref<256xi32, #tpu.memory_space<hbm>>
        %dma_start3A_152 = tpu.memref_slice %arg3[%mul3A_151] : memref<552960xi32, #tpu.memory_space<hbm>> -> memref<256xi32, #tpu.memory_space<hbm>>
        tpu.enqueue_dma source(%dma_start3A_152 : memref<256xi32, #tpu.memory_space<hbm>>) target(%arg11 : memref<256xi32, #tpu.memory_space<vmem>>) target_semaphore(%run_scoped3A : memref<!tpu.dma_semaphore, #tpu.memory_space<semaphore_mem>>)
        %dma_wait3A = tpu.memref_slice %arg3[%mul3A_151] : memref<552960xi32, #tpu.memory_space<hbm>> -> memref<256xi32, #tpu.memory_space<hbm>>
        %dma_wait3A_153 = tpu.memref_slice %arg3[%mul3A_151] : memref<552960xi32, #tpu.memory_space<hbm>> -> memref<256xi32, #tpu.memory_space<hbm>>
        tpu.wait_dma2 semaphore(%run_scoped3A : memref<!tpu.dma_semaphore, #tpu.memory_space<semaphore_mem>>) src(%dma_wait3A_153 : memref<256xi32, #tpu.memory_space<hbm>>) dst(%arg11 : memref<256xi32, #tpu.memory_space<vmem>>)
        tpu.yield
      }) : () -> ()
      "tpu.region"() ({
        %run_scoped3A = tpu.sem_alloc : memref<!tpu.dma_semaphore, #tpu.memory_space<semaphore_mem>>
        %dma_start3A = arith.constant 0 : i32
        %dma_start3A_152 = arith.constant 0 : i32
        %dma_start3A_153 = tpu.memref_slice %arg19[%dma_start3A, %dma_start3A_152] : memref<5120x128xf32, #tpu.memory_space<vmem_shared>> -> memref<5120x128xf32, #tpu.memory_space<vmem_shared>>
        tpu.enqueue_indirect_dma source(%arg12 : memref<256x128xf32, #tpu.memory_space<vmem>>) target(%dma_start3A_153 : memref<5120x128xf32, #tpu.memory_space<vmem_shared>>) offsets(%arg11 : memref<256xi32, #tpu.memory_space<vmem>>) semaphore(%run_scoped3A : memref<!tpu.dma_semaphore, #tpu.memory_space<semaphore_mem>>) {add = true}
        %dma_wait3A = arith.constant 0 : i32
        %dma_wait3A_154 = arith.constant 0 : i32
        %dma_wait3A_155 = tpu.memref_slice %arg19[%dma_wait3A, %dma_wait3A_154] : memref<5120x128xf32, #tpu.memory_space<vmem_shared>> -> memref<5120x128xf32, #tpu.memory_space<vmem_shared>>
        tpu.wait_indirect_dma semaphore(%run_scoped3A : memref<!tpu.dma_semaphore, #tpu.memory_space<semaphore_mem>>) src(%arg12 : memref<256x128xf32, #tpu.memory_space<vmem>>) dst(%dma_wait3A_155 : memref<5120x128xf32, #tpu.memory_space<vmem_shared>>)
        tpu.yield
      }) : () -> ()
    }
    %while3A_18 = arith.constant 1 : i32
    scf.for %while3A_148 = %while3A_16 to %while3A_12 step %while3A_18  : i32 {
      %add3A_149 = arith.addi %squeeze3A, %while3A_148 : i32
      %mul3A_150 = arith.constant 256 : i32
      %mul3A_151 = arith.muli %add3A_149, %mul3A_150 : i32
      "tpu.region"() ({
        %run_scoped3A = tpu.sem_alloc : memref<!tpu.dma_semaphore, #tpu.memory_space<semaphore_mem>>
        %dma_start3A = arith.constant 0 : i32
        %dma_start3A_152 = tpu.memref_slice %arg2[%mul3A_151, %dma_start3A] : memref<552960x128xf32, #tpu.memory_space<hbm>> -> memref<256x128xf32, #tpu.memory_space<hbm>>
        %dma_start3A_153 = arith.constant 0 : i32
        %dma_start3A_154 = tpu.memref_slice %arg2[%mul3A_151, %dma_start3A_153] : memref<552960x128xf32, #tpu.memory_space<hbm>> -> memref<256x128xf32, #tpu.memory_space<hbm>>
        tpu.enqueue_dma source(%dma_start3A_154 : memref<256x128xf32, #tpu.memory_space<hbm>>) target(%arg12 : memref<256x128xf32, #tpu.memory_space<vmem>>) target_semaphore(%run_scoped3A : memref<!tpu.dma_semaphore, #tpu.memory_space<semaphore_mem>>)
        %dma_wait3A = arith.constant 0 : i32
        %dma_wait3A_155 = tpu.memref_slice %arg2[%mul3A_151, %dma_wait3A] : memref<552960x128xf32, #tpu.memory_space<hbm>> -> memref<256x128xf32, #tpu.memory_space<hbm>>
        %dma_wait3A_156 = arith.constant 0 : i32
        %dma_wait3A_157 = tpu.memref_slice %arg2[%mul3A_151, %dma_wait3A_156] : memref<552960x128xf32, #tpu.memory_space<hbm>> -> memref<256x128xf32, #tpu.memory_space<hbm>>
        tpu.wait_dma2 semaphore(%run_scoped3A : memref<!tpu.dma_semaphore, #tpu.memory_space<semaphore_mem>>) src(%dma_wait3A_157 : memref<256x128xf32, #tpu.memory_space<hbm>>) dst(%arg12 : memref<256x128xf32, #tpu.memory_space<vmem>>)
        tpu.yield
      }) : () -> ()
      "tpu.region"() ({
        %run_scoped3A = tpu.sem_alloc : memref<!tpu.dma_semaphore, #tpu.memory_space<semaphore_mem>>
        %dma_start3A = tpu.memref_slice %arg3[%mul3A_151] : memref<552960xi32, #tpu.memory_space<hbm>> -> memref<256xi32, #tpu.memory_space<hbm>>
        %dma_start3A_152 = tpu.memref_slice %arg3[%mul3A_151] : memref<552960xi32, #tpu.memory_space<hbm>> -> memref<256xi32, #tpu.memory_space<hbm>>
        tpu.enqueue_dma source(%dma_start3A_152 : memref<256xi32, #tpu.memory_space<hbm>>) target(%arg11 : memref<256xi32, #tpu.memory_space<vmem>>) target_semaphore(%run_scoped3A : memref<!tpu.dma_semaphore, #tpu.memory_space<semaphore_mem>>)
        %dma_wait3A = tpu.memref_slice %arg3[%mul3A_151] : memref<552960xi32, #tpu.memory_space<hbm>> -> memref<256xi32, #tpu.memory_space<hbm>>
        %dma_wait3A_153 = tpu.memref_slice %arg3[%mul3A_151] : memref<552960xi32, #tpu.memory_space<hbm>> -> memref<256xi32, #tpu.memory_space<hbm>>
        tpu.wait_dma2 semaphore(%run_scoped3A : memref<!tpu.dma_semaphore, #tpu.memory_space<semaphore_mem>>) src(%dma_wait3A_153 : memref<256xi32, #tpu.memory_space<hbm>>) dst(%arg11 : memref<256xi32, #tpu.memory_space<vmem>>)
        tpu.yield
      }) : () -> ()
      "tpu.region"() ({
        %run_scoped3A = tpu.sem_alloc : memref<!tpu.dma_semaphore, #tpu.memory_space<semaphore_mem>>
        %dma_start3A = arith.constant 0 : i32
        %dma_start3A_152 = arith.constant 0 : i32
        %dma_start3A_153 = tpu.memref_slice %arg19[%dma_start3A, %dma_start3A_152] : memref<5120x128xf32, #tpu.memory_space<vmem_shared>> -> memref<5120x128xf32, #tpu.memory_space<vmem_shared>>
        tpu.enqueue_indirect_dma source(%arg12 : memref<256x128xf32, #tpu.memory_space<vmem>>) target(%dma_start3A_153 : memref<5120x128xf32, #tpu.memory_space<vmem_shared>>) offsets(%arg11 : memref<256xi32, #tpu.memory_space<vmem>>) semaphore(%run_scoped3A : memref<!tpu.dma_semaphore, #tpu.memory_space<semaphore_mem>>) {add = true}
        %dma_wait3A = arith.constant 0 : i32
        %dma_wait3A_154 = arith.constant 0 : i32
        %dma_wait3A_155 = tpu.memref_slice %arg19[%dma_wait3A, %dma_wait3A_154] : memref<5120x128xf32, #tpu.memory_space<vmem_shared>> -> memref<5120x128xf32, #tpu.memory_space<vmem_shared>>
        tpu.wait_indirect_dma semaphore(%run_scoped3A : memref<!tpu.dma_semaphore, #tpu.memory_space<semaphore_mem>>) src(%arg12 : memref<256x128xf32, #tpu.memory_space<vmem>>) dst(%dma_wait3A_155 : memref<5120x128xf32, #tpu.memory_space<vmem_shared>>)
        tpu.yield
      }) : () -> ()
    }
    %get3A_19 = arith.index_cast %add3A : i32 to index
    %get3A_20 = tpu.vector_load %arg17[%get3A_19] {strides = array<i32>} : memref<48xi32, #tpu.memory_space<vmem>>, vector<16xi32>,
    %get3A_21 = vector.shape_cast %get3A_20 : vector<16xi32> to vector<16xi32>
    %slice3A_22 = vector.extract_strided_slice %get3A_21 {offsets = [0], sizes = [1], strides = [1]} : vector<16xi32> to vector<1xi32>
    %squeeze3A_23 = vector.extract %slice3A_22[0] : i32 from vector<1xi32>
    %get3A_24 = arith.index_cast %add3A : i32 to index
    %get3A_25 = tpu.vector_load %arg18[%get3A_24] {strides = array<i32>} : memref<48xi32, #tpu.memory_space<vmem>>, vector<16xi32>,
    %get3A_26 = vector.shape_cast %get3A_25 : vector<16xi32> to vector<16xi32>
    %slice3A_27 = vector.extract_strided_slice %get3A_26 {offsets = [0], sizes = [1], strides = [1]} : vector<16xi32> to vector<1xi32>
    %squeeze3A_28 = vector.extract %slice3A_27[0] : i32 from vector<1xi32>
    %while3A_29 = arith.constant 0 : i32
    %while3A_30 = arith.constant 0 : i32
    %while3A_31 = arith.subi %squeeze3A_28, %while3A_30 : i32
    %while3A_32 = arith.addi %while3A_30, %while3A_31 : i32
    %while3A_33 = arith.constant 1 : i32
    %while3A_34 = arith.divsi %while3A_31, %while3A_33 : i32
    %while3A_35 = arith.muli %while3A_34, %while3A_33 : i32
    %while3A_36 = arith.addi %while3A_30, %while3A_35 : i32
    %while3A_37 = arith.constant 1 : i32
    scf.for %while3A_148 = %while3A_30 to %while3A_36 step %while3A_37  : i32 {
      %add3A_149 = arith.addi %squeeze3A_23, %while3A_148 : i32
      %mul3A_150 = arith.constant 256 : i32
      %mul3A_151 = arith.muli %add3A_149, %mul3A_150 : i32
      "tpu.region"() ({
        %run_scoped3A = tpu.sem_alloc : memref<!tpu.dma_semaphore, #tpu.memory_space<semaphore_mem>>
        %dma_start3A = arith.constant 0 : i32
        %dma_start3A_152 = tpu.memref_slice %arg2[%mul3A_151, %dma_start3A] : memref<552960x128xf32, #tpu.memory_space<hbm>> -> memref<256x128xf32, #tpu.memory_space<hbm>>
        %dma_start3A_153 = arith.constant 0 : i32
        %dma_start3A_154 = tpu.memref_slice %arg2[%mul3A_151, %dma_start3A_153] : memref<552960x128xf32, #tpu.memory_space<hbm>> -> memref<256x128xf32, #tpu.memory_space<hbm>>
        tpu.enqueue_dma source(%dma_start3A_154 : memref<256x128xf32, #tpu.memory_space<hbm>>) target(%arg12 : memref<256x128xf32, #tpu.memory_space<vmem>>) target_semaphore(%run_scoped3A : memref<!tpu.dma_semaphore, #tpu.memory_space<semaphore_mem>>)
        %dma_wait3A = arith.constant 0 : i32
        %dma_wait3A_155 = tpu.memref_slice %arg2[%mul3A_151, %dma_wait3A] : memref<552960x128xf32, #tpu.memory_space<hbm>> -> memref<256x128xf32, #tpu.memory_space<hbm>>
        %dma_wait3A_156 = arith.constant 0 : i32
        %dma_wait3A_157 = tpu.memref_slice %arg2[%mul3A_151, %dma_wait3A_156] : memref<552960x128xf32, #tpu.memory_space<hbm>> -> memref<256x128xf32, #tpu.memory_space<hbm>>
        tpu.wait_dma2 semaphore(%run_scoped3A : memref<!tpu.dma_semaphore, #tpu.memory_space<semaphore_mem>>) src(%dma_wait3A_157 : memref<256x128xf32, #tpu.memory_space<hbm>>) dst(%arg12 : memref<256x128xf32, #tpu.memory_space<vmem>>)
        tpu.yield
      }) : () -> ()
      "tpu.region"() ({
        %run_scoped3A = tpu.sem_alloc : memref<!tpu.dma_semaphore, #tpu.memory_space<semaphore_mem>>
        %dma_start3A = tpu.memref_slice %arg3[%mul3A_151] : memref<552960xi32, #tpu.memory_space<hbm>> -> memref<256xi32, #tpu.memory_space<hbm>>
        %dma_start3A_152 = tpu.memref_slice %arg3[%mul3A_151] : memref<552960xi32, #tpu.memory_space<hbm>> -> memref<256xi32, #tpu.memory_space<hbm>>
        tpu.enqueue_dma source(%dma_start3A_152 : memref<256xi32, #tpu.memory_space<hbm>>) target(%arg11 : memref<256xi32, #tpu.memory_space<vmem>>) target_semaphore(%run_scoped3A : memref<!tpu.dma_semaphore, #tpu.memory_space<semaphore_mem>>)
        %dma_wait3A = tpu.memref_slice %arg3[%mul3A_151] : memref<552960xi32, #tpu.memory_space<hbm>> -> memref<256xi32, #tpu.memory_space<hbm>>
        %dma_wait3A_153 = tpu.memref_slice %arg3[%mul3A_151] : memref<552960xi32, #tpu.memory_space<hbm>> -> memref<256xi32, #tpu.memory_space<hbm>>
        tpu.wait_dma2 semaphore(%run_scoped3A : memref<!tpu.dma_semaphore, #tpu.memory_space<semaphore_mem>>) src(%dma_wait3A_153 : memref<256xi32, #tpu.memory_space<hbm>>) dst(%arg11 : memref<256xi32, #tpu.memory_space<vmem>>)
        tpu.yield
      }) : () -> ()
      "tpu.region"() ({
        %run_scoped3A = tpu.sem_alloc : memref<!tpu.dma_semaphore, #tpu.memory_space<semaphore_mem>>
        %dma_start3A = arith.constant 0 : i32
        %dma_start3A_152 = arith.constant 0 : i32
        %dma_start3A_153 = tpu.memref_slice %arg19[%dma_start3A, %dma_start3A_152] : memref<5120x128xf32, #tpu.memory_space<vmem_shared>> -> memref<5120x128xf32, #tpu.memory_space<vmem_shared>>
        tpu.enqueue_indirect_dma source(%arg12 : memref<256x128xf32, #tpu.memory_space<vmem>>) target(%dma_start3A_153 : memref<5120x128xf32, #tpu.memory_space<vmem_shared>>) offsets(%arg11 : memref<256xi32, #tpu.memory_space<vmem>>) semaphore(%run_scoped3A : memref<!tpu.dma_semaphore, #tpu.memory_space<semaphore_mem>>) {add = true}
        %dma_wait3A = arith.constant 0 : i32
        %dma_wait3A_154 = arith.constant 0 : i32
        %dma_wait3A_155 = tpu.memref_slice %arg19[%dma_wait3A, %dma_wait3A_154] : memref<5120x128xf32, #tpu.memory_space<vmem_shared>> -> memref<5120x128xf32, #tpu.memory_space<vmem_shared>>
        tpu.wait_indirect_dma semaphore(%run_scoped3A : memref<!tpu.dma_semaphore, #tpu.memory_space<semaphore_mem>>) src(%arg12 : memref<256x128xf32, #tpu.memory_space<vmem>>) dst(%dma_wait3A_155 : memref<5120x128xf32, #tpu.memory_space<vmem_shared>>)
        tpu.yield
      }) : () -> ()
    }
    %while3A_38 = arith.constant 1 : i32
    scf.for %while3A_148 = %while3A_36 to %while3A_32 step %while3A_38  : i32 {
      %add3A_149 = arith.addi %squeeze3A_23, %while3A_148 : i32
      %mul3A_150 = arith.constant 256 : i32
      %mul3A_151 = arith.muli %add3A_149, %mul3A_150 : i32
      "tpu.region"() ({
        %run_scoped3A = tpu.sem_alloc : memref<!tpu.dma_semaphore, #tpu.memory_space<semaphore_mem>>
        %dma_start3A = arith.constant 0 : i32
        %dma_start3A_152 = tpu.memref_slice %arg2[%mul3A_151, %dma_start3A] : memref<552960x128xf32, #tpu.memory_space<hbm>> -> memref<256x128xf32, #tpu.memory_space<hbm>>
        %dma_start3A_153 = arith.constant 0 : i32
        %dma_start3A_154 = tpu.memref_slice %arg2[%mul3A_151, %dma_start3A_153] : memref<552960x128xf32, #tpu.memory_space<hbm>> -> memref<256x128xf32, #tpu.memory_space<hbm>>
        tpu.enqueue_dma source(%dma_start3A_154 : memref<256x128xf32, #tpu.memory_space<hbm>>) target(%arg12 : memref<256x128xf32, #tpu.memory_space<vmem>>) target_semaphore(%run_scoped3A : memref<!tpu.dma_semaphore, #tpu.memory_space<semaphore_mem>>)
        %dma_wait3A = arith.constant 0 : i32
        %dma_wait3A_155 = tpu.memref_slice %arg2[%mul3A_151, %dma_wait3A] : memref<552960x128xf32, #tpu.memory_space<hbm>> -> memref<256x128xf32, #tpu.memory_space<hbm>>
        %dma_wait3A_156 = arith.constant 0 : i32
        %dma_wait3A_157 = tpu.memref_slice %arg2[%mul3A_151, %dma_wait3A_156] : memref<552960x128xf32, #tpu.memory_space<hbm>> -> memref<256x128xf32, #tpu.memory_space<hbm>>
        tpu.wait_dma2 semaphore(%run_scoped3A : memref<!tpu.dma_semaphore, #tpu.memory_space<semaphore_mem>>) src(%dma_wait3A_157 : memref<256x128xf32, #tpu.memory_space<hbm>>) dst(%arg12 : memref<256x128xf32, #tpu.memory_space<vmem>>)
        tpu.yield
      }) : () -> ()
      "tpu.region"() ({
        %run_scoped3A = tpu.sem_alloc : memref<!tpu.dma_semaphore, #tpu.memory_space<semaphore_mem>>
        %dma_start3A = tpu.memref_slice %arg3[%mul3A_151] : memref<552960xi32, #tpu.memory_space<hbm>> -> memref<256xi32, #tpu.memory_space<hbm>>
        %dma_start3A_152 = tpu.memref_slice %arg3[%mul3A_151] : memref<552960xi32, #tpu.memory_space<hbm>> -> memref<256xi32, #tpu.memory_space<hbm>>
        tpu.enqueue_dma source(%dma_start3A_152 : memref<256xi32, #tpu.memory_space<hbm>>) target(%arg11 : memref<256xi32, #tpu.memory_space<vmem>>) target_semaphore(%run_scoped3A : memref<!tpu.dma_semaphore, #tpu.memory_space<semaphore_mem>>)
        %dma_wait3A = tpu.memref_slice %arg3[%mul3A_151] : memref<552960xi32, #tpu.memory_space<hbm>> -> memref<256xi32, #tpu.memory_space<hbm>>
        %dma_wait3A_153 = tpu.memref_slice %arg3[%mul3A_151] : memref<552960xi32, #tpu.memory_space<hbm>> -> memref<256xi32, #tpu.memory_space<hbm>>
        tpu.wait_dma2 semaphore(%run_scoped3A : memref<!tpu.dma_semaphore, #tpu.memory_space<semaphore_mem>>) src(%dma_wait3A_153 : memref<256xi32, #tpu.memory_space<hbm>>) dst(%arg11 : memref<256xi32, #tpu.memory_space<vmem>>)
        tpu.yield
      }) : () -> ()
      "tpu.region"() ({
        %run_scoped3A = tpu.sem_alloc : memref<!tpu.dma_semaphore, #tpu.memory_space<semaphore_mem>>
        %dma_start3A = arith.constant 0 : i32
        %dma_start3A_152 = arith.constant 0 : i32
        %dma_start3A_153 = tpu.memref_slice %arg19[%dma_start3A, %dma_start3A_152] : memref<5120x128xf32, #tpu.memory_space<vmem_shared>> -> memref<5120x128xf32, #tpu.memory_space<vmem_shared>>
        tpu.enqueue_indirect_dma source(%arg12 : memref<256x128xf32, #tpu.memory_space<vmem>>) target(%dma_start3A_153 : memref<5120x128xf32, #tpu.memory_space<vmem_shared>>) offsets(%arg11 : memref<256xi32, #tpu.memory_space<vmem>>) semaphore(%run_scoped3A : memref<!tpu.dma_semaphore, #tpu.memory_space<semaphore_mem>>) {add = true}
        %dma_wait3A = arith.constant 0 : i32
        %dma_wait3A_154 = arith.constant 0 : i32
        %dma_wait3A_155 = tpu.memref_slice %arg19[%dma_wait3A, %dma_wait3A_154] : memref<5120x128xf32, #tpu.memory_space<vmem_shared>> -> memref<5120x128xf32, #tpu.memory_space<vmem_shared>>
        tpu.wait_indirect_dma semaphore(%run_scoped3A : memref<!tpu.dma_semaphore, #tpu.memory_space<semaphore_mem>>) src(%arg12 : memref<256x128xf32, #tpu.memory_space<vmem>>) dst(%dma_wait3A_155 : memref<5120x128xf32, #tpu.memory_space<vmem_shared>>)
        tpu.yield
      }) : () -> ()
    }
    %barrier3A_39 = arith.constant 0 : index
    tpu.barrier barrier_id(%barrier3A_39)
    %mul3A_40 = arith.constant 320 : i32
    %mul3A_41 = arith.muli %arg1, %mul3A_40 : i32
    "tpu.region"() ({
      %run_scoped3A = tpu.sem_alloc : memref<!tpu.dma_semaphore, #tpu.memory_space<semaphore_mem>>
      %dma_start3A = arith.constant 0 : i32
      %dma_start3A_148 = tpu.memref_slice %arg19[%mul3A_41, %dma_start3A] : memref<5120x128xf32, #tpu.memory_space<vmem_shared>> -> memref<320x128xf32, #tpu.memory_space<vmem_shared>>
      %dma_start3A_149 = arith.constant 0 : i32
      %dma_start3A_150 = tpu.memref_slice %arg19[%mul3A_41, %dma_start3A_149] : memref<5120x128xf32, #tpu.memory_space<vmem_shared>> -> memref<320x128xf32, #tpu.memory_space<vmem_shared>>
      tpu.enqueue_dma source(%dma_start3A_150 : memref<320x128xf32, #tpu.memory_space<vmem_shared>>) target(%arg13 : memref<320x128xf32, #tpu.memory_space<vmem>>) target_semaphore(%run_scoped3A : memref<!tpu.dma_semaphore, #tpu.memory_space<semaphore_mem>>)
      %dma_wait3A = arith.constant 0 : i32
      %dma_wait3A_151 = tpu.memref_slice %arg19[%mul3A_41, %dma_wait3A] : memref<5120x128xf32, #tpu.memory_space<vmem_shared>> -> memref<320x128xf32, #tpu.memory_space<vmem_shared>>
      %dma_wait3A_152 = arith.constant 0 : i32
      %dma_wait3A_153 = tpu.memref_slice %arg19[%mul3A_41, %dma_wait3A_152] : memref<5120x128xf32, #tpu.memory_space<vmem_shared>> -> memref<320x128xf32, #tpu.memory_space<vmem_shared>>
      tpu.wait_dma2 semaphore(%run_scoped3A : memref<!tpu.dma_semaphore, #tpu.memory_space<semaphore_mem>>) src(%dma_wait3A_153 : memref<320x128xf32, #tpu.memory_space<vmem_shared>>) dst(%arg13 : memref<320x128xf32, #tpu.memory_space<vmem>>)
      tpu.yield
    }) : () -> ()
    %broadcast_in_dim3A = arith.constant 0.000000e+00 : f32
    %broadcast_in_dim3A_42 = vector.broadcast %broadcast_in_dim3A : f32 to vector<16xf32>
    %scan3A = arith.constant 0 : i32
    %scan3A_43 = arith.constant 320 : i32
    %scan3A_44 = arith.addi %scan3A, %scan3A_43 : i32
    %scan3A_45 = arith.constant 1 : i32
    %scan3A_46:16 = scf.for %scan3A_148 = %scan3A to %scan3A_44 step %scan3A_45 iter_args(%scan3A_149 = %broadcast_in_dim3A_42, %scan3A_150 = %broadcast_in_dim3A_42, %scan3A_151 = %broadcast_in_dim3A_42, %scan3A_152 = %broadcast_in_dim3A_42, %scan3A_153 = %broadcast_in_dim3A_42, %scan3A_154 = %broadcast_in_dim3A_42, %scan3A_155 = %broadcast_in_dim3A_42, %scan3A_156 = %broadcast_in_dim3A_42, %scan3A_157 = %broadcast_in_dim3A_42, %scan3A_158 = %broadcast_in_dim3A_42, %scan3A_159 = %broadcast_in_dim3A_42, %scan3A_160 = %broadcast_in_dim3A_42, %scan3A_161 = %broadcast_in_dim3A_42, %scan3A_162 = %broadcast_in_dim3A_42, %scan3A_163 = %broadcast_in_dim3A_42, %scan3A_164 = %broadcast_in_dim3A_42) -> (vector<16xf32>, vector<16xf32>, vector<16xf32>, vector<16xf32>, vector<16xf32>, vector<16xf32>, vector<16xf32>, vector<16xf32>, vector<16xf32>, vector<16xf32>, vector<16xf32>, vector<16xf32>, vector<16xf32>, vector<16xf32>, vector<16xf32>, vector<16xf32>)  : i32 {
      %get3A_165 = arith.index_cast %scan3A_148 : i32 to index
      %get3A_166 = arith.constant 0 : index
      %get3A_167 = tpu.vector_load %arg13[%get3A_165, %get3A_166] {strides = array<i32>} : memref<320x128xf32, #tpu.memory_space<vmem>>, vector<1x16xf32>,
      %get3A_168 = vector.shape_cast %get3A_167 : vector<1x16xf32> to vector<16xf32>
      %add3A_169 = arith.addf %scan3A_149, %get3A_168 : vector<16xf32>
      %mul3A_170 = arith.mulf %get3A_168, %get3A_168 : vector<16xf32>
      %add3A_171 = arith.addf %scan3A_157, %mul3A_170 : vector<16xf32>
      %get3A_172 = arith.index_cast %scan3A_148 : i32 to index
      %get3A_173 = arith.constant 16 : index
      %get3A_174 = tpu.vector_load %arg13[%get3A_172, %get3A_173] {strides = array<i32>} : memref<320x128xf32, #tpu.memory_space<vmem>>, vector<1x16xf32>,
      %get3A_175 = vector.shape_cast %get3A_174 : vector<1x16xf32> to vector<16xf32>
      %add3A_176 = arith.addf %scan3A_150, %get3A_175 : vector<16xf32>
      %mul3A_177 = arith.mulf %get3A_175, %get3A_175 : vector<16xf32>
      %add3A_178 = arith.addf %scan3A_158, %mul3A_177 : vector<16xf32>
      %get3A_179 = arith.index_cast %scan3A_148 : i32 to index
      %get3A_180 = arith.constant 32 : index
      %get3A_181 = tpu.vector_load %arg13[%get3A_179, %get3A_180] {strides = array<i32>} : memref<320x128xf32, #tpu.memory_space<vmem>>, vector<1x16xf32>,
      %get3A_182 = vector.shape_cast %get3A_181 : vector<1x16xf32> to vector<16xf32>
      %add3A_183 = arith.addf %scan3A_151, %get3A_182 : vector<16xf32>
      %mul3A_184 = arith.mulf %get3A_182, %get3A_182 : vector<16xf32>
      %add3A_185 = arith.addf %scan3A_159, %mul3A_184 : vector<16xf32>
      %get3A_186 = arith.index_cast %scan3A_148 : i32 to index
      %get3A_187 = arith.constant 48 : index
      %get3A_188 = tpu.vector_load %arg13[%get3A_186, %get3A_187] {strides = array<i32>} : memref<320x128xf32, #tpu.memory_space<vmem>>, vector<1x16xf32>,
      %get3A_189 = vector.shape_cast %get3A_188 : vector<1x16xf32> to vector<16xf32>
      %add3A_190 = arith.addf %scan3A_152, %get3A_189 : vector<16xf32>
      %mul3A_191 = arith.mulf %get3A_189, %get3A_189 : vector<16xf32>
      %add3A_192 = arith.addf %scan3A_160, %mul3A_191 : vector<16xf32>
      %get3A_193 = arith.index_cast %scan3A_148 : i32 to index
      %get3A_194 = arith.constant 64 : index
      %get3A_195 = tpu.vector_load %arg13[%get3A_193, %get3A_194] {strides = array<i32>} : memref<320x128xf32, #tpu.memory_space<vmem>>, vector<1x16xf32>,
      %get3A_196 = vector.shape_cast %get3A_195 : vector<1x16xf32> to vector<16xf32>
      %add3A_197 = arith.addf %scan3A_153, %get3A_196 : vector<16xf32>
      %mul3A_198 = arith.mulf %get3A_196, %get3A_196 : vector<16xf32>
      %add3A_199 = arith.addf %scan3A_161, %mul3A_198 : vector<16xf32>
      %get3A_200 = arith.index_cast %scan3A_148 : i32 to index
      %get3A_201 = arith.constant 80 : index
      %get3A_202 = tpu.vector_load %arg13[%get3A_200, %get3A_201] {strides = array<i32>} : memref<320x128xf32, #tpu.memory_space<vmem>>, vector<1x16xf32>,
      %get3A_203 = vector.shape_cast %get3A_202 : vector<1x16xf32> to vector<16xf32>
      %add3A_204 = arith.addf %scan3A_154, %get3A_203 : vector<16xf32>
      %mul3A_205 = arith.mulf %get3A_203, %get3A_203 : vector<16xf32>
      %add3A_206 = arith.addf %scan3A_162, %mul3A_205 : vector<16xf32>
      %get3A_207 = arith.index_cast %scan3A_148 : i32 to index
      %get3A_208 = arith.constant 96 : index
      %get3A_209 = tpu.vector_load %arg13[%get3A_207, %get3A_208] {strides = array<i32>} : memref<320x128xf32, #tpu.memory_space<vmem>>, vector<1x16xf32>,
      %get3A_210 = vector.shape_cast %get3A_209 : vector<1x16xf32> to vector<16xf32>
      %add3A_211 = arith.addf %scan3A_155, %get3A_210 : vector<16xf32>
      %mul3A_212 = arith.mulf %get3A_210, %get3A_210 : vector<16xf32>
      %add3A_213 = arith.addf %scan3A_163, %mul3A_212 : vector<16xf32>
      %get3A_214 = arith.index_cast %scan3A_148 : i32 to index
      %get3A_215 = arith.constant 112 : index
      %get3A_216 = tpu.vector_load %arg13[%get3A_214, %get3A_215] {strides = array<i32>} : memref<320x128xf32, #tpu.memory_space<vmem>>, vector<1x16xf32>,
      %get3A_217 = vector.shape_cast %get3A_216 : vector<1x16xf32> to vector<16xf32>
      %add3A_218 = arith.addf %scan3A_156, %get3A_217 : vector<16xf32>
      %mul3A_219 = arith.mulf %get3A_217, %get3A_217 : vector<16xf32>
      %add3A_220 = arith.addf %scan3A_164, %mul3A_219 : vector<16xf32>
      scf.yield %add3A_169, %add3A_176, %add3A_183, %add3A_190, %add3A_197, %add3A_204, %add3A_211, %add3A_218, %add3A_171, %add3A_178, %add3A_185, %add3A_192, %add3A_199, %add3A_206, %add3A_213, %add3A_220 : vector<16xf32>, vector<16xf32>, vector<16xf32>, vector<16xf32>, vector<16xf32>, vector<16xf32>, vector<16xf32>, vector<16xf32>, vector<16xf32>, vector<16xf32>, vector<16xf32>, vector<16xf32>, vector<16xf32>, vector<16xf32>, vector<16xf32>, vector<16xf32>
    }
    %scan3A_47 = arith.constant 320 : i32
    %swap3A = arith.constant 0 : i32
    %swap3A_48 = arith.index_cast %swap3A : i32 to index
    %swap3A_49 = arith.constant 0 : index
    %swap3A_50 = tpu.vector_load %arg14[%swap3A_48, %swap3A_49] {strides = array<i32>} : memref<2x128xf32, #tpu.memory_space<vmem>>, vector<1x16xf32>,
    %swap3A_51 = vector.shape_cast %swap3A_50 : vector<1x16xf32> to vector<16xf32>
    %swap3A_52 = vector.shape_cast %scan3A_46#0 : vector<16xf32> to vector<1x16xf32>
    tpu.vector_store %arg14[%swap3A_48, %swap3A_49], %swap3A_52 {strides = array<i32>} : memref<2x128xf32, #tpu.memory_space<vmem>>, vector<1x16xf32>,
    %swap3A_53 = arith.constant 1 : i32
    %swap3A_54 = arith.index_cast %swap3A_53 : i32 to index
    %swap3A_55 = arith.constant 0 : index
    %swap3A_56 = tpu.vector_load %arg14[%swap3A_54, %swap3A_55] {strides = array<i32>} : memref<2x128xf32, #tpu.memory_space<vmem>>, vector<1x16xf32>,
    %swap3A_57 = vector.shape_cast %swap3A_56 : vector<1x16xf32> to vector<16xf32>
    %swap3A_58 = vector.shape_cast %scan3A_46#8 : vector<16xf32> to vector<1x16xf32>
    tpu.vector_store %arg14[%swap3A_54, %swap3A_55], %swap3A_58 {strides = array<i32>} : memref<2x128xf32, #tpu.memory_space<vmem>>, vector<1x16xf32>,
    %swap3A_59 = arith.constant 0 : i32
    %swap3A_60 = arith.index_cast %swap3A_59 : i32 to index
    %swap3A_61 = arith.constant 16 : index
    %swap3A_62 = tpu.vector_load %arg14[%swap3A_60, %swap3A_61] {strides = array<i32>} : memref<2x128xf32, #tpu.memory_space<vmem>>, vector<1x16xf32>,
    %swap3A_63 = vector.shape_cast %swap3A_62 : vector<1x16xf32> to vector<16xf32>
    %swap3A_64 = vector.shape_cast %scan3A_46#1 : vector<16xf32> to vector<1x16xf32>
    tpu.vector_store %arg14[%swap3A_60, %swap3A_61], %swap3A_64 {strides = array<i32>} : memref<2x128xf32, #tpu.memory_space<vmem>>, vector<1x16xf32>,
    %swap3A_65 = arith.constant 1 : i32
    %swap3A_66 = arith.index_cast %swap3A_65 : i32 to index
    %swap3A_67 = arith.constant 16 : index
    %swap3A_68 = tpu.vector_load %arg14[%swap3A_66, %swap3A_67] {strides = array<i32>} : memref<2x128xf32, #tpu.memory_space<vmem>>, vector<1x16xf32>,
    %swap3A_69 = vector.shape_cast %swap3A_68 : vector<1x16xf32> to vector<16xf32>
    %swap3A_70 = vector.shape_cast %scan3A_46#9 : vector<16xf32> to vector<1x16xf32>
    tpu.vector_store %arg14[%swap3A_66, %swap3A_67], %swap3A_70 {strides = array<i32>} : memref<2x128xf32, #tpu.memory_space<vmem>>, vector<1x16xf32>,
    %swap3A_71 = arith.constant 0 : i32
    %swap3A_72 = arith.index_cast %swap3A_71 : i32 to index
    %swap3A_73 = arith.constant 32 : index
    %swap3A_74 = tpu.vector_load %arg14[%swap3A_72, %swap3A_73] {strides = array<i32>} : memref<2x128xf32, #tpu.memory_space<vmem>>, vector<1x16xf32>,
    %swap3A_75 = vector.shape_cast %swap3A_74 : vector<1x16xf32> to vector<16xf32>
    %swap3A_76 = vector.shape_cast %scan3A_46#2 : vector<16xf32> to vector<1x16xf32>
    tpu.vector_store %arg14[%swap3A_72, %swap3A_73], %swap3A_76 {strides = array<i32>} : memref<2x128xf32, #tpu.memory_space<vmem>>, vector<1x16xf32>,
    %swap3A_77 = arith.constant 1 : i32
    %swap3A_78 = arith.index_cast %swap3A_77 : i32 to index
    %swap3A_79 = arith.constant 32 : index
    %swap3A_80 = tpu.vector_load %arg14[%swap3A_78, %swap3A_79] {strides = array<i32>} : memref<2x128xf32, #tpu.memory_space<vmem>>, vector<1x16xf32>,
    %swap3A_81 = vector.shape_cast %swap3A_80 : vector<1x16xf32> to vector<16xf32>
    %swap3A_82 = vector.shape_cast %scan3A_46#10 : vector<16xf32> to vector<1x16xf32>
    tpu.vector_store %arg14[%swap3A_78, %swap3A_79], %swap3A_82 {strides = array<i32>} : memref<2x128xf32, #tpu.memory_space<vmem>>, vector<1x16xf32>,
    %swap3A_83 = arith.constant 0 : i32
    %swap3A_84 = arith.index_cast %swap3A_83 : i32 to index
    %swap3A_85 = arith.constant 48 : index
    %swap3A_86 = tpu.vector_load %arg14[%swap3A_84, %swap3A_85] {strides = array<i32>} : memref<2x128xf32, #tpu.memory_space<vmem>>, vector<1x16xf32>,
    %swap3A_87 = vector.shape_cast %swap3A_86 : vector<1x16xf32> to vector<16xf32>
    %swap3A_88 = vector.shape_cast %scan3A_46#3 : vector<16xf32> to vector<1x16xf32>
    tpu.vector_store %arg14[%swap3A_84, %swap3A_85], %swap3A_88 {strides = array<i32>} : memref<2x128xf32, #tpu.memory_space<vmem>>, vector<1x16xf32>,
    %swap3A_89 = arith.constant 1 : i32
    %swap3A_90 = arith.index_cast %swap3A_89 : i32 to index
    %swap3A_91 = arith.constant 48 : index
    %swap3A_92 = tpu.vector_load %arg14[%swap3A_90, %swap3A_91] {strides = array<i32>} : memref<2x128xf32, #tpu.memory_space<vmem>>, vector<1x16xf32>,
    %swap3A_93 = vector.shape_cast %swap3A_92 : vector<1x16xf32> to vector<16xf32>
    %swap3A_94 = vector.shape_cast %scan3A_46#11 : vector<16xf32> to vector<1x16xf32>
    tpu.vector_store %arg14[%swap3A_90, %swap3A_91], %swap3A_94 {strides = array<i32>} : memref<2x128xf32, #tpu.memory_space<vmem>>, vector<1x16xf32>,
    %swap3A_95 = arith.constant 0 : i32
    %swap3A_96 = arith.index_cast %swap3A_95 : i32 to index
    %swap3A_97 = arith.constant 64 : index
    %swap3A_98 = tpu.vector_load %arg14[%swap3A_96, %swap3A_97] {strides = array<i32>} : memref<2x128xf32, #tpu.memory_space<vmem>>, vector<1x16xf32>,
    %swap3A_99 = vector.shape_cast %swap3A_98 : vector<1x16xf32> to vector<16xf32>
    %swap3A_100 = vector.shape_cast %scan3A_46#4 : vector<16xf32> to vector<1x16xf32>
    tpu.vector_store %arg14[%swap3A_96, %swap3A_97], %swap3A_100 {strides = array<i32>} : memref<2x128xf32, #tpu.memory_space<vmem>>, vector<1x16xf32>,
    %swap3A_101 = arith.constant 1 : i32
    %swap3A_102 = arith.index_cast %swap3A_101 : i32 to index
    %swap3A_103 = arith.constant 64 : index
    %swap3A_104 = tpu.vector_load %arg14[%swap3A_102, %swap3A_103] {strides = array<i32>} : memref<2x128xf32, #tpu.memory_space<vmem>>, vector<1x16xf32>,
    %swap3A_105 = vector.shape_cast %swap3A_104 : vector<1x16xf32> to vector<16xf32>
    %swap3A_106 = vector.shape_cast %scan3A_46#12 : vector<16xf32> to vector<1x16xf32>
    tpu.vector_store %arg14[%swap3A_102, %swap3A_103], %swap3A_106 {strides = array<i32>} : memref<2x128xf32, #tpu.memory_space<vmem>>, vector<1x16xf32>,
    %swap3A_107 = arith.constant 0 : i32
    %swap3A_108 = arith.index_cast %swap3A_107 : i32 to index
    %swap3A_109 = arith.constant 80 : index
    %swap3A_110 = tpu.vector_load %arg14[%swap3A_108, %swap3A_109] {strides = array<i32>} : memref<2x128xf32, #tpu.memory_space<vmem>>, vector<1x16xf32>,
    %swap3A_111 = vector.shape_cast %swap3A_110 : vector<1x16xf32> to vector<16xf32>
    %swap3A_112 = vector.shape_cast %scan3A_46#5 : vector<16xf32> to vector<1x16xf32>
    tpu.vector_store %arg14[%swap3A_108, %swap3A_109], %swap3A_112 {strides = array<i32>} : memref<2x128xf32, #tpu.memory_space<vmem>>, vector<1x16xf32>,
    %swap3A_113 = arith.constant 1 : i32
    %swap3A_114 = arith.index_cast %swap3A_113 : i32 to index
    %swap3A_115 = arith.constant 80 : index
    %swap3A_116 = tpu.vector_load %arg14[%swap3A_114, %swap3A_115] {strides = array<i32>} : memref<2x128xf32, #tpu.memory_space<vmem>>, vector<1x16xf32>,
    %swap3A_117 = vector.shape_cast %swap3A_116 : vector<1x16xf32> to vector<16xf32>
    %swap3A_118 = vector.shape_cast %scan3A_46#13 : vector<16xf32> to vector<1x16xf32>
    tpu.vector_store %arg14[%swap3A_114, %swap3A_115], %swap3A_118 {strides = array<i32>} : memref<2x128xf32, #tpu.memory_space<vmem>>, vector<1x16xf32>,
    %swap3A_119 = arith.constant 0 : i32
    %swap3A_120 = arith.index_cast %swap3A_119 : i32 to index
    %swap3A_121 = arith.constant 96 : index
    %swap3A_122 = tpu.vector_load %arg14[%swap3A_120, %swap3A_121] {strides = array<i32>} : memref<2x128xf32, #tpu.memory_space<vmem>>, vector<1x16xf32>,
    %swap3A_123 = vector.shape_cast %swap3A_122 : vector<1x16xf32> to vector<16xf32>
    %swap3A_124 = vector.shape_cast %scan3A_46#6 : vector<16xf32> to vector<1x16xf32>
    tpu.vector_store %arg14[%swap3A_120, %swap3A_121], %swap3A_124 {strides = array<i32>} : memref<2x128xf32, #tpu.memory_space<vmem>>, vector<1x16xf32>,
    %swap3A_125 = arith.constant 1 : i32
    %swap3A_126 = arith.index_cast %swap3A_125 : i32 to index
    %swap3A_127 = arith.constant 96 : index
    %swap3A_128 = tpu.vector_load %arg14[%swap3A_126, %swap3A_127] {strides = array<i32>} : memref<2x128xf32, #tpu.memory_space<vmem>>, vector<1x16xf32>,
    %swap3A_129 = vector.shape_cast %swap3A_128 : vector<1x16xf32> to vector<16xf32>
    %swap3A_130 = vector.shape_cast %scan3A_46#14 : vector<16xf32> to vector<1x16xf32>
    tpu.vector_store %arg14[%swap3A_126, %swap3A_127], %swap3A_130 {strides = array<i32>} : memref<2x128xf32, #tpu.memory_space<vmem>>, vector<1x16xf32>,
    %swap3A_131 = arith.constant 0 : i32
    %swap3A_132 = arith.index_cast %swap3A_131 : i32 to index
    %swap3A_133 = arith.constant 112 : index
    %swap3A_134 = tpu.vector_load %arg14[%swap3A_132, %swap3A_133] {strides = array<i32>} : memref<2x128xf32, #tpu.memory_space<vmem>>, vector<1x16xf32>,
    %swap3A_135 = vector.shape_cast %swap3A_134 : vector<1x16xf32> to vector<16xf32>
    %swap3A_136 = vector.shape_cast %scan3A_46#7 : vector<16xf32> to vector<1x16xf32>
    tpu.vector_store %arg14[%swap3A_132, %swap3A_133], %swap3A_136 {strides = array<i32>} : memref<2x128xf32, #tpu.memory_space<vmem>>, vector<1x16xf32>,
    %swap3A_137 = arith.constant 1 : i32
    %swap3A_138 = arith.index_cast %swap3A_137 : i32 to index
    %swap3A_139 = arith.constant 112 : index
    %swap3A_140 = tpu.vector_load %arg14[%swap3A_138, %swap3A_139] {strides = array<i32>} : memref<2x128xf32, #tpu.memory_space<vmem>>, vector<1x16xf32>,
    %swap3A_141 = vector.shape_cast %swap3A_140 : vector<1x16xf32> to vector<16xf32>
    %swap3A_142 = vector.shape_cast %scan3A_46#15 : vector<16xf32> to vector<1x16xf32>
    tpu.vector_store %arg14[%swap3A_138, %swap3A_139], %swap3A_142 {strides = array<i32>} : memref<2x128xf32, #tpu.memory_space<vmem>>, vector<1x16xf32>,
    "tpu.region"() ({
      %run_scoped3A = tpu.sem_alloc : memref<!tpu.dma_semaphore, #tpu.memory_space<semaphore_mem>>
      %dma_start3A = arith.constant 0 : i32
      %dma_start3A_148 = arith.constant 0 : i32
      %dma_start3A_149 = tpu.memref_slice %arg10[%add3A, %dma_start3A, %dma_start3A_148] : memref<32x2x128xf32, #tpu.memory_space<hbm>> -> memref<1x2x128xf32, #tpu.memory_space<hbm>>
      %dma_start3A_150 = tpu.memref_squeeze %dma_start3A_149 : memref<1x2x128xf32, #tpu.memory_space<hbm>> -> memref<2x128xf32, #tpu.memory_space<hbm>>
      %dma_start3A_151 = arith.constant 0 : i32
      %dma_start3A_152 = arith.constant 0 : i32
      %dma_start3A_153 = tpu.memref_slice %arg10[%add3A, %dma_start3A_151, %dma_start3A_152] : memref<32x2x128xf32, #tpu.memory_space<hbm>> -> memref<1x2x128xf32, #tpu.memory_space<hbm>>
      %dma_start3A_154 = tpu.memref_squeeze %dma_start3A_153 : memref<1x2x128xf32, #tpu.memory_space<hbm>> -> memref<2x128xf32, #tpu.memory_space<hbm>>
      tpu.enqueue_dma source(%arg14 : memref<2x128xf32, #tpu.memory_space<vmem>>) target(%dma_start3A_154 : memref<2x128xf32, #tpu.memory_space<hbm>>) target_semaphore(%run_scoped3A : memref<!tpu.dma_semaphore, #tpu.memory_space<semaphore_mem>>)
      %dma_wait3A = arith.constant 0 : i32
      %dma_wait3A_155 = arith.constant 0 : i32
      %dma_wait3A_156 = tpu.memref_slice %arg10[%add3A, %dma_wait3A, %dma_wait3A_155] : memref<32x2x128xf32, #tpu.memory_space<hbm>> -> memref<1x2x128xf32, #tpu.memory_space<hbm>>
      %dma_wait3A_157 = tpu.memref_squeeze %dma_wait3A_156 : memref<1x2x128xf32, #tpu.memory_space<hbm>> -> memref<2x128xf32, #tpu.memory_space<hbm>>
      %dma_wait3A_158 = arith.constant 0 : i32
      %dma_wait3A_159 = arith.constant 0 : i32
      %dma_wait3A_160 = tpu.memref_slice %arg10[%add3A, %dma_wait3A_158, %dma_wait3A_159] : memref<32x2x128xf32, #tpu.memory_space<hbm>> -> memref<1x2x128xf32, #tpu.memory_space<hbm>>
      %dma_wait3A_161 = tpu.memref_squeeze %dma_wait3A_160 : memref<1x2x128xf32, #tpu.memory_space<hbm>> -> memref<2x128xf32, #tpu.memory_space<hbm>>
      tpu.wait_dma2 semaphore(%run_scoped3A : memref<!tpu.dma_semaphore, #tpu.memory_space<semaphore_mem>>) src(%arg14 : memref<2x128xf32, #tpu.memory_space<vmem>>) dst(%dma_wait3A_161 : memref<2x128xf32, #tpu.memory_space<hbm>>)
      tpu.yield
    }) : () -> ()
    %mul3A_143 = arith.constant 5120 : i32
    %mul3A_144 = arith.muli %arg0, %mul3A_143 : i32
    %mul3A_145 = arith.constant 320 : i32
    %mul3A_146 = arith.muli %arg1, %mul3A_145 : i32
    %add3A_147 = arith.addi %mul3A_144, %mul3A_146 : i32
    "tpu.region"() ({
      %run_scoped3A = tpu.sem_alloc : memref<!tpu.dma_semaphore, #tpu.memory_space<semaphore_mem>>
      %dma_start3A = arith.constant 0 : i32
      %dma_start3A_148 = tpu.memref_slice %arg9[%add3A_147, %dma_start3A] : memref<10240x128xf32, #tpu.memory_space<hbm>> -> memref<320x128xf32, #tpu.memory_space<hbm>>
      %dma_start3A_149 = arith.constant 0 : i32
      %dma_start3A_150 = tpu.memref_slice %arg9[%add3A_147, %dma_start3A_149] : memref<10240x128xf32, #tpu.memory_space<hbm>> -> memref<320x128xf32, #tpu.memory_space<hbm>>
      tpu.enqueue_dma source(%arg13 : memref<320x128xf32, #tpu.memory_space<vmem>>) target(%dma_start3A_150 : memref<320x128xf32, #tpu.memory_space<hbm>>) target_semaphore(%run_scoped3A : memref<!tpu.dma_semaphore, #tpu.memory_space<semaphore_mem>>)
      %dma_wait3A = arith.constant 0 : i32
      %dma_wait3A_151 = tpu.memref_slice %arg9[%add3A_147, %dma_wait3A] : memref<10240x128xf32, #tpu.memory_space<hbm>> -> memref<320x128xf32, #tpu.memory_space<hbm>>
      %dma_wait3A_152 = arith.constant 0 : i32
      %dma_wait3A_153 = tpu.memref_slice %arg9[%add3A_147, %dma_wait3A_152] : memref<10240x128xf32, #tpu.memory_space<hbm>> -> memref<320x128xf32, #tpu.memory_space<hbm>>
      tpu.wait_dma2 semaphore(%run_scoped3A : memref<!tpu.dma_semaphore, #tpu.memory_space<semaphore_mem>>) src(%arg13 : memref<320x128xf32, #tpu.memory_space<vmem>>) dst(%dma_wait3A_153 : memref<320x128xf32, #tpu.memory_space<hbm>>)
      tpu.yield
    }) : () -> ()
    return
  }
}

#map = affine_map<(d0, d1) -> (0, 0)>
#map1 = affine_map<(d0, d1) -> (0)>
#map2 = affine_map<(d0, d1) -> (0, 0, 0)>
module attributes {stable_mosaic.version = 14 : i64} {
  func.func @k(%arg0: i32, %arg1: i32, %arg2: memref<552960x128xf32, #tpu.memory_space<hbm>>, %arg3: memref<552960xi32, #tpu.memory_space<hbm>>, %arg4: memref<32xi32, #tpu.memory_space<hbm>>, %arg5: memref<32xi32, #tpu.memory_space<hbm>>, %arg6: memref<32xi32, #tpu.memory_space<hbm>>, %arg7: memref<32xi32, #tpu.memory_space<hbm>>, %arg8: memref<320x128xf32, #tpu.memory_space<hbm>>, %arg9: memref<10240x128xf32, #tpu.memory_space<hbm>>, %arg10: memref<32x2x128xf32, #tpu.memory_space<hbm>>, %arg11: memref<256xi32, #tpu.memory_space<vmem>>, %arg12: memref<256x128xf32, #tpu.memory_space<vmem>>, %arg13: memref<320x128xf32, #tpu.memory_space<vmem>>, %arg14: memref<2x128xf32, #tpu.memory_space<vmem>>, %arg15: memref<48xi32, #tpu.memory_space<vmem>>, %arg16: memref<48xi32, #tpu.memory_space<vmem>>, %arg17: memref<48xi32, #tpu.memory_space<vmem>>, %arg18: memref<48xi32, #tpu.memory_space<vmem>>, %arg19: memref<5120x128xf32, #tpu.memory_space<vmem_shared>>, %arg20: memref<!tpu.dma_semaphore, #tpu.memory_space<semaphore_mem>>) attributes {dimension_semantics = [#tpu.dimension_semantics<core_parallel>, #tpu.dimension_semantics<subcore_parallel>], iteration_bounds = array<i64: 2, 16>, scalar_prefetch = 0 : i64, scratch_operands = 10 : i64, tpu.core_type = #tpu.core_type<sc_vector_subcore>, window_params = [{transform_indices = #map}, {transform_indices = #map1}, {transform_indices = #map1}, {transform_indices = #map1}, {transform_indices = #map1}, {transform_indices = #map1}, {transform_indices = #map}, {transform_indices = #map}, {transform_indices = #map2}]} {
    %mul3A = arith.constant 2 : i32
    %mul3A_0 = arith.muli %arg1, %mul3A : i32
    %add3A = arith.addi %mul3A_0, %arg0 : i32
    "tpu.region"() ({
      %run_scoped3A = tpu.sem_alloc : memref<!tpu.dma_semaphore, #tpu.memory_space<semaphore_mem>>
      tpu.enqueue_dma source(%arg8 : memref<320x128xf32, #tpu.memory_space<hbm>>) target(%arg13 : memref<320x128xf32, #tpu.memory_space<vmem>>) target_semaphore(%run_scoped3A : memref<!tpu.dma_semaphore, #tpu.memory_space<semaphore_mem>>)
      tpu.wait_dma2 semaphore(%run_scoped3A : memref<!tpu.dma_semaphore, #tpu.memory_space<semaphore_mem>>) src(%arg8 : memref<320x128xf32, #tpu.memory_space<hbm>>) dst(%arg13 : memref<320x128xf32, #tpu.memory_space<vmem>>)
      tpu.yield
    }) : () -> ()
    %mul3A_1 = arith.constant 320 : i32
    %mul3A_2 = arith.muli %arg1, %mul3A_1 : i32
    "tpu.region"() ({
      %run_scoped3A = tpu.sem_alloc : memref<!tpu.dma_semaphore, #tpu.memory_space<semaphore_mem>>
      %dma_start3A = arith.constant 0 : i32
      %dma_start3A_148 = tpu.memref_slice %arg19[%mul3A_2, %dma_start3A] : memref<5120x128xf32, #tpu.memory_space<vmem_shared>> -> memref<320x128xf32, #tpu.memory_space<vmem_shared>>
      %dma_start3A_149 = arith.constant 0 : i32
      %dma_start3A_150 = tpu.memref_slice %arg19[%mul3A_2, %dma_start3A_149] : memref<5120x128xf32, #tpu.memory_space<vmem_shared>> -> memref<320x128xf32, #tpu.memory_space<vmem_shared>>
      tpu.enqueue_dma source(%arg13 : memref<320x128xf32, #tpu.memory_space<vmem>>) target(%dma_start3A_150 : memref<320x128xf32, #tpu.memory_space<vmem_shared>>) target_semaphore(%run_scoped3A : memref<!tpu.dma_semaphore, #tpu.memory_space<semaphore_mem>>)
      %dma_wait3A = arith.constant 0 : i32
      %dma_wait3A_151 = tpu.memref_slice %arg19[%mul3A_2, %dma_wait3A] : memref<5120x128xf32, #tpu.memory_space<vmem_shared>> -> memref<320x128xf32, #tpu.memory_space<vmem_shared>>
      %dma_wait3A_152 = arith.constant 0 : i32
      %dma_wait3A_153 = tpu.memref_slice %arg19[%mul3A_2, %dma_wait3A_152] : memref<5120x128xf32, #tpu.memory_space<vmem_shared>> -> memref<320x128xf32, #tpu.memory_space<vmem_shared>>
      tpu.wait_dma2 semaphore(%run_scoped3A : memref<!tpu.dma_semaphore, #tpu.memory_space<semaphore_mem>>) src(%arg13 : memref<320x128xf32, #tpu.memory_space<vmem>>) dst(%dma_wait3A_153 : memref<320x128xf32, #tpu.memory_space<vmem_shared>>)
      tpu.yield
    }) : () -> ()
    %barrier3A = arith.constant 0 : index
    tpu.barrier barrier_id(%barrier3A)
    "tpu.region"() ({
      %run_scoped3A = tpu.sem_alloc : memref<!tpu.dma_semaphore, #tpu.memory_space<semaphore_mem>>
      %dma_start3A = arith.constant 0 : i32
      %dma_start3A_148 = tpu.memref_slice %arg15[%dma_start3A] : memref<48xi32, #tpu.memory_space<vmem>> -> memref<32xi32, #tpu.memory_space<vmem>>
      %dma_start3A_149 = arith.constant 0 : i32
      %dma_start3A_150 = tpu.memref_slice %arg15[%dma_start3A_149] : memref<48xi32, #tpu.memory_space<vmem>> -> memref<32xi32, #tpu.memory_space<vmem>>
      tpu.enqueue_dma source(%arg4 : memref<32xi32, #tpu.memory_space<hbm>>) target(%dma_start3A_150 : memref<32xi32, #tpu.memory_space<vmem>>) target_semaphore(%run_scoped3A : memref<!tpu.dma_semaphore, #tpu.memory_space<semaphore_mem>>)
      %dma_wait3A = arith.constant 0 : i32
      %dma_wait3A_151 = tpu.memref_slice %arg15[%dma_wait3A] : memref<48xi32, #tpu.memory_space<vmem>> -> memref<32xi32, #tpu.memory_space<vmem>>
      %dma_wait3A_152 = arith.constant 0 : i32
      %dma_wait3A_153 = tpu.memref_slice %arg15[%dma_wait3A_152] : memref<48xi32, #tpu.memory_space<vmem>> -> memref<32xi32, #tpu.memory_space<vmem>>
      tpu.wait_dma2 semaphore(%run_scoped3A : memref<!tpu.dma_semaphore, #tpu.memory_space<semaphore_mem>>) src(%arg4 : memref<32xi32, #tpu.memory_space<hbm>>) dst(%dma_wait3A_153 : memref<32xi32, #tpu.memory_space<vmem>>)
      tpu.yield
    }) : () -> ()
    "tpu.region"() ({
      %run_scoped3A = tpu.sem_alloc : memref<!tpu.dma_semaphore, #tpu.memory_space<semaphore_mem>>
      %dma_start3A = arith.constant 0 : i32
      %dma_start3A_148 = tpu.memref_slice %arg16[%dma_start3A] : memref<48xi32, #tpu.memory_space<vmem>> -> memref<32xi32, #tpu.memory_space<vmem>>
      %dma_start3A_149 = arith.constant 0 : i32
      %dma_start3A_150 = tpu.memref_slice %arg16[%dma_start3A_149] : memref<48xi32, #tpu.memory_space<vmem>> -> memref<32xi32, #tpu.memory_space<vmem>>
      tpu.enqueue_dma source(%arg5 : memref<32xi32, #tpu.memory_space<hbm>>) target(%dma_start3A_150 : memref<32xi32, #tpu.memory_space<vmem>>) target_semaphore(%run_scoped3A : memref<!tpu.dma_semaphore, #tpu.memory_space<semaphore_mem>>)
      %dma_wait3A = arith.constant 0 : i32
      %dma_wait3A_151 = tpu.memref_slice %arg16[%dma_wait3A] : memref<48xi32, #tpu.memory_space<vmem>> -> memref<32xi32, #tpu.memory_space<vmem>>
      %dma_wait3A_152 = arith.constant 0 : i32
      %dma_wait3A_153 = tpu.memref_slice %arg16[%dma_wait3A_152] : memref<48xi32, #tpu.memory_space<vmem>> -> memref<32xi32, #tpu.memory_space<vmem>>
      tpu.wait_dma2 semaphore(%run_scoped3A : memref<!tpu.dma_semaphore, #tpu.memory_space<semaphore_mem>>) src(%arg5 : memref<32xi32, #tpu.memory_space<hbm>>) dst(%dma_wait3A_153 : memref<32xi32, #tpu.memory_space<vmem>>)
      tpu.yield
    }) : () -> ()
    "tpu.region"() ({
      %run_scoped3A = tpu.sem_alloc : memref<!tpu.dma_semaphore, #tpu.memory_space<semaphore_mem>>
      %dma_start3A = arith.constant 0 : i32
      %dma_start3A_148 = tpu.memref_slice %arg17[%dma_start3A] : memref<48xi32, #tpu.memory_space<vmem>> -> memref<32xi32, #tpu.memory_space<vmem>>
      %dma_start3A_149 = arith.constant 0 : i32
      %dma_start3A_150 = tpu.memref_slice %arg17[%dma_start3A_149] : memref<48xi32, #tpu.memory_space<vmem>> -> memref<32xi32, #tpu.memory_space<vmem>>
      tpu.enqueue_dma source(%arg6 : memref<32xi32, #tpu.memory_space<hbm>>) target(%dma_start3A_150 : memref<32xi32, #tpu.memory_space<vmem>>) target_semaphore(%run_scoped3A : memref<!tpu.dma_semaphore, #tpu.memory_space<semaphore_mem>>)
      %dma_wait3A = arith.constant 0 : i32
      %dma_wait3A_151 = tpu.memref_slice %arg17[%dma_wait3A] : memref<48xi32, #tpu.memory_space<vmem>> -> memref<32xi32, #tpu.memory_space<vmem>>
      %dma_wait3A_152 = arith.constant 0 : i32
      %dma_wait3A_153 = tpu.memref_slice %arg17[%dma_wait3A_152] : memref<48xi32, #tpu.memory_space<vmem>> -> memref<32xi32, #tpu.memory_space<vmem>>
      tpu.wait_dma2 semaphore(%run_scoped3A : memref<!tpu.dma_semaphore, #tpu.memory_space<semaphore_mem>>) src(%arg6 : memref<32xi32, #tpu.memory_space<hbm>>) dst(%dma_wait3A_153 : memref<32xi32, #tpu.memory_space<vmem>>)
      tpu.yield
    }) : () -> ()
    "tpu.region"() ({
      %run_scoped3A = tpu.sem_alloc : memref<!tpu.dma_semaphore, #tpu.memory_space<semaphore_mem>>
      %dma_start3A = arith.constant 0 : i32
      %dma_start3A_148 = tpu.memref_slice %arg18[%dma_start3A] : memref<48xi32, #tpu.memory_space<vmem>> -> memref<32xi32, #tpu.memory_space<vmem>>
      %dma_start3A_149 = arith.constant 0 : i32
      %dma_start3A_150 = tpu.memref_slice %arg18[%dma_start3A_149] : memref<48xi32, #tpu.memory_space<vmem>> -> memref<32xi32, #tpu.memory_space<vmem>>
      tpu.enqueue_dma source(%arg7 : memref<32xi32, #tpu.memory_space<hbm>>) target(%dma_start3A_150 : memref<32xi32, #tpu.memory_space<vmem>>) target_semaphore(%run_scoped3A : memref<!tpu.dma_semaphore, #tpu.memory_space<semaphore_mem>>)
      %dma_wait3A = arith.constant 0 : i32
      %dma_wait3A_151 = tpu.memref_slice %arg18[%dma_wait3A] : memref<48xi32, #tpu.memory_space<vmem>> -> memref<32xi32, #tpu.memory_space<vmem>>
      %dma_wait3A_152 = arith.constant 0 : i32
      %dma_wait3A_153 = tpu.memref_slice %arg18[%dma_wait3A_152] : memref<48xi32, #tpu.memory_space<vmem>> -> memref<32xi32, #tpu.memory_space<vmem>>
      tpu.wait_dma2 semaphore(%run_scoped3A : memref<!tpu.dma_semaphore, #tpu.memory_space<semaphore_mem>>) src(%arg7 : memref<32xi32, #tpu.memory_space<hbm>>) dst(%dma_wait3A_153 : memref<32xi32, #tpu.memory_space<vmem>>)
      tpu.yield
    }) : () -> ()
    %get3A = arith.index_cast %add3A : i32 to index
    %get3A_3 = tpu.vector_load %arg15[%get3A] {strides = array<i32>} : memref<48xi32, #tpu.memory_space<vmem>>, vector<16xi32>,
    %get3A_4 = vector.shape_cast %get3A_3 : vector<16xi32> to vector<16xi32>
    %slice3A = vector.extract_strided_slice %get3A_4 {offsets = [0], sizes = [1], strides = [1]} : vector<16xi32> to vector<1xi32>
    %squeeze3A = vector.extract %slice3A[0] : i32 from vector<1xi32>
    %get3A_5 = arith.index_cast %add3A : i32 to index
    %get3A_6 = tpu.vector_load %arg16[%get3A_5] {strides = array<i32>} : memref<48xi32, #tpu.memory_space<vmem>>, vector<16xi32>,
    %get3A_7 = vector.shape_cast %get3A_6 : vector<16xi32> to vector<16xi32>
    %slice3A_8 = vector.extract_strided_slice %get3A_7 {offsets = [0], sizes = [1], strides = [1]} : vector<16xi32> to vector<1xi32>
    %squeeze3A_9 = vector.extract %slice3A_8[0] : i32 from vector<1xi32>
    %while3A = arith.constant 0 : i32
    %while3A_10 = arith.constant 0 : i32
    %while3A_11 = arith.subi %squeeze3A_9, %while3A_10 : i32
    %while3A_12 = arith.addi %while3A_10, %while3A_11 : i32
    %while3A_13 = arith.constant 1 : i32
    %while3A_14 = arith.divsi %while3A_11, %while3A_13 : i32
    %while3A_15 = arith.muli %while3A_14, %while3A_13 : i32
    %while3A_16 = arith.addi %while3A_10, %while3A_15 : i32
    %while3A_17 = arith.constant 1 : i32
    scf.for %while3A_148 = %while3A_10 to %while3A_16 step %while3A_17  : i32 {
      %add3A_149 = arith.addi %squeeze3A, %while3A_148 : i32
      %mul3A_150 = arith.constant 256 : i32
      %mul3A_151 = arith.muli %add3A_149, %mul3A_150 : i32
      "tpu.region"() ({
        %run_scoped3A = tpu.sem_alloc : memref<!tpu.dma_semaphore, #tpu.memory_space<semaphore_mem>>
        %dma_start3A = arith.constant 0 : i32
        %dma_start3A_152 = tpu.memref_slice %arg2[%mul3A_151, %dma_start3A] : memref<552960x128xf32, #tpu.memory_space<hbm>> -> memref<256x128xf32, #tpu.memory_space<hbm>>
        %dma_start3A_153 = arith.constant 0 : i32
        %dma_start3A_154 = tpu.memref_slice %arg2[%mul3A_151, %dma_start3A_153] : memref<552960x128xf32, #tpu.memory_space<hbm>> -> memref<256x128xf32, #tpu.memory_space<hbm>>
        tpu.enqueue_dma source(%dma_start3A_154 : memref<256x128xf32, #tpu.memory_space<hbm>>) target(%arg12 : memref<256x128xf32, #tpu.memory_space<vmem>>) target_semaphore(%run_scoped3A : memref<!tpu.dma_semaphore, #tpu.memory_space<semaphore_mem>>)
        %dma_wait3A = arith.constant 0 : i32
        %dma_wait3A_155 = tpu.memref_slice %arg2[%mul3A_151, %dma_wait3A] : memref<552960x128xf32, #tpu.memory_space<hbm>> -> memref<256x128xf32, #tpu.memory_space<hbm>>
        %dma_wait3A_156 = arith.constant 0 : i32
        %dma_wait3A_157 = tpu.memref_slice %arg2[%mul3A_151, %dma_wait3A_156] : memref<552960x128xf32, #tpu.memory_space<hbm>> -> memref<256x128xf32, #tpu.memory_space<hbm>>
        tpu.wait_dma2 semaphore(%run_scoped3A : memref<!tpu.dma_semaphore, #tpu.memory_space<semaphore_mem>>) src(%dma_wait3A_157 : memref<256x128xf32, #tpu.memory_space<hbm>>) dst(%arg12 : memref<256x128xf32, #tpu.memory_space<vmem>>)
        tpu.yield
      }) : () -> ()
      "tpu.region"() ({
        %run_scoped3A = tpu.sem_alloc : memref<!tpu.dma_semaphore, #tpu.memory_space<semaphore_mem>>
        %dma_start3A = tpu.memref_slice %arg3[%mul3A_151] : memref<552960xi32, #tpu.memory_space<hbm>> -> memref<256xi32, #tpu.memory_space<hbm>>
        %dma_start3A_152 = tpu.memref_slice %arg3[%mul3A_151] : memref<552960xi32, #tpu.memory_space<hbm>> -> memref<256xi32, #tpu.memory_space<hbm>>
        tpu.enqueue_dma source(%dma_start3A_152 : memref<256xi32, #tpu.memory_space<hbm>>) target(%arg11 : memref<256xi32, #tpu.memory_space<vmem>>) target_semaphore(%run_scoped3A : memref<!tpu.dma_semaphore, #tpu.memory_space<semaphore_mem>>)
        %dma_wait3A = tpu.memref_slice %arg3[%mul3A_151] : memref<552960xi32, #tpu.memory_space<hbm>> -> memref<256xi32, #tpu.memory_space<hbm>>
        %dma_wait3A_153 = tpu.memref_slice %arg3[%mul3A_151] : memref<552960xi32, #tpu.memory_space<hbm>> -> memref<256xi32, #tpu.memory_space<hbm>>
        tpu.wait_dma2 semaphore(%run_scoped3A : memref<!tpu.dma_semaphore, #tpu.memory_space<semaphore_mem>>) src(%dma_wait3A_153 : memref<256xi32, #tpu.memory_space<hbm>>) dst(%arg11 : memref<256xi32, #tpu.memory_space<vmem>>)
        tpu.yield
      }) : () -> ()
      "tpu.region"() ({
        %run_scoped3A = tpu.sem_alloc : memref<!tpu.dma_semaphore, #tpu.memory_space<semaphore_mem>>
        %dma_start3A = arith.constant 0 : i32
        %dma_start3A_152 = arith.constant 0 : i32
        %dma_start3A_153 = tpu.memref_slice %arg19[%dma_start3A, %dma_start3A_152] : memref<5120x128xf32, #tpu.memory_space<vmem_shared>> -> memref<5120x128xf32, #tpu.memory_space<vmem_shared>>
        tpu.enqueue_indirect_dma source(%arg12 : memref<256x128xf32, #tpu.memory_space<vmem>>) target(%dma_start3A_153 : memref<5120x128xf32, #tpu.memory_space<vmem_shared>>) offsets(%arg11 : memref<256xi32, #tpu.memory_space<vmem>>) semaphore(%run_scoped3A : memref<!tpu.dma_semaphore, #tpu.memory_space<semaphore_mem>>) {add = true}
        %dma_wait3A = arith.constant 0 : i32
        %dma_wait3A_154 = arith.constant 0 : i32
        %dma_wait3A_155 = tpu.memref_slice %arg19[%dma_wait3A, %dma_wait3A_154] : memref<5120x128xf32, #tpu.memory_space<vmem_shared>> -> memref<5120x128xf32, #tpu.memory_space<vmem_shared>>
        tpu.wait_indirect_dma semaphore(%run_scoped3A : memref<!tpu.dma_semaphore, #tpu.memory_space<semaphore_mem>>) src(%arg12 : memref<256x128xf32, #tpu.memory_space<vmem>>) dst(%dma_wait3A_155 : memref<5120x128xf32, #tpu.memory_space<vmem_shared>>)
        tpu.yield
      }) : () -> ()
    }
    %while3A_18 = arith.constant 1 : i32
    scf.for %while3A_148 = %while3A_16 to %while3A_12 step %while3A_18  : i32 {
      %add3A_149 = arith.addi %squeeze3A, %while3A_148 : i32
      %mul3A_150 = arith.constant 256 : i32
      %mul3A_151 = arith.muli %add3A_149, %mul3A_150 : i32
      "tpu.region"() ({
        %run_scoped3A = tpu.sem_alloc : memref<!tpu.dma_semaphore, #tpu.memory_space<semaphore_mem>>
        %dma_start3A = arith.constant 0 : i32
        %dma_start3A_152 = tpu.memref_slice %arg2[%mul3A_151, %dma_start3A] : memref<552960x128xf32, #tpu.memory_space<hbm>> -> memref<256x128xf32, #tpu.memory_space<hbm>>
        %dma_start3A_153 = arith.constant 0 : i32
        %dma_start3A_154 = tpu.memref_slice %arg2[%mul3A_151, %dma_start3A_153] : memref<552960x128xf32, #tpu.memory_space<hbm>> -> memref<256x128xf32, #tpu.memory_space<hbm>>
        tpu.enqueue_dma source(%dma_start3A_154 : memref<256x128xf32, #tpu.memory_space<hbm>>) target(%arg12 : memref<256x128xf32, #tpu.memory_space<vmem>>) target_semaphore(%run_scoped3A : memref<!tpu.dma_semaphore, #tpu.memory_space<semaphore_mem>>)
        %dma_wait3A = arith.constant 0 : i32
        %dma_wait3A_155 = tpu.memref_slice %arg2[%mul3A_151, %dma_wait3A] : memref<552960x128xf32, #tpu.memory_space<hbm>> -> memref<256x128xf32, #tpu.memory_space<hbm>>
        %dma_wait3A_156 = arith.constant 0 : i32
        %dma_wait3A_157 = tpu.memref_slice %arg2[%mul3A_151, %dma_wait3A_156] : memref<552960x128xf32, #tpu.memory_space<hbm>> -> memref<256x128xf32, #tpu.memory_space<hbm>>
        tpu.wait_dma2 semaphore(%run_scoped3A : memref<!tpu.dma_semaphore, #tpu.memory_space<semaphore_mem>>) src(%dma_wait3A_157 : memref<256x128xf32, #tpu.memory_space<hbm>>) dst(%arg12 : memref<256x128xf32, #tpu.memory_space<vmem>>)
        tpu.yield
      }) : () -> ()
      "tpu.region"() ({
        %run_scoped3A = tpu.sem_alloc : memref<!tpu.dma_semaphore, #tpu.memory_space<semaphore_mem>>
        %dma_start3A = tpu.memref_slice %arg3[%mul3A_151] : memref<552960xi32, #tpu.memory_space<hbm>> -> memref<256xi32, #tpu.memory_space<hbm>>
        %dma_start3A_152 = tpu.memref_slice %arg3[%mul3A_151] : memref<552960xi32, #tpu.memory_space<hbm>> -> memref<256xi32, #tpu.memory_space<hbm>>
        tpu.enqueue_dma source(%dma_start3A_152 : memref<256xi32, #tpu.memory_space<hbm>>) target(%arg11 : memref<256xi32, #tpu.memory_space<vmem>>) target_semaphore(%run_scoped3A : memref<!tpu.dma_semaphore, #tpu.memory_space<semaphore_mem>>)
        %dma_wait3A = tpu.memref_slice %arg3[%mul3A_151] : memref<552960xi32, #tpu.memory_space<hbm>> -> memref<256xi32, #tpu.memory_space<hbm>>
        %dma_wait3A_153 = tpu.memref_slice %arg3[%mul3A_151] : memref<552960xi32, #tpu.memory_space<hbm>> -> memref<256xi32, #tpu.memory_space<hbm>>
        tpu.wait_dma2 semaphore(%run_scoped3A : memref<!tpu.dma_semaphore, #tpu.memory_space<semaphore_mem>>) src(%dma_wait3A_153 : memref<256xi32, #tpu.memory_space<hbm>>) dst(%arg11 : memref<256xi32, #tpu.memory_space<vmem>>)
        tpu.yield
      }) : () -> ()
      "tpu.region"() ({
        %run_scoped3A = tpu.sem_alloc : memref<!tpu.dma_semaphore, #tpu.memory_space<semaphore_mem>>
        %dma_start3A = arith.constant 0 : i32
        %dma_start3A_152 = arith.constant 0 : i32
        %dma_start3A_153 = tpu.memref_slice %arg19[%dma_start3A, %dma_start3A_152] : memref<5120x128xf32, #tpu.memory_space<vmem_shared>> -> memref<5120x128xf32, #tpu.memory_space<vmem_shared>>
        tpu.enqueue_indirect_dma source(%arg12 : memref<256x128xf32, #tpu.memory_space<vmem>>) target(%dma_start3A_153 : memref<5120x128xf32, #tpu.memory_space<vmem_shared>>) offsets(%arg11 : memref<256xi32, #tpu.memory_space<vmem>>) semaphore(%run_scoped3A : memref<!tpu.dma_semaphore, #tpu.memory_space<semaphore_mem>>) {add = true}
        %dma_wait3A = arith.constant 0 : i32
        %dma_wait3A_154 = arith.constant 0 : i32
        %dma_wait3A_155 = tpu.memref_slice %arg19[%dma_wait3A, %dma_wait3A_154] : memref<5120x128xf32, #tpu.memory_space<vmem_shared>> -> memref<5120x128xf32, #tpu.memory_space<vmem_shared>>
        tpu.wait_indirect_dma semaphore(%run_scoped3A : memref<!tpu.dma_semaphore, #tpu.memory_space<semaphore_mem>>) src(%arg12 : memref<256x128xf32, #tpu.memory_space<vmem>>) dst(%dma_wait3A_155 : memref<5120x128xf32, #tpu.memory_space<vmem_shared>>)
        tpu.yield
      }) : () -> ()
    }
    %get3A_19 = arith.index_cast %add3A : i32 to index
    %get3A_20 = tpu.vector_load %arg17[%get3A_19] {strides = array<i32>} : memref<48xi32, #tpu.memory_space<vmem>>, vector<16xi32>,
    %get3A_21 = vector.shape_cast %get3A_20 : vector<16xi32> to vector<16xi32>
    %slice3A_22 = vector.extract_strided_slice %get3A_21 {offsets = [0], sizes = [1], strides = [1]} : vector<16xi32> to vector<1xi32>
    %squeeze3A_23 = vector.extract %slice3A_22[0] : i32 from vector<1xi32>
    %get3A_24 = arith.index_cast %add3A : i32 to index
    %get3A_25 = tpu.vector_load %arg18[%get3A_24] {strides = array<i32>} : memref<48xi32, #tpu.memory_space<vmem>>, vector<16xi32>,
    %get3A_26 = vector.shape_cast %get3A_25 : vector<16xi32> to vector<16xi32>
    %slice3A_27 = vector.extract_strided_slice %get3A_26 {offsets = [0], sizes = [1], strides = [1]} : vector<16xi32> to vector<1xi32>
    %squeeze3A_28 = vector.extract %slice3A_27[0] : i32 from vector<1xi32>
    %while3A_29 = arith.constant 0 : i32
    %while3A_30 = arith.constant 0 : i32
    %while3A_31 = arith.subi %squeeze3A_28, %while3A_30 : i32
    %while3A_32 = arith.addi %while3A_30, %while3A_31 : i32
    %while3A_33 = arith.constant 1 : i32
    %while3A_34 = arith.divsi %while3A_31, %while3A_33 : i32
    %while3A_35 = arith.muli %while3A_34, %while3A_33 : i32
    %while3A_36 = arith.addi %while3A_30, %while3A_35 : i32
    %while3A_37 = arith.constant 1 : i32
    scf.for %while3A_148 = %while3A_30 to %while3A_36 step %while3A_37  : i32 {
      %add3A_149 = arith.addi %squeeze3A_23, %while3A_148 : i32
      %mul3A_150 = arith.constant 256 : i32
      %mul3A_151 = arith.muli %add3A_149, %mul3A_150 : i32
      "tpu.region"() ({
        %run_scoped3A = tpu.sem_alloc : memref<!tpu.dma_semaphore, #tpu.memory_space<semaphore_mem>>
        %dma_start3A = arith.constant 0 : i32
        %dma_start3A_152 = tpu.memref_slice %arg2[%mul3A_151, %dma_start3A] : memref<552960x128xf32, #tpu.memory_space<hbm>> -> memref<256x128xf32, #tpu.memory_space<hbm>>
        %dma_start3A_153 = arith.constant 0 : i32
        %dma_start3A_154 = tpu.memref_slice %arg2[%mul3A_151, %dma_start3A_153] : memref<552960x128xf32, #tpu.memory_space<hbm>> -> memref<256x128xf32, #tpu.memory_space<hbm>>
        tpu.enqueue_dma source(%dma_start3A_154 : memref<256x128xf32, #tpu.memory_space<hbm>>) target(%arg12 : memref<256x128xf32, #tpu.memory_space<vmem>>) target_semaphore(%run_scoped3A : memref<!tpu.dma_semaphore, #tpu.memory_space<semaphore_mem>>)
        %dma_wait3A = arith.constant 0 : i32
        %dma_wait3A_155 = tpu.memref_slice %arg2[%mul3A_151, %dma_wait3A] : memref<552960x128xf32, #tpu.memory_space<hbm>> -> memref<256x128xf32, #tpu.memory_space<hbm>>
        %dma_wait3A_156 = arith.constant 0 : i32
        %dma_wait3A_157 = tpu.memref_slice %arg2[%mul3A_151, %dma_wait3A_156] : memref<552960x128xf32, #tpu.memory_space<hbm>> -> memref<256x128xf32, #tpu.memory_space<hbm>>
        tpu.wait_dma2 semaphore(%run_scoped3A : memref<!tpu.dma_semaphore, #tpu.memory_space<semaphore_mem>>) src(%dma_wait3A_157 : memref<256x128xf32, #tpu.memory_space<hbm>>) dst(%arg12 : memref<256x128xf32, #tpu.memory_space<vmem>>)
        tpu.yield
      }) : () -> ()
      "tpu.region"() ({
        %run_scoped3A = tpu.sem_alloc : memref<!tpu.dma_semaphore, #tpu.memory_space<semaphore_mem>>
        %dma_start3A = tpu.memref_slice %arg3[%mul3A_151] : memref<552960xi32, #tpu.memory_space<hbm>> -> memref<256xi32, #tpu.memory_space<hbm>>
        %dma_start3A_152 = tpu.memref_slice %arg3[%mul3A_151] : memref<552960xi32, #tpu.memory_space<hbm>> -> memref<256xi32, #tpu.memory_space<hbm>>
        tpu.enqueue_dma source(%dma_start3A_152 : memref<256xi32, #tpu.memory_space<hbm>>) target(%arg11 : memref<256xi32, #tpu.memory_space<vmem>>) target_semaphore(%run_scoped3A : memref<!tpu.dma_semaphore, #tpu.memory_space<semaphore_mem>>)
        %dma_wait3A = tpu.memref_slice %arg3[%mul3A_151] : memref<552960xi32, #tpu.memory_space<hbm>> -> memref<256xi32, #tpu.memory_space<hbm>>
        %dma_wait3A_153 = tpu.memref_slice %arg3[%mul3A_151] : memref<552960xi32, #tpu.memory_space<hbm>> -> memref<256xi32, #tpu.memory_space<hbm>>
        tpu.wait_dma2 semaphore(%run_scoped3A : memref<!tpu.dma_semaphore, #tpu.memory_space<semaphore_mem>>) src(%dma_wait3A_153 : memref<256xi32, #tpu.memory_space<hbm>>) dst(%arg11 : memref<256xi32, #tpu.memory_space<vmem>>)
        tpu.yield
      }) : () -> ()
      "tpu.region"() ({
        %run_scoped3A = tpu.sem_alloc : memref<!tpu.dma_semaphore, #tpu.memory_space<semaphore_mem>>
        %dma_start3A = arith.constant 0 : i32
        %dma_start3A_152 = arith.constant 0 : i32
        %dma_start3A_153 = tpu.memref_slice %arg19[%dma_start3A, %dma_start3A_152] : memref<5120x128xf32, #tpu.memory_space<vmem_shared>> -> memref<5120x128xf32, #tpu.memory_space<vmem_shared>>
        tpu.enqueue_indirect_dma source(%arg12 : memref<256x128xf32, #tpu.memory_space<vmem>>) target(%dma_start3A_153 : memref<5120x128xf32, #tpu.memory_space<vmem_shared>>) offsets(%arg11 : memref<256xi32, #tpu.memory_space<vmem>>) semaphore(%run_scoped3A : memref<!tpu.dma_semaphore, #tpu.memory_space<semaphore_mem>>) {add = true}
        %dma_wait3A = arith.constant 0 : i32
        %dma_wait3A_154 = arith.constant 0 : i32
        %dma_wait3A_155 = tpu.memref_slice %arg19[%dma_wait3A, %dma_wait3A_154] : memref<5120x128xf32, #tpu.memory_space<vmem_shared>> -> memref<5120x128xf32, #tpu.memory_space<vmem_shared>>
        tpu.wait_indirect_dma semaphore(%run_scoped3A : memref<!tpu.dma_semaphore, #tpu.memory_space<semaphore_mem>>) src(%arg12 : memref<256x128xf32, #tpu.memory_space<vmem>>) dst(%dma_wait3A_155 : memref<5120x128xf32, #tpu.memory_space<vmem_shared>>)
        tpu.yield
      }) : () -> ()
    }
    %while3A_38 = arith.constant 1 : i32
    scf.for %while3A_148 = %while3A_36 to %while3A_32 step %while3A_38  : i32 {
      %add3A_149 = arith.addi %squeeze3A_23, %while3A_148 : i32
      %mul3A_150 = arith.constant 256 : i32
      %mul3A_151 = arith.muli %add3A_149, %mul3A_150 : i32
      "tpu.region"() ({
        %run_scoped3A = tpu.sem_alloc : memref<!tpu.dma_semaphore, #tpu.memory_space<semaphore_mem>>
        %dma_start3A = arith.constant 0 : i32
        %dma_start3A_152 = tpu.memref_slice %arg2[%mul3A_151, %dma_start3A] : memref<552960x128xf32, #tpu.memory_space<hbm>> -> memref<256x128xf32, #tpu.memory_space<hbm>>
        %dma_start3A_153 = arith.constant 0 : i32
        %dma_start3A_154 = tpu.memref_slice %arg2[%mul3A_151, %dma_start3A_153] : memref<552960x128xf32, #tpu.memory_space<hbm>> -> memref<256x128xf32, #tpu.memory_space<hbm>>
        tpu.enqueue_dma source(%dma_start3A_154 : memref<256x128xf32, #tpu.memory_space<hbm>>) target(%arg12 : memref<256x128xf32, #tpu.memory_space<vmem>>) target_semaphore(%run_scoped3A : memref<!tpu.dma_semaphore, #tpu.memory_space<semaphore_mem>>)
        %dma_wait3A = arith.constant 0 : i32
        %dma_wait3A_155 = tpu.memref_slice %arg2[%mul3A_151, %dma_wait3A] : memref<552960x128xf32, #tpu.memory_space<hbm>> -> memref<256x128xf32, #tpu.memory_space<hbm>>
        %dma_wait3A_156 = arith.constant 0 : i32
        %dma_wait3A_157 = tpu.memref_slice %arg2[%mul3A_151, %dma_wait3A_156] : memref<552960x128xf32, #tpu.memory_space<hbm>> -> memref<256x128xf32, #tpu.memory_space<hbm>>
        tpu.wait_dma2 semaphore(%run_scoped3A : memref<!tpu.dma_semaphore, #tpu.memory_space<semaphore_mem>>) src(%dma_wait3A_157 : memref<256x128xf32, #tpu.memory_space<hbm>>) dst(%arg12 : memref<256x128xf32, #tpu.memory_space<vmem>>)
        tpu.yield
      }) : () -> ()
      "tpu.region"() ({
        %run_scoped3A = tpu.sem_alloc : memref<!tpu.dma_semaphore, #tpu.memory_space<semaphore_mem>>
        %dma_start3A = tpu.memref_slice %arg3[%mul3A_151] : memref<552960xi32, #tpu.memory_space<hbm>> -> memref<256xi32, #tpu.memory_space<hbm>>
        %dma_start3A_152 = tpu.memref_slice %arg3[%mul3A_151] : memref<552960xi32, #tpu.memory_space<hbm>> -> memref<256xi32, #tpu.memory_space<hbm>>
        tpu.enqueue_dma source(%dma_start3A_152 : memref<256xi32, #tpu.memory_space<hbm>>) target(%arg11 : memref<256xi32, #tpu.memory_space<vmem>>) target_semaphore(%run_scoped3A : memref<!tpu.dma_semaphore, #tpu.memory_space<semaphore_mem>>)
        %dma_wait3A = tpu.memref_slice %arg3[%mul3A_151] : memref<552960xi32, #tpu.memory_space<hbm>> -> memref<256xi32, #tpu.memory_space<hbm>>
        %dma_wait3A_153 = tpu.memref_slice %arg3[%mul3A_151] : memref<552960xi32, #tpu.memory_space<hbm>> -> memref<256xi32, #tpu.memory_space<hbm>>
        tpu.wait_dma2 semaphore(%run_scoped3A : memref<!tpu.dma_semaphore, #tpu.memory_space<semaphore_mem>>) src(%dma_wait3A_153 : memref<256xi32, #tpu.memory_space<hbm>>) dst(%arg11 : memref<256xi32, #tpu.memory_space<vmem>>)
        tpu.yield
      }) : () -> ()
      "tpu.region"() ({
        %run_scoped3A = tpu.sem_alloc : memref<!tpu.dma_semaphore, #tpu.memory_space<semaphore_mem>>
        %dma_start3A = arith.constant 0 : i32
        %dma_start3A_152 = arith.constant 0 : i32
        %dma_start3A_153 = tpu.memref_slice %arg19[%dma_start3A, %dma_start3A_152] : memref<5120x128xf32, #tpu.memory_space<vmem_shared>> -> memref<5120x128xf32, #tpu.memory_space<vmem_shared>>
        tpu.enqueue_indirect_dma source(%arg12 : memref<256x128xf32, #tpu.memory_space<vmem>>) target(%dma_start3A_153 : memref<5120x128xf32, #tpu.memory_space<vmem_shared>>) offsets(%arg11 : memref<256xi32, #tpu.memory_space<vmem>>) semaphore(%run_scoped3A : memref<!tpu.dma_semaphore, #tpu.memory_space<semaphore_mem>>) {add = true}
        %dma_wait3A = arith.constant 0 : i32
        %dma_wait3A_154 = arith.constant 0 : i32
        %dma_wait3A_155 = tpu.memref_slice %arg19[%dma_wait3A, %dma_wait3A_154] : memref<5120x128xf32, #tpu.memory_space<vmem_shared>> -> memref<5120x128xf32, #tpu.memory_space<vmem_shared>>
        tpu.wait_indirect_dma semaphore(%run_scoped3A : memref<!tpu.dma_semaphore, #tpu.memory_space<semaphore_mem>>) src(%arg12 : memref<256x128xf32, #tpu.memory_space<vmem>>) dst(%dma_wait3A_155 : memref<5120x128xf32, #tpu.memory_space<vmem_shared>>)
        tpu.yield
      }) : () -> ()
    }
    %barrier3A_39 = arith.constant 0 : index
    tpu.barrier barrier_id(%barrier3A_39)
    %mul3A_40 = arith.constant 320 : i32
    %mul3A_41 = arith.muli %arg1, %mul3A_40 : i32
    "tpu.region"() ({
      %run_scoped3A = tpu.sem_alloc : memref<!tpu.dma_semaphore, #tpu.memory_space<semaphore_mem>>
      %dma_start3A = arith.constant 0 : i32
      %dma_start3A_148 = tpu.memref_slice %arg19[%mul3A_41, %dma_start3A] : memref<5120x128xf32, #tpu.memory_space<vmem_shared>> -> memref<320x128xf32, #tpu.memory_space<vmem_shared>>
      %dma_start3A_149 = arith.constant 0 : i32
      %dma_start3A_150 = tpu.memref_slice %arg19[%mul3A_41, %dma_start3A_149] : memref<5120x128xf32, #tpu.memory_space<vmem_shared>> -> memref<320x128xf32, #tpu.memory_space<vmem_shared>>
      tpu.enqueue_dma source(%dma_start3A_150 : memref<320x128xf32, #tpu.memory_space<vmem_shared>>) target(%arg13 : memref<320x128xf32, #tpu.memory_space<vmem>>) target_semaphore(%run_scoped3A : memref<!tpu.dma_semaphore, #tpu.memory_space<semaphore_mem>>)
      %dma_wait3A = arith.constant 0 : i32
      %dma_wait3A_151 = tpu.memref_slice %arg19[%mul3A_41, %dma_wait3A] : memref<5120x128xf32, #tpu.memory_space<vmem_shared>> -> memref<320x128xf32, #tpu.memory_space<vmem_shared>>
      %dma_wait3A_152 = arith.constant 0 : i32
      %dma_wait3A_153 = tpu.memref_slice %arg19[%mul3A_41, %dma_wait3A_152] : memref<5120x128xf32, #tpu.memory_space<vmem_shared>> -> memref<320x128xf32, #tpu.memory_space<vmem_shared>>
      tpu.wait_dma2 semaphore(%run_scoped3A : memref<!tpu.dma_semaphore, #tpu.memory_space<semaphore_mem>>) src(%dma_wait3A_153 : memref<320x128xf32, #tpu.memory_space<vmem_shared>>) dst(%arg13 : memref<320x128xf32, #tpu.memory_space<vmem>>)
      tpu.yield
    }) : () -> ()
    %broadcast_in_dim3A = arith.constant 0.000000e+00 : f32
    %broadcast_in_dim3A_42 = vector.broadcast %broadcast_in_dim3A : f32 to vector<16xf32>
    %scan3A = arith.constant 0 : i32
    %scan3A_43 = arith.constant 320 : i32
    %scan3A_44 = arith.addi %scan3A, %scan3A_43 : i32
    %scan3A_45 = arith.constant 1 : i32
    %scan3A_46:16 = scf.for %scan3A_148 = %scan3A to %scan3A_44 step %scan3A_45 iter_args(%scan3A_149 = %broadcast_in_dim3A_42, %scan3A_150 = %broadcast_in_dim3A_42, %scan3A_151 = %broadcast_in_dim3A_42, %scan3A_152 = %broadcast_in_dim3A_42, %scan3A_153 = %broadcast_in_dim3A_42, %scan3A_154 = %broadcast_in_dim3A_42, %scan3A_155 = %broadcast_in_dim3A_42, %scan3A_156 = %broadcast_in_dim3A_42, %scan3A_157 = %broadcast_in_dim3A_42, %scan3A_158 = %broadcast_in_dim3A_42, %scan3A_159 = %broadcast_in_dim3A_42, %scan3A_160 = %broadcast_in_dim3A_42, %scan3A_161 = %broadcast_in_dim3A_42, %scan3A_162 = %broadcast_in_dim3A_42, %scan3A_163 = %broadcast_in_dim3A_42, %scan3A_164 = %broadcast_in_dim3A_42) -> (vector<16xf32>, vector<16xf32>, vector<16xf32>, vector<16xf32>, vector<16xf32>, vector<16xf32>, vector<16xf32>, vector<16xf32>, vector<16xf32>, vector<16xf32>, vector<16xf32>, vector<16xf32>, vector<16xf32>, vector<16xf32>, vector<16xf32>, vector<16xf32>)  : i32 {
      %get3A_165 = arith.index_cast %scan3A_148 : i32 to index
      %get3A_166 = arith.constant 0 : index
      %get3A_167 = tpu.vector_load %arg13[%get3A_165, %get3A_166] {strides = array<i32>} : memref<320x128xf32, #tpu.memory_space<vmem>>, vector<1x16xf32>,
      %get3A_168 = vector.shape_cast %get3A_167 : vector<1x16xf32> to vector<16xf32>
      %add3A_169 = arith.addf %scan3A_149, %get3A_168 : vector<16xf32>
      %mul3A_170 = arith.mulf %get3A_168, %get3A_168 : vector<16xf32>
      %add3A_171 = arith.addf %scan3A_157, %mul3A_170 : vector<16xf32>
      %get3A_172 = arith.index_cast %scan3A_148 : i32 to index
      %get3A_173 = arith.constant 16 : index
      %get3A_174 = tpu.vector_load %arg13[%get3A_172, %get3A_173] {strides = array<i32>} : memref<320x128xf32, #tpu.memory_space<vmem>>, vector<1x16xf32>,
      %get3A_175 = vector.shape_cast %get3A_174 : vector<1x16xf32> to vector<16xf32>
      %add3A_176 = arith.addf %scan3A_150, %get3A_175 : vector<16xf32>
      %mul3A_177 = arith.mulf %get3A_175, %get3A_175 : vector<16xf32>
      %add3A_178 = arith.addf %scan3A_158, %mul3A_177 : vector<16xf32>
      %get3A_179 = arith.index_cast %scan3A_148 : i32 to index
      %get3A_180 = arith.constant 32 : index
      %get3A_181 = tpu.vector_load %arg13[%get3A_179, %get3A_180] {strides = array<i32>} : memref<320x128xf32, #tpu.memory_space<vmem>>, vector<1x16xf32>,
      %get3A_182 = vector.shape_cast %get3A_181 : vector<1x16xf32> to vector<16xf32>
      %add3A_183 = arith.addf %scan3A_151, %get3A_182 : vector<16xf32>
      %mul3A_184 = arith.mulf %get3A_182, %get3A_182 : vector<16xf32>
      %add3A_185 = arith.addf %scan3A_159, %mul3A_184 : vector<16xf32>
      %get3A_186 = arith.index_cast %scan3A_148 : i32 to index
      %get3A_187 = arith.constant 48 : index
      %get3A_188 = tpu.vector_load %arg13[%get3A_186, %get3A_187] {strides = array<i32>} : memref<320x128xf32, #tpu.memory_space<vmem>>, vector<1x16xf32>,
      %get3A_189 = vector.shape_cast %get3A_188 : vector<1x16xf32> to vector<16xf32>
      %add3A_190 = arith.addf %scan3A_152, %get3A_189 : vector<16xf32>
      %mul3A_191 = arith.mulf %get3A_189, %get3A_189 : vector<16xf32>
      %add3A_192 = arith.addf %scan3A_160, %mul3A_191 : vector<16xf32>
      %get3A_193 = arith.index_cast %scan3A_148 : i32 to index
      %get3A_194 = arith.constant 64 : index
      %get3A_195 = tpu.vector_load %arg13[%get3A_193, %get3A_194] {strides = array<i32>} : memref<320x128xf32, #tpu.memory_space<vmem>>, vector<1x16xf32>,
      %get3A_196 = vector.shape_cast %get3A_195 : vector<1x16xf32> to vector<16xf32>
      %add3A_197 = arith.addf %scan3A_153, %get3A_196 : vector<16xf32>
      %mul3A_198 = arith.mulf %get3A_196, %get3A_196 : vector<16xf32>
      %add3A_199 = arith.addf %scan3A_161, %mul3A_198 : vector<16xf32>
      %get3A_200 = arith.index_cast %scan3A_148 : i32 to index
      %get3A_201 = arith.constant 80 : index
      %get3A_202 = tpu.vector_load %arg13[%get3A_200, %get3A_201] {strides = array<i32>} : memref<320x128xf32, #tpu.memory_space<vmem>>, vector<1x16xf32>,
      %get3A_203 = vector.shape_cast %get3A_202 : vector<1x16xf32> to vector<16xf32>
      %add3A_204 = arith.addf %scan3A_154, %get3A_203 : vector<16xf32>
      %mul3A_205 = arith.mulf %get3A_203, %get3A_203 : vector<16xf32>
      %add3A_206 = arith.addf %scan3A_162, %mul3A_205 : vector<16xf32>
      %get3A_207 = arith.index_cast %scan3A_148 : i32 to index
      %get3A_208 = arith.constant 96 : index
      %get3A_209 = tpu.vector_load %arg13[%get3A_207, %get3A_208] {strides = array<i32>} : memref<320x128xf32, #tpu.memory_space<vmem>>, vector<1x16xf32>,
      %get3A_210 = vector.shape_cast %get3A_209 : vector<1x16xf32> to vector<16xf32>
      %add3A_211 = arith.addf %scan3A_155, %get3A_210 : vector<16xf32>
      %mul3A_212 = arith.mulf %get3A_210, %get3A_210 : vector<16xf32>
      %add3A_213 = arith.addf %scan3A_163, %mul3A_212 : vector<16xf32>
      %get3A_214 = arith.index_cast %scan3A_148 : i32 to index
      %get3A_215 = arith.constant 112 : index
      %get3A_216 = tpu.vector_load %arg13[%get3A_214, %get3A_215] {strides = array<i32>} : memref<320x128xf32, #tpu.memory_space<vmem>>, vector<1x16xf32>,
      %get3A_217 = vector.shape_cast %get3A_216 : vector<1x16xf32> to vector<16xf32>
      %add3A_218 = arith.addf %scan3A_156, %get3A_217 : vector<16xf32>
      %mul3A_219 = arith.mulf %get3A_217, %get3A_217 : vector<16xf32>
      %add3A_220 = arith.addf %scan3A_164, %mul3A_219 : vector<16xf32>
      scf.yield %add3A_169, %add3A_176, %add3A_183, %add3A_190, %add3A_197, %add3A_204, %add3A_211, %add3A_218, %add3A_171, %add3A_178, %add3A_185, %add3A_192, %add3A_199, %add3A_206, %add3A_213, %add3A_220 : vector<16xf32>, vector<16xf32>, vector<16xf32>, vector<16xf32>, vector<16xf32>, vector<16xf32>, vector<16xf32>, vector<16xf32>, vector<16xf32>, vector<16xf32>, vector<16xf32>, vector<16xf32>, vector<16xf32>, vector<16xf32>, vector<16xf32>, vector<16xf32>
    }
    %scan3A_47 = arith.constant 320 : i32
    %swap3A = arith.constant 0 : i32
    %swap3A_48 = arith.index_cast %swap3A : i32 to index
    %swap3A_49 = arith.constant 0 : index
    %swap3A_50 = tpu.vector_load %arg14[%swap3A_48, %swap3A_49] {strides = array<i32>} : memref<2x128xf32, #tpu.memory_space<vmem>>, vector<1x16xf32>,
    %swap3A_51 = vector.shape_cast %swap3A_50 : vector<1x16xf32> to vector<16xf32>
    %swap3A_52 = vector.shape_cast %scan3A_46#0 : vector<16xf32> to vector<1x16xf32>
    tpu.vector_store %arg14[%swap3A_48, %swap3A_49], %swap3A_52 {strides = array<i32>} : memref<2x128xf32, #tpu.memory_space<vmem>>, vector<1x16xf32>,
    %swap3A_53 = arith.constant 1 : i32
    %swap3A_54 = arith.index_cast %swap3A_53 : i32 to index
    %swap3A_55 = arith.constant 0 : index
    %swap3A_56 = tpu.vector_load %arg14[%swap3A_54, %swap3A_55] {strides = array<i32>} : memref<2x128xf32, #tpu.memory_space<vmem>>, vector<1x16xf32>,
    %swap3A_57 = vector.shape_cast %swap3A_56 : vector<1x16xf32> to vector<16xf32>
    %swap3A_58 = vector.shape_cast %scan3A_46#8 : vector<16xf32> to vector<1x16xf32>
    tpu.vector_store %arg14[%swap3A_54, %swap3A_55], %swap3A_58 {strides = array<i32>} : memref<2x128xf32, #tpu.memory_space<vmem>>, vector<1x16xf32>,
    %swap3A_59 = arith.constant 0 : i32
    %swap3A_60 = arith.index_cast %swap3A_59 : i32 to index
    %swap3A_61 = arith.constant 16 : index
    %swap3A_62 = tpu.vector_load %arg14[%swap3A_60, %swap3A_61] {strides = array<i32>} : memref<2x128xf32, #tpu.memory_space<vmem>>, vector<1x16xf32>,
    %swap3A_63 = vector.shape_cast %swap3A_62 : vector<1x16xf32> to vector<16xf32>
    %swap3A_64 = vector.shape_cast %scan3A_46#1 : vector<16xf32> to vector<1x16xf32>
    tpu.vector_store %arg14[%swap3A_60, %swap3A_61], %swap3A_64 {strides = array<i32>} : memref<2x128xf32, #tpu.memory_space<vmem>>, vector<1x16xf32>,
    %swap3A_65 = arith.constant 1 : i32
    %swap3A_66 = arith.index_cast %swap3A_65 : i32 to index
    %swap3A_67 = arith.constant 16 : index
    %swap3A_68 = tpu.vector_load %arg14[%swap3A_66, %swap3A_67] {strides = array<i32>} : memref<2x128xf32, #tpu.memory_space<vmem>>, vector<1x16xf32>,
    %swap3A_69 = vector.shape_cast %swap3A_68 : vector<1x16xf32> to vector<16xf32>
    %swap3A_70 = vector.shape_cast %scan3A_46#9 : vector<16xf32> to vector<1x16xf32>
    tpu.vector_store %arg14[%swap3A_66, %swap3A_67], %swap3A_70 {strides = array<i32>} : memref<2x128xf32, #tpu.memory_space<vmem>>, vector<1x16xf32>,
    %swap3A_71 = arith.constant 0 : i32
    %swap3A_72 = arith.index_cast %swap3A_71 : i32 to index
    %swap3A_73 = arith.constant 32 : index
    %swap3A_74 = tpu.vector_load %arg14[%swap3A_72, %swap3A_73] {strides = array<i32>} : memref<2x128xf32, #tpu.memory_space<vmem>>, vector<1x16xf32>,
    %swap3A_75 = vector.shape_cast %swap3A_74 : vector<1x16xf32> to vector<16xf32>
    %swap3A_76 = vector.shape_cast %scan3A_46#2 : vector<16xf32> to vector<1x16xf32>
    tpu.vector_store %arg14[%swap3A_72, %swap3A_73], %swap3A_76 {strides = array<i32>} : memref<2x128xf32, #tpu.memory_space<vmem>>, vector<1x16xf32>,
    %swap3A_77 = arith.constant 1 : i32
    %swap3A_78 = arith.index_cast %swap3A_77 : i32 to index
    %swap3A_79 = arith.constant 32 : index
    %swap3A_80 = tpu.vector_load %arg14[%swap3A_78, %swap3A_79] {strides = array<i32>} : memref<2x128xf32, #tpu.memory_space<vmem>>, vector<1x16xf32>,
    %swap3A_81 = vector.shape_cast %swap3A_80 : vector<1x16xf32> to vector<16xf32>
    %swap3A_82 = vector.shape_cast %scan3A_46#10 : vector<16xf32> to vector<1x16xf32>
    tpu.vector_store %arg14[%swap3A_78, %swap3A_79], %swap3A_82 {strides = array<i32>} : memref<2x128xf32, #tpu.memory_space<vmem>>, vector<1x16xf32>,
    %swap3A_83 = arith.constant 0 : i32
    %swap3A_84 = arith.index_cast %swap3A_83 : i32 to index
    %swap3A_85 = arith.constant 48 : index
    %swap3A_86 = tpu.vector_load %arg14[%swap3A_84, %swap3A_85] {strides = array<i32>} : memref<2x128xf32, #tpu.memory_space<vmem>>, vector<1x16xf32>,
    %swap3A_87 = vector.shape_cast %swap3A_86 : vector<1x16xf32> to vector<16xf32>
    %swap3A_88 = vector.shape_cast %scan3A_46#3 : vector<16xf32> to vector<1x16xf32>
    tpu.vector_store %arg14[%swap3A_84, %swap3A_85], %swap3A_88 {strides = array<i32>} : memref<2x128xf32, #tpu.memory_space<vmem>>, vector<1x16xf32>,
    %swap3A_89 = arith.constant 1 : i32
    %swap3A_90 = arith.index_cast %swap3A_89 : i32 to index
    %swap3A_91 = arith.constant 48 : index
    %swap3A_92 = tpu.vector_load %arg14[%swap3A_90, %swap3A_91] {strides = array<i32>} : memref<2x128xf32, #tpu.memory_space<vmem>>, vector<1x16xf32>,
    %swap3A_93 = vector.shape_cast %swap3A_92 : vector<1x16xf32> to vector<16xf32>
    %swap3A_94 = vector.shape_cast %scan3A_46#11 : vector<16xf32> to vector<1x16xf32>
    tpu.vector_store %arg14[%swap3A_90, %swap3A_91], %swap3A_94 {strides = array<i32>} : memref<2x128xf32, #tpu.memory_space<vmem>>, vector<1x16xf32>,
    %swap3A_95 = arith.constant 0 : i32
    %swap3A_96 = arith.index_cast %swap3A_95 : i32 to index
    %swap3A_97 = arith.constant 64 : index
    %swap3A_98 = tpu.vector_load %arg14[%swap3A_96, %swap3A_97] {strides = array<i32>} : memref<2x128xf32, #tpu.memory_space<vmem>>, vector<1x16xf32>,
    %swap3A_99 = vector.shape_cast %swap3A_98 : vector<1x16xf32> to vector<16xf32>
    %swap3A_100 = vector.shape_cast %scan3A_46#4 : vector<16xf32> to vector<1x16xf32>
    tpu.vector_store %arg14[%swap3A_96, %swap3A_97], %swap3A_100 {strides = array<i32>} : memref<2x128xf32, #tpu.memory_space<vmem>>, vector<1x16xf32>,
    %swap3A_101 = arith.constant 1 : i32
    %swap3A_102 = arith.index_cast %swap3A_101 : i32 to index
    %swap3A_103 = arith.constant 64 : index
    %swap3A_104 = tpu.vector_load %arg14[%swap3A_102, %swap3A_103] {strides = array<i32>} : memref<2x128xf32, #tpu.memory_space<vmem>>, vector<1x16xf32>,
    %swap3A_105 = vector.shape_cast %swap3A_104 : vector<1x16xf32> to vector<16xf32>
    %swap3A_106 = vector.shape_cast %scan3A_46#12 : vector<16xf32> to vector<1x16xf32>
    tpu.vector_store %arg14[%swap3A_102, %swap3A_103], %swap3A_106 {strides = array<i32>} : memref<2x128xf32, #tpu.memory_space<vmem>>, vector<1x16xf32>,
    %swap3A_107 = arith.constant 0 : i32
    %swap3A_108 = arith.index_cast %swap3A_107 : i32 to index
    %swap3A_109 = arith.constant 80 : index
    %swap3A_110 = tpu.vector_load %arg14[%swap3A_108, %swap3A_109] {strides = array<i32>} : memref<2x128xf32, #tpu.memory_space<vmem>>, vector<1x16xf32>,
    %swap3A_111 = vector.shape_cast %swap3A_110 : vector<1x16xf32> to vector<16xf32>
    %swap3A_112 = vector.shape_cast %scan3A_46#5 : vector<16xf32> to vector<1x16xf32>
    tpu.vector_store %arg14[%swap3A_108, %swap3A_109], %swap3A_112 {strides = array<i32>} : memref<2x128xf32, #tpu.memory_space<vmem>>, vector<1x16xf32>,
    %swap3A_113 = arith.constant 1 : i32
    %swap3A_114 = arith.index_cast %swap3A_113 : i32 to index
    %swap3A_115 = arith.constant 80 : index
    %swap3A_116 = tpu.vector_load %arg14[%swap3A_114, %swap3A_115] {strides = array<i32>} : memref<2x128xf32, #tpu.memory_space<vmem>>, vector<1x16xf32>,
    %swap3A_117 = vector.shape_cast %swap3A_116 : vector<1x16xf32> to vector<16xf32>
    %swap3A_118 = vector.shape_cast %scan3A_46#13 : vector<16xf32> to vector<1x16xf32>
    tpu.vector_store %arg14[%swap3A_114, %swap3A_115], %swap3A_118 {strides = array<i32>} : memref<2x128xf32, #tpu.memory_space<vmem>>, vector<1x16xf32>,
    %swap3A_119 = arith.constant 0 : i32
    %swap3A_120 = arith.index_cast %swap3A_119 : i32 to index
    %swap3A_121 = arith.constant 96 : index
    %swap3A_122 = tpu.vector_load %arg14[%swap3A_120, %swap3A_121] {strides = array<i32>} : memref<2x128xf32, #tpu.memory_space<vmem>>, vector<1x16xf32>,
    %swap3A_123 = vector.shape_cast %swap3A_122 : vector<1x16xf32> to vector<16xf32>
    %swap3A_124 = vector.shape_cast %scan3A_46#6 : vector<16xf32> to vector<1x16xf32>
    tpu.vector_store %arg14[%swap3A_120, %swap3A_121], %swap3A_124 {strides = array<i32>} : memref<2x128xf32, #tpu.memory_space<vmem>>, vector<1x16xf32>,
    %swap3A_125 = arith.constant 1 : i32
    %swap3A_126 = arith.index_cast %swap3A_125 : i32 to index
    %swap3A_127 = arith.constant 96 : index
    %swap3A_128 = tpu.vector_load %arg14[%swap3A_126, %swap3A_127] {strides = array<i32>} : memref<2x128xf32, #tpu.memory_space<vmem>>, vector<1x16xf32>,
    %swap3A_129 = vector.shape_cast %swap3A_128 : vector<1x16xf32> to vector<16xf32>
    %swap3A_130 = vector.shape_cast %scan3A_46#14 : vector<16xf32> to vector<1x16xf32>
    tpu.vector_store %arg14[%swap3A_126, %swap3A_127], %swap3A_130 {strides = array<i32>} : memref<2x128xf32, #tpu.memory_space<vmem>>, vector<1x16xf32>,
    %swap3A_131 = arith.constant 0 : i32
    %swap3A_132 = arith.index_cast %swap3A_131 : i32 to index
    %swap3A_133 = arith.constant 112 : index
    %swap3A_134 = tpu.vector_load %arg14[%swap3A_132, %swap3A_133] {strides = array<i32>} : memref<2x128xf32, #tpu.memory_space<vmem>>, vector<1x16xf32>,
    %swap3A_135 = vector.shape_cast %swap3A_134 : vector<1x16xf32> to vector<16xf32>
    %swap3A_136 = vector.shape_cast %scan3A_46#7 : vector<16xf32> to vector<1x16xf32>
    tpu.vector_store %arg14[%swap3A_132, %swap3A_133], %swap3A_136 {strides = array<i32>} : memref<2x128xf32, #tpu.memory_space<vmem>>, vector<1x16xf32>,
    %swap3A_137 = arith.constant 1 : i32
    %swap3A_138 = arith.index_cast %swap3A_137 : i32 to index
    %swap3A_139 = arith.constant 112 : index
    %swap3A_140 = tpu.vector_load %arg14[%swap3A_138, %swap3A_139] {strides = array<i32>} : memref<2x128xf32, #tpu.memory_space<vmem>>, vector<1x16xf32>,
    %swap3A_141 = vector.shape_cast %swap3A_140 : vector<1x16xf32> to vector<16xf32>
    %swap3A_142 = vector.shape_cast %scan3A_46#15 : vector<16xf32> to vector<1x16xf32>
    tpu.vector_store %arg14[%swap3A_138, %swap3A_139], %swap3A_142 {strides = array<i32>} : memref<2x128xf32, #tpu.memory_space<vmem>>, vector<1x16xf32>,
    "tpu.region"() ({
      %run_scoped3A = tpu.sem_alloc : memref<!tpu.dma_semaphore, #tpu.memory_space<semaphore_mem>>
      %dma_start3A = arith.constant 0 : i32
      %dma_start3A_148 = arith.constant 0 : i32
      %dma_start3A_149 = tpu.memref_slice %arg10[%add3A, %dma_start3A, %dma_start3A_148] : memref<32x2x128xf32, #tpu.memory_space<hbm>> -> memref<1x2x128xf32, #tpu.memory_space<hbm>>
      %dma_start3A_150 = tpu.memref_squeeze %dma_start3A_149 : memref<1x2x128xf32, #tpu.memory_space<hbm>> -> memref<2x128xf32, #tpu.memory_space<hbm>>
      %dma_start3A_151 = arith.constant 0 : i32
      %dma_start3A_152 = arith.constant 0 : i32
      %dma_start3A_153 = tpu.memref_slice %arg10[%add3A, %dma_start3A_151, %dma_start3A_152] : memref<32x2x128xf32, #tpu.memory_space<hbm>> -> memref<1x2x128xf32, #tpu.memory_space<hbm>>
      %dma_start3A_154 = tpu.memref_squeeze %dma_start3A_153 : memref<1x2x128xf32, #tpu.memory_space<hbm>> -> memref<2x128xf32, #tpu.memory_space<hbm>>
      tpu.enqueue_dma source(%arg14 : memref<2x128xf32, #tpu.memory_space<vmem>>) target(%dma_start3A_154 : memref<2x128xf32, #tpu.memory_space<hbm>>) target_semaphore(%run_scoped3A : memref<!tpu.dma_semaphore, #tpu.memory_space<semaphore_mem>>)
      %dma_wait3A = arith.constant 0 : i32
      %dma_wait3A_155 = arith.constant 0 : i32
      %dma_wait3A_156 = tpu.memref_slice %arg10[%add3A, %dma_wait3A, %dma_wait3A_155] : memref<32x2x128xf32, #tpu.memory_space<hbm>> -> memref<1x2x128xf32, #tpu.memory_space<hbm>>
      %dma_wait3A_157 = tpu.memref_squeeze %dma_wait3A_156 : memref<1x2x128xf32, #tpu.memory_space<hbm>> -> memref<2x128xf32, #tpu.memory_space<hbm>>
      %dma_wait3A_158 = arith.constant 0 : i32
      %dma_wait3A_159 = arith.constant 0 : i32
      %dma_wait3A_160 = tpu.memref_slice %arg10[%add3A, %dma_wait3A_158, %dma_wait3A_159] : memref<32x2x128xf32, #tpu.memory_space<hbm>> -> memref<1x2x128xf32, #tpu.memory_space<hbm>>
      %dma_wait3A_161 = tpu.memref_squeeze %dma_wait3A_160 : memref<1x2x128xf32, #tpu.memory_space<hbm>> -> memref<2x128xf32, #tpu.memory_space<hbm>>
      tpu.wait_dma2 semaphore(%run_scoped3A : memref<!tpu.dma_semaphore, #tpu.memory_space<semaphore_mem>>) src(%arg14 : memref<2x128xf32, #tpu.memory_space<vmem>>) dst(%dma_wait3A_161 : memref<2x128xf32, #tpu.memory_space<hbm>>)
      tpu.yield
    }) : () -> ()
    %mul3A_143 = arith.constant 5120 : i32
    %mul3A_144 = arith.muli %arg0, %mul3A_143 : i32
    %mul3A_145 = arith.constant 320 : i32
    %mul3A_146 = arith.muli %arg1, %mul3A_145 : i32
    %add3A_147 = arith.addi %mul3A_144, %mul3A_146 : i32
    "tpu.region"() ({
      %run_scoped3A = tpu.sem_alloc : memref<!tpu.dma_semaphore, #tpu.memory_space<semaphore_mem>>
      %dma_start3A = arith.constant 0 : i32
      %dma_start3A_148 = tpu.memref_slice %arg9[%add3A_147, %dma_start3A] : memref<10240x128xf32, #tpu.memory_space<hbm>> -> memref<320x128xf32, #tpu.memory_space<hbm>>
      %dma_start3A_149 = arith.constant 0 : i32
      %dma_start3A_150 = tpu.memref_slice %arg9[%add3A_147, %dma_start3A_149] : memref<10240x128xf32, #tpu.memory_space<hbm>> -> memref<320x128xf32, #tpu.memory_space<hbm>>
      tpu.enqueue_dma source(%arg13 : memref<320x128xf32, #tpu.memory_space<vmem>>) target(%dma_start3A_150 : memref<320x128xf32, #tpu.memory_space<hbm>>) target_semaphore(%run_scoped3A : memref<!tpu.dma_semaphore, #tpu.memory_space<semaphore_mem>>)
      %dma_wait3A = arith.constant 0 : i32
      %dma_wait3A_151 = tpu.memref_slice %arg9[%add3A_147, %dma_wait3A] : memref<10240x128xf32, #tpu.memory_space<hbm>> -> memref<320x128xf32, #tpu.memory_space<hbm>>
      %dma_wait3A_152 = arith.constant 0 : i32
      %dma_wait3A_153 = tpu.memref_slice %arg9[%add3A_147, %dma_wait3A_152] : memref<10240x128xf32, #tpu.memory_space<hbm>> -> memref<320x128xf32, #tpu.memory_space<hbm>>
      tpu.wait_dma2 semaphore(%run_scoped3A : memref<!tpu.dma_semaphore, #tpu.memory_space<semaphore_mem>>) src(%arg13 : memref<320x128xf32, #tpu.memory_space<vmem>>) dst(%dma_wait3A_153 : memref<320x128xf32, #tpu.memory_space<hbm>>)
      tpu.yield
    }) : () -> ()
    return
  }
}

#map = affine_map<(d0, d1) -> (0, 0)>
#map1 = affine_map<(d0, d1) -> (0)>
module attributes {stable_mosaic.version = 14 : i64} {
  func.func @k(%arg0: i32, %arg1: i32, %arg2: memref<10240x128xf32, #tpu.memory_space<hbm>>, %arg3: memref<128xf32, #tpu.memory_space<hbm>>, %arg4: memref<128xf32, #tpu.memory_space<hbm>>, %arg5: memref<552960xi32, #tpu.memory_space<hbm>>, %arg6: memref<32xi32, #tpu.memory_space<hbm>>, %arg7: memref<32xi32, #tpu.memory_space<hbm>>, %arg8: memref<552960x128xf32, #tpu.memory_space<hbm>>, %arg9: memref<256xi32, #tpu.memory_space<vmem>>, %arg10: memref<256x128xf32, #tpu.memory_space<vmem>>, %arg11: memref<320x128xf32, #tpu.memory_space<vmem>>, %arg12: memref<48xi32, #tpu.memory_space<vmem>>, %arg13: memref<48xi32, #tpu.memory_space<vmem>>, %arg14: memref<128xf32, #tpu.memory_space<vmem>>, %arg15: memref<128xf32, #tpu.memory_space<vmem>>, %arg16: memref<5128x128xf32, #tpu.memory_space<vmem_shared>>, %arg17: memref<!tpu.dma_semaphore, #tpu.memory_space<semaphore_mem>>) attributes {dimension_semantics = [#tpu.dimension_semantics<core_parallel>, #tpu.dimension_semantics<subcore_parallel>], iteration_bounds = array<i64: 2, 16>, scalar_prefetch = 0 : i64, scratch_operands = 9 : i64, tpu.core_type = #tpu.core_type<sc_vector_subcore>, window_params = [{transform_indices = #map}, {transform_indices = #map1}, {transform_indices = #map1}, {transform_indices = #map1}, {transform_indices = #map1}, {transform_indices = #map1}, {transform_indices = #map}]} {
    %mul3A = arith.constant 2 : i32
    %mul3A_0 = arith.muli %arg1, %mul3A : i32
    %add3A = arith.addi %mul3A_0, %arg0 : i32
    "tpu.region"() ({
      %run_scoped3A = tpu.sem_alloc : memref<!tpu.dma_semaphore, #tpu.memory_space<semaphore_mem>>
      tpu.enqueue_dma source(%arg3 : memref<128xf32, #tpu.memory_space<hbm>>) target(%arg14 : memref<128xf32, #tpu.memory_space<vmem>>) target_semaphore(%run_scoped3A : memref<!tpu.dma_semaphore, #tpu.memory_space<semaphore_mem>>)
      tpu.wait_dma2 semaphore(%run_scoped3A : memref<!tpu.dma_semaphore, #tpu.memory_space<semaphore_mem>>) src(%arg3 : memref<128xf32, #tpu.memory_space<hbm>>) dst(%arg14 : memref<128xf32, #tpu.memory_space<vmem>>)
      tpu.yield
    }) : () -> ()
    "tpu.region"() ({
      %run_scoped3A = tpu.sem_alloc : memref<!tpu.dma_semaphore, #tpu.memory_space<semaphore_mem>>
      tpu.enqueue_dma source(%arg4 : memref<128xf32, #tpu.memory_space<hbm>>) target(%arg15 : memref<128xf32, #tpu.memory_space<vmem>>) target_semaphore(%run_scoped3A : memref<!tpu.dma_semaphore, #tpu.memory_space<semaphore_mem>>)
      tpu.wait_dma2 semaphore(%run_scoped3A : memref<!tpu.dma_semaphore, #tpu.memory_space<semaphore_mem>>) src(%arg4 : memref<128xf32, #tpu.memory_space<hbm>>) dst(%arg15 : memref<128xf32, #tpu.memory_space<vmem>>)
      tpu.yield
    }) : () -> ()
    %get3A = arith.constant 0 : index
    %get3A_1 = tpu.vector_load %arg14[%get3A] {strides = array<i32>} : memref<128xf32, #tpu.memory_space<vmem>>, vector<16xf32>,
    %get3A_2 = vector.shape_cast %get3A_1 : vector<16xf32> to vector<16xf32>
    %get3A_3 = arith.constant 16 : index
    %get3A_4 = tpu.vector_load %arg14[%get3A_3] {strides = array<i32>} : memref<128xf32, #tpu.memory_space<vmem>>, vector<16xf32>,
    %get3A_5 = vector.shape_cast %get3A_4 : vector<16xf32> to vector<16xf32>
    %get3A_6 = arith.constant 32 : index
    %get3A_7 = tpu.vector_load %arg14[%get3A_6] {strides = array<i32>} : memref<128xf32, #tpu.memory_space<vmem>>, vector<16xf32>,
    %get3A_8 = vector.shape_cast %get3A_7 : vector<16xf32> to vector<16xf32>
    %get3A_9 = arith.constant 48 : index
    %get3A_10 = tpu.vector_load %arg14[%get3A_9] {strides = array<i32>} : memref<128xf32, #tpu.memory_space<vmem>>, vector<16xf32>,
    %get3A_11 = vector.shape_cast %get3A_10 : vector<16xf32> to vector<16xf32>
    %get3A_12 = arith.constant 64 : index
    %get3A_13 = tpu.vector_load %arg14[%get3A_12] {strides = array<i32>} : memref<128xf32, #tpu.memory_space<vmem>>, vector<16xf32>,
    %get3A_14 = vector.shape_cast %get3A_13 : vector<16xf32> to vector<16xf32>
    %get3A_15 = arith.constant 80 : index
    %get3A_16 = tpu.vector_load %arg14[%get3A_15] {strides = array<i32>} : memref<128xf32, #tpu.memory_space<vmem>>, vector<16xf32>,
    %get3A_17 = vector.shape_cast %get3A_16 : vector<16xf32> to vector<16xf32>
    %get3A_18 = arith.constant 96 : index
    %get3A_19 = tpu.vector_load %arg14[%get3A_18] {strides = array<i32>} : memref<128xf32, #tpu.memory_space<vmem>>, vector<16xf32>,
    %get3A_20 = vector.shape_cast %get3A_19 : vector<16xf32> to vector<16xf32>
    %get3A_21 = arith.constant 112 : index
    %get3A_22 = tpu.vector_load %arg14[%get3A_21] {strides = array<i32>} : memref<128xf32, #tpu.memory_space<vmem>>, vector<16xf32>,
    %get3A_23 = vector.shape_cast %get3A_22 : vector<16xf32> to vector<16xf32>
    %get3A_24 = arith.constant 0 : index
    %get3A_25 = tpu.vector_load %arg15[%get3A_24] {strides = array<i32>} : memref<128xf32, #tpu.memory_space<vmem>>, vector<16xf32>,
    %get3A_26 = vector.shape_cast %get3A_25 : vector<16xf32> to vector<16xf32>
    %get3A_27 = arith.constant 16 : index
    %get3A_28 = tpu.vector_load %arg15[%get3A_27] {strides = array<i32>} : memref<128xf32, #tpu.memory_space<vmem>>, vector<16xf32>,
    %get3A_29 = vector.shape_cast %get3A_28 : vector<16xf32> to vector<16xf32>
    %get3A_30 = arith.constant 32 : index
    %get3A_31 = tpu.vector_load %arg15[%get3A_30] {strides = array<i32>} : memref<128xf32, #tpu.memory_space<vmem>>, vector<16xf32>,
    %get3A_32 = vector.shape_cast %get3A_31 : vector<16xf32> to vector<16xf32>
    %get3A_33 = arith.constant 48 : index
    %get3A_34 = tpu.vector_load %arg15[%get3A_33] {strides = array<i32>} : memref<128xf32, #tpu.memory_space<vmem>>, vector<16xf32>,
    %get3A_35 = vector.shape_cast %get3A_34 : vector<16xf32> to vector<16xf32>
    %get3A_36 = arith.constant 64 : index
    %get3A_37 = tpu.vector_load %arg15[%get3A_36] {strides = array<i32>} : memref<128xf32, #tpu.memory_space<vmem>>, vector<16xf32>,
    %get3A_38 = vector.shape_cast %get3A_37 : vector<16xf32> to vector<16xf32>
    %get3A_39 = arith.constant 80 : index
    %get3A_40 = tpu.vector_load %arg15[%get3A_39] {strides = array<i32>} : memref<128xf32, #tpu.memory_space<vmem>>, vector<16xf32>,
    %get3A_41 = vector.shape_cast %get3A_40 : vector<16xf32> to vector<16xf32>
    %get3A_42 = arith.constant 96 : index
    %get3A_43 = tpu.vector_load %arg15[%get3A_42] {strides = array<i32>} : memref<128xf32, #tpu.memory_space<vmem>>, vector<16xf32>,
    %get3A_44 = vector.shape_cast %get3A_43 : vector<16xf32> to vector<16xf32>
    %get3A_45 = arith.constant 112 : index
    %get3A_46 = tpu.vector_load %arg15[%get3A_45] {strides = array<i32>} : memref<128xf32, #tpu.memory_space<vmem>>, vector<16xf32>,
    %get3A_47 = vector.shape_cast %get3A_46 : vector<16xf32> to vector<16xf32>
    %mul3A_48 = arith.constant 5120 : i32
    %mul3A_49 = arith.muli %arg0, %mul3A_48 : i32
    %mul3A_50 = arith.constant 320 : i32
    %mul3A_51 = arith.muli %arg1, %mul3A_50 : i32
    %add3A_52 = arith.addi %mul3A_49, %mul3A_51 : i32
    "tpu.region"() ({
      %run_scoped3A = tpu.sem_alloc : memref<!tpu.dma_semaphore, #tpu.memory_space<semaphore_mem>>
      %dma_start3A = arith.constant 0 : i32
      %dma_start3A_79 = tpu.memref_slice %arg2[%add3A_52, %dma_start3A] : memref<10240x128xf32, #tpu.memory_space<hbm>> -> memref<320x128xf32, #tpu.memory_space<hbm>>
      %dma_start3A_80 = arith.constant 0 : i32
      %dma_start3A_81 = tpu.memref_slice %arg2[%add3A_52, %dma_start3A_80] : memref<10240x128xf32, #tpu.memory_space<hbm>> -> memref<320x128xf32, #tpu.memory_space<hbm>>
      tpu.enqueue_dma source(%dma_start3A_81 : memref<320x128xf32, #tpu.memory_space<hbm>>) target(%arg11 : memref<320x128xf32, #tpu.memory_space<vmem>>) target_semaphore(%run_scoped3A : memref<!tpu.dma_semaphore, #tpu.memory_space<semaphore_mem>>)
      %dma_wait3A = arith.constant 0 : i32
      %dma_wait3A_82 = tpu.memref_slice %arg2[%add3A_52, %dma_wait3A] : memref<10240x128xf32, #tpu.memory_space<hbm>> -> memref<320x128xf32, #tpu.memory_space<hbm>>
      %dma_wait3A_83 = arith.constant 0 : i32
      %dma_wait3A_84 = tpu.memref_slice %arg2[%add3A_52, %dma_wait3A_83] : memref<10240x128xf32, #tpu.memory_space<hbm>> -> memref<320x128xf32, #tpu.memory_space<hbm>>
      tpu.wait_dma2 semaphore(%run_scoped3A : memref<!tpu.dma_semaphore, #tpu.memory_space<semaphore_mem>>) src(%dma_wait3A_84 : memref<320x128xf32, #tpu.memory_space<hbm>>) dst(%arg11 : memref<320x128xf32, #tpu.memory_space<vmem>>)
      tpu.yield
    }) : () -> ()
    %scan3A = arith.constant 0 : i32
    %scan3A_53 = arith.constant 0 : i32
    %scan3A_54 = arith.constant 320 : i32
    %scan3A_55 = arith.addi %scan3A_53, %scan3A_54 : i32
    %scan3A_56 = arith.constant 1 : i32
    scf.for %scan3A_79 = %scan3A_53 to %scan3A_55 step %scan3A_56  : i32 {
      %get3A_80 = arith.index_cast %scan3A_79 : i32 to index
      %get3A_81 = arith.constant 0 : index
      %get3A_82 = tpu.vector_load %arg11[%get3A_80, %get3A_81] {strides = array<i32>} : memref<320x128xf32, #tpu.memory_space<vmem>>, vector<1x16xf32>,
      %get3A_83 = vector.shape_cast %get3A_82 : vector<1x16xf32> to vector<16xf32>
      %mul3A_84 = arith.mulf %get3A_83, %get3A_2 : vector<16xf32>
      %add3A_85 = arith.addf %mul3A_84, %get3A_26 : vector<16xf32>
      %max3A = arith.constant 0.000000e+00 : f32
      %max3A_86 = vector.broadcast %max3A : f32 to vector<16xf32>
      %max3A_87 = arith.maximumf %add3A_85, %max3A_86 : vector<16xf32>
      %add3A_88 = arith.addi %add3A_52, %scan3A_79 : i32
      %lt3A = arith.constant 10000 : i32
      %lt3A_89 = arith.cmpi slt, %add3A_88, %lt3A : i32
      %jit3A = arith.constant 0.000000e+00 : f32
      %broadcast_in_dim3A = vector.broadcast %jit3A : f32 to vector<16xf32>
      %select_n3A = arith.select %lt3A_89, %max3A_87, %broadcast_in_dim3A : vector<16xf32>
      %swap3A = arith.index_cast %scan3A_79 : i32 to index
      %swap3A_90 = arith.constant 0 : index
      %swap3A_91 = tpu.vector_load %arg11[%swap3A, %swap3A_90] {strides = array<i32>} : memref<320x128xf32, #tpu.memory_space<vmem>>, vector<1x16xf32>,
      %swap3A_92 = vector.shape_cast %swap3A_91 : vector<1x16xf32> to vector<16xf32>
      %swap3A_93 = vector.shape_cast %select_n3A : vector<16xf32> to vector<1x16xf32>
      tpu.vector_store %arg11[%swap3A, %swap3A_90], %swap3A_93 {strides = array<i32>} : memref<320x128xf32, #tpu.memory_space<vmem>>, vector<1x16xf32>,
      %get3A_94 = arith.index_cast %scan3A_79 : i32 to index
      %get3A_95 = arith.constant 16 : index
      %get3A_96 = tpu.vector_load %arg11[%get3A_94, %get3A_95] {strides = array<i32>} : memref<320x128xf32, #tpu.memory_space<vmem>>, vector<1x16xf32>,
      %get3A_97 = vector.shape_cast %get3A_96 : vector<1x16xf32> to vector<16xf32>
      %mul3A_98 = arith.mulf %get3A_97, %get3A_5 : vector<16xf32>
      %add3A_99 = arith.addf %mul3A_98, %get3A_29 : vector<16xf32>
      %max3A_100 = arith.constant 0.000000e+00 : f32
      %max3A_101 = vector.broadcast %max3A_100 : f32 to vector<16xf32>
      %max3A_102 = arith.maximumf %add3A_99, %max3A_101 : vector<16xf32>
      %add3A_103 = arith.addi %add3A_52, %scan3A_79 : i32
      %lt3A_104 = arith.constant 10000 : i32
      %lt3A_105 = arith.cmpi slt, %add3A_103, %lt3A_104 : i32
      %jit3A_106 = arith.constant 0.000000e+00 : f32
      %broadcast_in_dim3A_107 = vector.broadcast %jit3A_106 : f32 to vector<16xf32>
      %select_n3A_108 = arith.select %lt3A_105, %max3A_102, %broadcast_in_dim3A_107 : vector<16xf32>
      %swap3A_109 = arith.index_cast %scan3A_79 : i32 to index
      %swap3A_110 = arith.constant 16 : index
      %swap3A_111 = tpu.vector_load %arg11[%swap3A_109, %swap3A_110] {strides = array<i32>} : memref<320x128xf32, #tpu.memory_space<vmem>>, vector<1x16xf32>,
      %swap3A_112 = vector.shape_cast %swap3A_111 : vector<1x16xf32> to vector<16xf32>
      %swap3A_113 = vector.shape_cast %select_n3A_108 : vector<16xf32> to vector<1x16xf32>
      tpu.vector_store %arg11[%swap3A_109, %swap3A_110], %swap3A_113 {strides = array<i32>} : memref<320x128xf32, #tpu.memory_space<vmem>>, vector<1x16xf32>,
      %get3A_114 = arith.index_cast %scan3A_79 : i32 to index
      %get3A_115 = arith.constant 32 : index
      %get3A_116 = tpu.vector_load %arg11[%get3A_114, %get3A_115] {strides = array<i32>} : memref<320x128xf32, #tpu.memory_space<vmem>>, vector<1x16xf32>,
      %get3A_117 = vector.shape_cast %get3A_116 : vector<1x16xf32> to vector<16xf32>
      %mul3A_118 = arith.mulf %get3A_117, %get3A_8 : vector<16xf32>
      %add3A_119 = arith.addf %mul3A_118, %get3A_32 : vector<16xf32>
      %max3A_120 = arith.constant 0.000000e+00 : f32
      %max3A_121 = vector.broadcast %max3A_120 : f32 to vector<16xf32>
      %max3A_122 = arith.maximumf %add3A_119, %max3A_121 : vector<16xf32>
      %add3A_123 = arith.addi %add3A_52, %scan3A_79 : i32
      %lt3A_124 = arith.constant 10000 : i32
      %lt3A_125 = arith.cmpi slt, %add3A_123, %lt3A_124 : i32
      %jit3A_126 = arith.constant 0.000000e+00 : f32
      %broadcast_in_dim3A_127 = vector.broadcast %jit3A_126 : f32 to vector<16xf32>
      %select_n3A_128 = arith.select %lt3A_125, %max3A_122, %broadcast_in_dim3A_127 : vector<16xf32>
      %swap3A_129 = arith.index_cast %scan3A_79 : i32 to index
      %swap3A_130 = arith.constant 32 : index
      %swap3A_131 = tpu.vector_load %arg11[%swap3A_129, %swap3A_130] {strides = array<i32>} : memref<320x128xf32, #tpu.memory_space<vmem>>, vector<1x16xf32>,
      %swap3A_132 = vector.shape_cast %swap3A_131 : vector<1x16xf32> to vector<16xf32>
      %swap3A_133 = vector.shape_cast %select_n3A_128 : vector<16xf32> to vector<1x16xf32>
      tpu.vector_store %arg11[%swap3A_129, %swap3A_130], %swap3A_133 {strides = array<i32>} : memref<320x128xf32, #tpu.memory_space<vmem>>, vector<1x16xf32>,
      %get3A_134 = arith.index_cast %scan3A_79 : i32 to index
      %get3A_135 = arith.constant 48 : index
      %get3A_136 = tpu.vector_load %arg11[%get3A_134, %get3A_135] {strides = array<i32>} : memref<320x128xf32, #tpu.memory_space<vmem>>, vector<1x16xf32>,
      %get3A_137 = vector.shape_cast %get3A_136 : vector<1x16xf32> to vector<16xf32>
      %mul3A_138 = arith.mulf %get3A_137, %get3A_11 : vector<16xf32>
      %add3A_139 = arith.addf %mul3A_138, %get3A_35 : vector<16xf32>
      %max3A_140 = arith.constant 0.000000e+00 : f32
      %max3A_141 = vector.broadcast %max3A_140 : f32 to vector<16xf32>
      %max3A_142 = arith.maximumf %add3A_139, %max3A_141 : vector<16xf32>
      %add3A_143 = arith.addi %add3A_52, %scan3A_79 : i32
      %lt3A_144 = arith.constant 10000 : i32
      %lt3A_145 = arith.cmpi slt, %add3A_143, %lt3A_144 : i32
      %jit3A_146 = arith.constant 0.000000e+00 : f32
      %broadcast_in_dim3A_147 = vector.broadcast %jit3A_146 : f32 to vector<16xf32>
      %select_n3A_148 = arith.select %lt3A_145, %max3A_142, %broadcast_in_dim3A_147 : vector<16xf32>
      %swap3A_149 = arith.index_cast %scan3A_79 : i32 to index
      %swap3A_150 = arith.constant 48 : index
      %swap3A_151 = tpu.vector_load %arg11[%swap3A_149, %swap3A_150] {strides = array<i32>} : memref<320x128xf32, #tpu.memory_space<vmem>>, vector<1x16xf32>,
      %swap3A_152 = vector.shape_cast %swap3A_151 : vector<1x16xf32> to vector<16xf32>
      %swap3A_153 = vector.shape_cast %select_n3A_148 : vector<16xf32> to vector<1x16xf32>
      tpu.vector_store %arg11[%swap3A_149, %swap3A_150], %swap3A_153 {strides = array<i32>} : memref<320x128xf32, #tpu.memory_space<vmem>>, vector<1x16xf32>,
      %get3A_154 = arith.index_cast %scan3A_79 : i32 to index
      %get3A_155 = arith.constant 64 : index
      %get3A_156 = tpu.vector_load %arg11[%get3A_154, %get3A_155] {strides = array<i32>} : memref<320x128xf32, #tpu.memory_space<vmem>>, vector<1x16xf32>,
      %get3A_157 = vector.shape_cast %get3A_156 : vector<1x16xf32> to vector<16xf32>
      %mul3A_158 = arith.mulf %get3A_157, %get3A_14 : vector<16xf32>
      %add3A_159 = arith.addf %mul3A_158, %get3A_38 : vector<16xf32>
      %max3A_160 = arith.constant 0.000000e+00 : f32
      %max3A_161 = vector.broadcast %max3A_160 : f32 to vector<16xf32>
      %max3A_162 = arith.maximumf %add3A_159, %max3A_161 : vector<16xf32>
      %add3A_163 = arith.addi %add3A_52, %scan3A_79 : i32
      %lt3A_164 = arith.constant 10000 : i32
      %lt3A_165 = arith.cmpi slt, %add3A_163, %lt3A_164 : i32
      %jit3A_166 = arith.constant 0.000000e+00 : f32
      %broadcast_in_dim3A_167 = vector.broadcast %jit3A_166 : f32 to vector<16xf32>
      %select_n3A_168 = arith.select %lt3A_165, %max3A_162, %broadcast_in_dim3A_167 : vector<16xf32>
      %swap3A_169 = arith.index_cast %scan3A_79 : i32 to index
      %swap3A_170 = arith.constant 64 : index
      %swap3A_171 = tpu.vector_load %arg11[%swap3A_169, %swap3A_170] {strides = array<i32>} : memref<320x128xf32, #tpu.memory_space<vmem>>, vector<1x16xf32>,
      %swap3A_172 = vector.shape_cast %swap3A_171 : vector<1x16xf32> to vector<16xf32>
      %swap3A_173 = vector.shape_cast %select_n3A_168 : vector<16xf32> to vector<1x16xf32>
      tpu.vector_store %arg11[%swap3A_169, %swap3A_170], %swap3A_173 {strides = array<i32>} : memref<320x128xf32, #tpu.memory_space<vmem>>, vector<1x16xf32>,
      %get3A_174 = arith.index_cast %scan3A_79 : i32 to index
      %get3A_175 = arith.constant 80 : index
      %get3A_176 = tpu.vector_load %arg11[%get3A_174, %get3A_175] {strides = array<i32>} : memref<320x128xf32, #tpu.memory_space<vmem>>, vector<1x16xf32>,
      %get3A_177 = vector.shape_cast %get3A_176 : vector<1x16xf32> to vector<16xf32>
      %mul3A_178 = arith.mulf %get3A_177, %get3A_17 : vector<16xf32>
      %add3A_179 = arith.addf %mul3A_178, %get3A_41 : vector<16xf32>
      %max3A_180 = arith.constant 0.000000e+00 : f32
      %max3A_181 = vector.broadcast %max3A_180 : f32 to vector<16xf32>
      %max3A_182 = arith.maximumf %add3A_179, %max3A_181 : vector<16xf32>
      %add3A_183 = arith.addi %add3A_52, %scan3A_79 : i32
      %lt3A_184 = arith.constant 10000 : i32
      %lt3A_185 = arith.cmpi slt, %add3A_183, %lt3A_184 : i32
      %jit3A_186 = arith.constant 0.000000e+00 : f32
      %broadcast_in_dim3A_187 = vector.broadcast %jit3A_186 : f32 to vector<16xf32>
      %select_n3A_188 = arith.select %lt3A_185, %max3A_182, %broadcast_in_dim3A_187 : vector<16xf32>
      %swap3A_189 = arith.index_cast %scan3A_79 : i32 to index
      %swap3A_190 = arith.constant 80 : index
      %swap3A_191 = tpu.vector_load %arg11[%swap3A_189, %swap3A_190] {strides = array<i32>} : memref<320x128xf32, #tpu.memory_space<vmem>>, vector<1x16xf32>,
      %swap3A_192 = vector.shape_cast %swap3A_191 : vector<1x16xf32> to vector<16xf32>
      %swap3A_193 = vector.shape_cast %select_n3A_188 : vector<16xf32> to vector<1x16xf32>
      tpu.vector_store %arg11[%swap3A_189, %swap3A_190], %swap3A_193 {strides = array<i32>} : memref<320x128xf32, #tpu.memory_space<vmem>>, vector<1x16xf32>,
      %get3A_194 = arith.index_cast %scan3A_79 : i32 to index
      %get3A_195 = arith.constant 96 : index
      %get3A_196 = tpu.vector_load %arg11[%get3A_194, %get3A_195] {strides = array<i32>} : memref<320x128xf32, #tpu.memory_space<vmem>>, vector<1x16xf32>,
      %get3A_197 = vector.shape_cast %get3A_196 : vector<1x16xf32> to vector<16xf32>
      %mul3A_198 = arith.mulf %get3A_197, %get3A_20 : vector<16xf32>
      %add3A_199 = arith.addf %mul3A_198, %get3A_44 : vector<16xf32>
      %max3A_200 = arith.constant 0.000000e+00 : f32
      %max3A_201 = vector.broadcast %max3A_200 : f32 to vector<16xf32>
      %max3A_202 = arith.maximumf %add3A_199, %max3A_201 : vector<16xf32>
      %add3A_203 = arith.addi %add3A_52, %scan3A_79 : i32
      %lt3A_204 = arith.constant 10000 : i32
      %lt3A_205 = arith.cmpi slt, %add3A_203, %lt3A_204 : i32
      %jit3A_206 = arith.constant 0.000000e+00 : f32
      %broadcast_in_dim3A_207 = vector.broadcast %jit3A_206 : f32 to vector<16xf32>
      %select_n3A_208 = arith.select %lt3A_205, %max3A_202, %broadcast_in_dim3A_207 : vector<16xf32>
      %swap3A_209 = arith.index_cast %scan3A_79 : i32 to index
      %swap3A_210 = arith.constant 96 : index
      %swap3A_211 = tpu.vector_load %arg11[%swap3A_209, %swap3A_210] {strides = array<i32>} : memref<320x128xf32, #tpu.memory_space<vmem>>, vector<1x16xf32>,
      %swap3A_212 = vector.shape_cast %swap3A_211 : vector<1x16xf32> to vector<16xf32>
      %swap3A_213 = vector.shape_cast %select_n3A_208 : vector<16xf32> to vector<1x16xf32>
      tpu.vector_store %arg11[%swap3A_209, %swap3A_210], %swap3A_213 {strides = array<i32>} : memref<320x128xf32, #tpu.memory_space<vmem>>, vector<1x16xf32>,
      %get3A_214 = arith.index_cast %scan3A_79 : i32 to index
      %get3A_215 = arith.constant 112 : index
      %get3A_216 = tpu.vector_load %arg11[%get3A_214, %get3A_215] {strides = array<i32>} : memref<320x128xf32, #tpu.memory_space<vmem>>, vector<1x16xf32>,
      %get3A_217 = vector.shape_cast %get3A_216 : vector<1x16xf32> to vector<16xf32>
      %mul3A_218 = arith.mulf %get3A_217, %get3A_23 : vector<16xf32>
      %add3A_219 = arith.addf %mul3A_218, %get3A_47 : vector<16xf32>
      %max3A_220 = arith.constant 0.000000e+00 : f32
      %max3A_221 = vector.broadcast %max3A_220 : f32 to vector<16xf32>
      %max3A_222 = arith.maximumf %add3A_219, %max3A_221 : vector<16xf32>
      %add3A_223 = arith.addi %add3A_52, %scan3A_79 : i32
      %lt3A_224 = arith.constant 10000 : i32
      %lt3A_225 = arith.cmpi slt, %add3A_223, %lt3A_224 : i32
      %jit3A_226 = arith.constant 0.000000e+00 : f32
      %broadcast_in_dim3A_227 = vector.broadcast %jit3A_226 : f32 to vector<16xf32>
      %select_n3A_228 = arith.select %lt3A_225, %max3A_222, %broadcast_in_dim3A_227 : vector<16xf32>
      %swap3A_229 = arith.index_cast %scan3A_79 : i32 to index
      %swap3A_230 = arith.constant 112 : index
      %swap3A_231 = tpu.vector_load %arg11[%swap3A_229, %swap3A_230] {strides = array<i32>} : memref<320x128xf32, #tpu.memory_space<vmem>>, vector<1x16xf32>,
      %swap3A_232 = vector.shape_cast %swap3A_231 : vector<1x16xf32> to vector<16xf32>
      %swap3A_233 = vector.shape_cast %select_n3A_228 : vector<16xf32> to vector<1x16xf32>
      tpu.vector_store %arg11[%swap3A_229, %swap3A_230], %swap3A_233 {strides = array<i32>} : memref<320x128xf32, #tpu.memory_space<vmem>>, vector<1x16xf32>,
    }
    %scan3A_57 = arith.constant 320 : i32
    %mul3A_58 = arith.constant 320 : i32
    %mul3A_59 = arith.muli %arg1, %mul3A_58 : i32
    "tpu.region"() ({
      %run_scoped3A = tpu.sem_alloc : memref<!tpu.dma_semaphore, #tpu.memory_space<semaphore_mem>>
      %dma_start3A = arith.constant 0 : i32
      %dma_start3A_79 = tpu.memref_slice %arg16[%mul3A_59, %dma_start3A] : memref<5128x128xf32, #tpu.memory_space<vmem_shared>> -> memref<320x128xf32, #tpu.memory_space<vmem_shared>>
      %dma_start3A_80 = arith.constant 0 : i32
      %dma_start3A_81 = tpu.memref_slice %arg16[%mul3A_59, %dma_start3A_80] : memref<5128x128xf32, #tpu.memory_space<vmem_shared>> -> memref<320x128xf32, #tpu.memory_space<vmem_shared>>
      tpu.enqueue_dma source(%arg11 : memref<320x128xf32, #tpu.memory_space<vmem>>) target(%dma_start3A_81 : memref<320x128xf32, #tpu.memory_space<vmem_shared>>) target_semaphore(%run_scoped3A : memref<!tpu.dma_semaphore, #tpu.memory_space<semaphore_mem>>)
      %dma_wait3A = arith.constant 0 : i32
      %dma_wait3A_82 = tpu.memref_slice %arg16[%mul3A_59, %dma_wait3A] : memref<5128x128xf32, #tpu.memory_space<vmem_shared>> -> memref<320x128xf32, #tpu.memory_space<vmem_shared>>
      %dma_wait3A_83 = arith.constant 0 : i32
      %dma_wait3A_84 = tpu.memref_slice %arg16[%mul3A_59, %dma_wait3A_83] : memref<5128x128xf32, #tpu.memory_space<vmem_shared>> -> memref<320x128xf32, #tpu.memory_space<vmem_shared>>
      tpu.wait_dma2 semaphore(%run_scoped3A : memref<!tpu.dma_semaphore, #tpu.memory_space<semaphore_mem>>) src(%arg11 : memref<320x128xf32, #tpu.memory_space<vmem>>) dst(%dma_wait3A_84 : memref<320x128xf32, #tpu.memory_space<vmem_shared>>)
      tpu.yield
    }) : () -> ()
    %eq3A = arith.constant 0 : i32
    %eq3A_60 = arith.cmpi eq, %arg1, %eq3A : i32
    %convert_element_type3A = arith.extui %eq3A_60 : i1 to i32
    %cond3A = arith.constant 0 : i32
    %cond3A_61 = arith.cmpi ne, %convert_element_type3A, %cond3A : i32
    scf.if %cond3A_61 {
      %broadcast_in_dim3A = arith.constant 0.000000e+00 : f32
      %broadcast_in_dim3A_79 = vector.broadcast %broadcast_in_dim3A : f32 to vector<16xf32>
      %scan3A_80 = arith.constant 0 : i32
      %scan3A_81 = arith.constant 0 : i32
      %scan3A_82 = arith.constant 8 : i32
      %scan3A_83 = arith.addi %scan3A_81, %scan3A_82 : i32
      %scan3A_84 = arith.constant 1 : i32
      scf.for %scan3A_86 = %scan3A_81 to %scan3A_83 step %scan3A_84  : i32 {
        %swap3A = arith.index_cast %scan3A_86 : i32 to index
        %swap3A_87 = arith.constant 0 : index
        %swap3A_88 = tpu.vector_load %arg10[%swap3A, %swap3A_87] {strides = array<i32>} : memref<256x128xf32, #tpu.memory_space<vmem>>, vector<1x16xf32>,
        %swap3A_89 = vector.shape_cast %swap3A_88 : vector<1x16xf32> to vector<16xf32>
        %swap3A_90 = vector.shape_cast %broadcast_in_dim3A_79 : vector<16xf32> to vector<1x16xf32>
        tpu.vector_store %arg10[%swap3A, %swap3A_87], %swap3A_90 {strides = array<i32>} : memref<256x128xf32, #tpu.memory_space<vmem>>, vector<1x16xf32>,
        %swap3A_91 = arith.index_cast %scan3A_86 : i32 to index
        %swap3A_92 = arith.constant 16 : index
        %swap3A_93 = tpu.vector_load %arg10[%swap3A_91, %swap3A_92] {strides = array<i32>} : memref<256x128xf32, #tpu.memory_space<vmem>>, vector<1x16xf32>,
        %swap3A_94 = vector.shape_cast %swap3A_93 : vector<1x16xf32> to vector<16xf32>
        %swap3A_95 = vector.shape_cast %broadcast_in_dim3A_79 : vector<16xf32> to vector<1x16xf32>
        tpu.vector_store %arg10[%swap3A_91, %swap3A_92], %swap3A_95 {strides = array<i32>} : memref<256x128xf32, #tpu.memory_space<vmem>>, vector<1x16xf32>,
        %swap3A_96 = arith.index_cast %scan3A_86 : i32 to index
        %swap3A_97 = arith.constant 32 : index
        %swap3A_98 = tpu.vector_load %arg10[%swap3A_96, %swap3A_97] {strides = array<i32>} : memref<256x128xf32, #tpu.memory_space<vmem>>, vector<1x16xf32>,
        %swap3A_99 = vector.shape_cast %swap3A_98 : vector<1x16xf32> to vector<16xf32>
        %swap3A_100 = vector.shape_cast %broadcast_in_dim3A_79 : vector<16xf32> to vector<1x16xf32>
        tpu.vector_store %arg10[%swap3A_96, %swap3A_97], %swap3A_100 {strides = array<i32>} : memref<256x128xf32, #tpu.memory_space<vmem>>, vector<1x16xf32>,
        %swap3A_101 = arith.index_cast %scan3A_86 : i32 to index
        %swap3A_102 = arith.constant 48 : index
        %swap3A_103 = tpu.vector_load %arg10[%swap3A_101, %swap3A_102] {strides = array<i32>} : memref<256x128xf32, #tpu.memory_space<vmem>>, vector<1x16xf32>,
        %swap3A_104 = vector.shape_cast %swap3A_103 : vector<1x16xf32> to vector<16xf32>
        %swap3A_105 = vector.shape_cast %broadcast_in_dim3A_79 : vector<16xf32> to vector<1x16xf32>
        tpu.vector_store %arg10[%swap3A_101, %swap3A_102], %swap3A_105 {strides = array<i32>} : memref<256x128xf32, #tpu.memory_space<vmem>>, vector<1x16xf32>,
        %swap3A_106 = arith.index_cast %scan3A_86 : i32 to index
        %swap3A_107 = arith.constant 64 : index
        %swap3A_108 = tpu.vector_load %arg10[%swap3A_106, %swap3A_107] {strides = array<i32>} : memref<256x128xf32, #tpu.memory_space<vmem>>, vector<1x16xf32>,
        %swap3A_109 = vector.shape_cast %swap3A_108 : vector<1x16xf32> to vector<16xf32>
        %swap3A_110 = vector.shape_cast %broadcast_in_dim3A_79 : vector<16xf32> to vector<1x16xf32>
        tpu.vector_store %arg10[%swap3A_106, %swap3A_107], %swap3A_110 {strides = array<i32>} : memref<256x128xf32, #tpu.memory_space<vmem>>, vector<1x16xf32>,
        %swap3A_111 = arith.index_cast %scan3A_86 : i32 to index
        %swap3A_112 = arith.constant 80 : index
        %swap3A_113 = tpu.vector_load %arg10[%swap3A_111, %swap3A_112] {strides = array<i32>} : memref<256x128xf32, #tpu.memory_space<vmem>>, vector<1x16xf32>,
        %swap3A_114 = vector.shape_cast %swap3A_113 : vector<1x16xf32> to vector<16xf32>
        %swap3A_115 = vector.shape_cast %broadcast_in_dim3A_79 : vector<16xf32> to vector<1x16xf32>
        tpu.vector_store %arg10[%swap3A_111, %swap3A_112], %swap3A_115 {strides = array<i32>} : memref<256x128xf32, #tpu.memory_space<vmem>>, vector<1x16xf32>,
        %swap3A_116 = arith.index_cast %scan3A_86 : i32 to index
        %swap3A_117 = arith.constant 96 : index
        %swap3A_118 = tpu.vector_load %arg10[%swap3A_116, %swap3A_117] {strides = array<i32>} : memref<256x128xf32, #tpu.memory_space<vmem>>, vector<1x16xf32>,
        %swap3A_119 = vector.shape_cast %swap3A_118 : vector<1x16xf32> to vector<16xf32>
        %swap3A_120 = vector.shape_cast %broadcast_in_dim3A_79 : vector<16xf32> to vector<1x16xf32>
        tpu.vector_store %arg10[%swap3A_116, %swap3A_117], %swap3A_120 {strides = array<i32>} : memref<256x128xf32, #tpu.memory_space<vmem>>, vector<1x16xf32>,
        %swap3A_121 = arith.index_cast %scan3A_86 : i32 to index
        %swap3A_122 = arith.constant 112 : index
        %swap3A_123 = tpu.vector_load %arg10[%swap3A_121, %swap3A_122] {strides = array<i32>} : memref<256x128xf32, #tpu.memory_space<vmem>>, vector<1x16xf32>,
        %swap3A_124 = vector.shape_cast %swap3A_123 : vector<1x16xf32> to vector<16xf32>
        %swap3A_125 = vector.shape_cast %broadcast_in_dim3A_79 : vector<16xf32> to vector<1x16xf32>
        tpu.vector_store %arg10[%swap3A_121, %swap3A_122], %swap3A_125 {strides = array<i32>} : memref<256x128xf32, #tpu.memory_space<vmem>>, vector<1x16xf32>,
      }
      %scan3A_85 = arith.constant 8 : i32
      "tpu.region"() ({
        %run_scoped3A = tpu.sem_alloc : memref<!tpu.dma_semaphore, #tpu.memory_space<semaphore_mem>>
        %dma_start3A = arith.constant 0 : i32
        %dma_start3A_86 = arith.constant 0 : i32
        %dma_start3A_87 = tpu.memref_slice %arg10[%dma_start3A, %dma_start3A_86] : memref<256x128xf32, #tpu.memory_space<vmem>> -> memref<8x128xf32, #tpu.memory_space<vmem>>
        %dma_start3A_88 = arith.constant 5120 : i32
        %dma_start3A_89 = arith.constant 0 : i32
        %dma_start3A_90 = tpu.memref_slice %arg16[%dma_start3A_88, %dma_start3A_89] : memref<5128x128xf32, #tpu.memory_space<vmem_shared>> -> memref<8x128xf32, #tpu.memory_space<vmem_shared>>
        %dma_start3A_91 = arith.constant 5120 : i32
        %dma_start3A_92 = arith.constant 0 : i32
        %dma_start3A_93 = tpu.memref_slice %arg16[%dma_start3A_91, %dma_start3A_92] : memref<5128x128xf32, #tpu.memory_space<vmem_shared>> -> memref<8x128xf32, #tpu.memory_space<vmem_shared>>
        %dma_start3A_94 = arith.constant 0 : i32
        %dma_start3A_95 = arith.constant 0 : i32
        %dma_start3A_96 = tpu.memref_slice %arg10[%dma_start3A_94, %dma_start3A_95] : memref<256x128xf32, #tpu.memory_space<vmem>> -> memref<8x128xf32, #tpu.memory_space<vmem>>
        tpu.enqueue_dma source(%dma_start3A_96 : memref<8x128xf32, #tpu.memory_space<vmem>>) target(%dma_start3A_93 : memref<8x128xf32, #tpu.memory_space<vmem_shared>>) target_semaphore(%run_scoped3A : memref<!tpu.dma_semaphore, #tpu.memory_space<semaphore_mem>>)
        %dma_wait3A = arith.constant 0 : i32
        %dma_wait3A_97 = arith.constant 0 : i32
        %dma_wait3A_98 = tpu.memref_slice %arg10[%dma_wait3A, %dma_wait3A_97] : memref<256x128xf32, #tpu.memory_space<vmem>> -> memref<8x128xf32, #tpu.memory_space<vmem>>
        %dma_wait3A_99 = arith.constant 5120 : i32
        %dma_wait3A_100 = arith.constant 0 : i32
        %dma_wait3A_101 = tpu.memref_slice %arg16[%dma_wait3A_99, %dma_wait3A_100] : memref<5128x128xf32, #tpu.memory_space<vmem_shared>> -> memref<8x128xf32, #tpu.memory_space<vmem_shared>>
        %dma_wait3A_102 = arith.constant 5120 : i32
        %dma_wait3A_103 = arith.constant 0 : i32
        %dma_wait3A_104 = tpu.memref_slice %arg16[%dma_wait3A_102, %dma_wait3A_103] : memref<5128x128xf32, #tpu.memory_space<vmem_shared>> -> memref<8x128xf32, #tpu.memory_space<vmem_shared>>
        %dma_wait3A_105 = arith.constant 0 : i32
        %dma_wait3A_106 = arith.constant 0 : i32
        %dma_wait3A_107 = tpu.memref_slice %arg10[%dma_wait3A_105, %dma_wait3A_106] : memref<256x128xf32, #tpu.memory_space<vmem>> -> memref<8x128xf32, #tpu.memory_space<vmem>>
        tpu.wait_dma2 semaphore(%run_scoped3A : memref<!tpu.dma_semaphore, #tpu.memory_space<semaphore_mem>>) src(%dma_wait3A_107 : memref<8x128xf32, #tpu.memory_space<vmem>>) dst(%dma_wait3A_104 : memref<8x128xf32, #tpu.memory_space<vmem_shared>>)
        tpu.yield
      }) : () -> ()
    } else {
    }
    %barrier3A = arith.constant 0 : index
    tpu.barrier barrier_id(%barrier3A)
    "tpu.region"() ({
      %run_scoped3A = tpu.sem_alloc : memref<!tpu.dma_semaphore, #tpu.memory_space<semaphore_mem>>
      %dma_start3A = arith.constant 0 : i32
      %dma_start3A_79 = tpu.memref_slice %arg12[%dma_start3A] : memref<48xi32, #tpu.memory_space<vmem>> -> memref<32xi32, #tpu.memory_space<vmem>>
      %dma_start3A_80 = arith.constant 0 : i32
      %dma_start3A_81 = tpu.memref_slice %arg12[%dma_start3A_80] : memref<48xi32, #tpu.memory_space<vmem>> -> memref<32xi32, #tpu.memory_space<vmem>>
      tpu.enqueue_dma source(%arg6 : memref<32xi32, #tpu.memory_space<hbm>>) target(%dma_start3A_81 : memref<32xi32, #tpu.memory_space<vmem>>) target_semaphore(%run_scoped3A : memref<!tpu.dma_semaphore, #tpu.memory_space<semaphore_mem>>)
      %dma_wait3A = arith.constant 0 : i32
      %dma_wait3A_82 = tpu.memref_slice %arg12[%dma_wait3A] : memref<48xi32, #tpu.memory_space<vmem>> -> memref<32xi32, #tpu.memory_space<vmem>>
      %dma_wait3A_83 = arith.constant 0 : i32
      %dma_wait3A_84 = tpu.memref_slice %arg12[%dma_wait3A_83] : memref<48xi32, #tpu.memory_space<vmem>> -> memref<32xi32, #tpu.memory_space<vmem>>
      tpu.wait_dma2 semaphore(%run_scoped3A : memref<!tpu.dma_semaphore, #tpu.memory_space<semaphore_mem>>) src(%arg6 : memref<32xi32, #tpu.memory_space<hbm>>) dst(%dma_wait3A_84 : memref<32xi32, #tpu.memory_space<vmem>>)
      tpu.yield
    }) : () -> ()
    "tpu.region"() ({
      %run_scoped3A = tpu.sem_alloc : memref<!tpu.dma_semaphore, #tpu.memory_space<semaphore_mem>>
      %dma_start3A = arith.constant 0 : i32
      %dma_start3A_79 = tpu.memref_slice %arg13[%dma_start3A] : memref<48xi32, #tpu.memory_space<vmem>> -> memref<32xi32, #tpu.memory_space<vmem>>
      %dma_start3A_80 = arith.constant 0 : i32
      %dma_start3A_81 = tpu.memref_slice %arg13[%dma_start3A_80] : memref<48xi32, #tpu.memory_space<vmem>> -> memref<32xi32, #tpu.memory_space<vmem>>
      tpu.enqueue_dma source(%arg7 : memref<32xi32, #tpu.memory_space<hbm>>) target(%dma_start3A_81 : memref<32xi32, #tpu.memory_space<vmem>>) target_semaphore(%run_scoped3A : memref<!tpu.dma_semaphore, #tpu.memory_space<semaphore_mem>>)
      %dma_wait3A = arith.constant 0 : i32
      %dma_wait3A_82 = tpu.memref_slice %arg13[%dma_wait3A] : memref<48xi32, #tpu.memory_space<vmem>> -> memref<32xi32, #tpu.memory_space<vmem>>
      %dma_wait3A_83 = arith.constant 0 : i32
      %dma_wait3A_84 = tpu.memref_slice %arg13[%dma_wait3A_83] : memref<48xi32, #tpu.memory_space<vmem>> -> memref<32xi32, #tpu.memory_space<vmem>>
      tpu.wait_dma2 semaphore(%run_scoped3A : memref<!tpu.dma_semaphore, #tpu.memory_space<semaphore_mem>>) src(%arg7 : memref<32xi32, #tpu.memory_space<hbm>>) dst(%dma_wait3A_84 : memref<32xi32, #tpu.memory_space<vmem>>)
      tpu.yield
    }) : () -> ()
    %get3A_62 = arith.index_cast %add3A : i32 to index
    %get3A_63 = tpu.vector_load %arg12[%get3A_62] {strides = array<i32>} : memref<48xi32, #tpu.memory_space<vmem>>, vector<16xi32>,
    %get3A_64 = vector.shape_cast %get3A_63 : vector<16xi32> to vector<16xi32>
    %slice3A = vector.extract_strided_slice %get3A_64 {offsets = [0], sizes = [1], strides = [1]} : vector<16xi32> to vector<1xi32>
    %squeeze3A = vector.extract %slice3A[0] : i32 from vector<1xi32>
    %get3A_65 = arith.index_cast %add3A : i32 to index
    %get3A_66 = tpu.vector_load %arg13[%get3A_65] {strides = array<i32>} : memref<48xi32, #tpu.memory_space<vmem>>, vector<16xi32>,
    %get3A_67 = vector.shape_cast %get3A_66 : vector<16xi32> to vector<16xi32>
    %slice3A_68 = vector.extract_strided_slice %get3A_67 {offsets = [0], sizes = [1], strides = [1]} : vector<16xi32> to vector<1xi32>
    %squeeze3A_69 = vector.extract %slice3A_68[0] : i32 from vector<1xi32>
    %while3A = arith.constant 0 : i32
    %while3A_70 = arith.constant 0 : i32
    %while3A_71 = arith.subi %squeeze3A_69, %while3A_70 : i32
    %while3A_72 = arith.addi %while3A_70, %while3A_71 : i32
    %while3A_73 = arith.constant 1 : i32
    %while3A_74 = arith.divsi %while3A_71, %while3A_73 : i32
    %while3A_75 = arith.muli %while3A_74, %while3A_73 : i32
    %while3A_76 = arith.addi %while3A_70, %while3A_75 : i32
    %while3A_77 = arith.constant 1 : i32
    scf.for %while3A_79 = %while3A_70 to %while3A_76 step %while3A_77  : i32 {
      %add3A_80 = arith.addi %squeeze3A, %while3A_79 : i32
      %mul3A_81 = arith.constant 256 : i32
      %mul3A_82 = arith.muli %add3A_80, %mul3A_81 : i32
      "tpu.region"() ({
        %run_scoped3A = tpu.sem_alloc : memref<!tpu.dma_semaphore, #tpu.memory_space<semaphore_mem>>
        %dma_start3A_87 = tpu.memref_slice %arg5[%mul3A_82] : memref<552960xi32, #tpu.memory_space<hbm>> -> memref<256xi32, #tpu.memory_space<hbm>>
        %dma_start3A_88 = tpu.memref_slice %arg5[%mul3A_82] : memref<552960xi32, #tpu.memory_space<hbm>> -> memref<256xi32, #tpu.memory_space<hbm>>
        tpu.enqueue_dma source(%dma_start3A_88 : memref<256xi32, #tpu.memory_space<hbm>>) target(%arg9 : memref<256xi32, #tpu.memory_space<vmem>>) target_semaphore(%run_scoped3A : memref<!tpu.dma_semaphore, #tpu.memory_space<semaphore_mem>>)
        %dma_wait3A_89 = tpu.memref_slice %arg5[%mul3A_82] : memref<552960xi32, #tpu.memory_space<hbm>> -> memref<256xi32, #tpu.memory_space<hbm>>
        %dma_wait3A_90 = tpu.memref_slice %arg5[%mul3A_82] : memref<552960xi32, #tpu.memory_space<hbm>> -> memref<256xi32, #tpu.memory_space<hbm>>
        tpu.wait_dma2 semaphore(%run_scoped3A : memref<!tpu.dma_semaphore, #tpu.memory_space<semaphore_mem>>) src(%dma_wait3A_90 : memref<256xi32, #tpu.memory_space<hbm>>) dst(%arg9 : memref<256xi32, #tpu.memory_space<vmem>>)
        tpu.yield
      }) : () -> ()
      %dma_start3A = arith.constant 0 : i32
      %dma_start3A_83 = arith.constant 0 : i32
      %dma_start3A_84 = tpu.memref_slice %arg16[%dma_start3A, %dma_start3A_83] : memref<5128x128xf32, #tpu.memory_space<vmem_shared>> -> memref<5128x128xf32, #tpu.memory_space<vmem_shared>>
      tpu.enqueue_indirect_dma source(%dma_start3A_84 : memref<5128x128xf32, #tpu.memory_space<vmem_shared>>) target(%arg10 : memref<256x128xf32, #tpu.memory_space<vmem>>) offsets(%arg9 : memref<256xi32, #tpu.memory_space<vmem>>) semaphore(%arg17 : memref<!tpu.dma_semaphore, #tpu.memory_space<semaphore_mem>>)
      %dma_wait3A = arith.constant 0 : i32
      %dma_wait3A_85 = arith.constant 0 : i32
      %dma_wait3A_86 = tpu.memref_slice %arg16[%dma_wait3A, %dma_wait3A_85] : memref<5128x128xf32, #tpu.memory_space<vmem_shared>> -> memref<5128x128xf32, #tpu.memory_space<vmem_shared>>
      tpu.wait_indirect_dma semaphore(%arg17 : memref<!tpu.dma_semaphore, #tpu.memory_space<semaphore_mem>>) src(%dma_wait3A_86 : memref<5128x128xf32, #tpu.memory_space<vmem_shared>>) dst(%arg10 : memref<256x128xf32, #tpu.memory_space<vmem>>)
      "tpu.region"() ({
        %run_scoped3A = tpu.sem_alloc : memref<!tpu.dma_semaphore, #tpu.memory_space<semaphore_mem>>
        %dma_start3A_87 = arith.constant 0 : i32
        %dma_start3A_88 = tpu.memref_slice %arg8[%mul3A_82, %dma_start3A_87] : memref<552960x128xf32, #tpu.memory_space<hbm>> -> memref<256x128xf32, #tpu.memory_space<hbm>>
        %dma_start3A_89 = arith.constant 0 : i32
        %dma_start3A_90 = tpu.memref_slice %arg8[%mul3A_82, %dma_start3A_89] : memref<552960x128xf32, #tpu.memory_space<hbm>> -> memref<256x128xf32, #tpu.memory_space<hbm>>
        tpu.enqueue_dma source(%arg10 : memref<256x128xf32, #tpu.memory_space<vmem>>) target(%dma_start3A_90 : memref<256x128xf32, #tpu.memory_space<hbm>>) target_semaphore(%run_scoped3A : memref<!tpu.dma_semaphore, #tpu.memory_space<semaphore_mem>>)
        %dma_wait3A_91 = arith.constant 0 : i32
        %dma_wait3A_92 = tpu.memref_slice %arg8[%mul3A_82, %dma_wait3A_91] : memref<552960x128xf32, #tpu.memory_space<hbm>> -> memref<256x128xf32, #tpu.memory_space<hbm>>
        %dma_wait3A_93 = arith.constant 0 : i32
        %dma_wait3A_94 = tpu.memref_slice %arg8[%mul3A_82, %dma_wait3A_93] : memref<552960x128xf32, #tpu.memory_space<hbm>> -> memref<256x128xf32, #tpu.memory_space<hbm>>
        tpu.wait_dma2 semaphore(%run_scoped3A : memref<!tpu.dma_semaphore, #tpu.memory_space<semaphore_mem>>) src(%arg10 : memref<256x128xf32, #tpu.memory_space<vmem>>) dst(%dma_wait3A_94 : memref<256x128xf32, #tpu.memory_space<hbm>>)
        tpu.yield
      }) : () -> ()
    }
    %while3A_78 = arith.constant 1 : i32
    scf.for %while3A_79 = %while3A_76 to %while3A_72 step %while3A_78  : i32 {
      %add3A_80 = arith.addi %squeeze3A, %while3A_79 : i32
      %mul3A_81 = arith.constant 256 : i32
      %mul3A_82 = arith.muli %add3A_80, %mul3A_81 : i32
      "tpu.region"() ({
        %run_scoped3A = tpu.sem_alloc : memref<!tpu.dma_semaphore, #tpu.memory_space<semaphore_mem>>
        %dma_start3A_87 = tpu.memref_slice %arg5[%mul3A_82] : memref<552960xi32, #tpu.memory_space<hbm>> -> memref<256xi32, #tpu.memory_space<hbm>>
        %dma_start3A_88 = tpu.memref_slice %arg5[%mul3A_82] : memref<552960xi32, #tpu.memory_space<hbm>> -> memref<256xi32, #tpu.memory_space<hbm>>
        tpu.enqueue_dma source(%dma_start3A_88 : memref<256xi32, #tpu.memory_space<hbm>>) target(%arg9 : memref<256xi32, #tpu.memory_space<vmem>>) target_semaphore(%run_scoped3A : memref<!tpu.dma_semaphore, #tpu.memory_space<semaphore_mem>>)
        %dma_wait3A_89 = tpu.memref_slice %arg5[%mul3A_82] : memref<552960xi32, #tpu.memory_space<hbm>> -> memref<256xi32, #tpu.memory_space<hbm>>
        %dma_wait3A_90 = tpu.memref_slice %arg5[%mul3A_82] : memref<552960xi32, #tpu.memory_space<hbm>> -> memref<256xi32, #tpu.memory_space<hbm>>
        tpu.wait_dma2 semaphore(%run_scoped3A : memref<!tpu.dma_semaphore, #tpu.memory_space<semaphore_mem>>) src(%dma_wait3A_90 : memref<256xi32, #tpu.memory_space<hbm>>) dst(%arg9 : memref<256xi32, #tpu.memory_space<vmem>>)
        tpu.yield
      }) : () -> ()
      %dma_start3A = arith.constant 0 : i32
      %dma_start3A_83 = arith.constant 0 : i32
      %dma_start3A_84 = tpu.memref_slice %arg16[%dma_start3A, %dma_start3A_83] : memref<5128x128xf32, #tpu.memory_space<vmem_shared>> -> memref<5128x128xf32, #tpu.memory_space<vmem_shared>>
      tpu.enqueue_indirect_dma source(%dma_start3A_84 : memref<5128x128xf32, #tpu.memory_space<vmem_shared>>) target(%arg10 : memref<256x128xf32, #tpu.memory_space<vmem>>) offsets(%arg9 : memref<256xi32, #tpu.memory_space<vmem>>) semaphore(%arg17 : memref<!tpu.dma_semaphore, #tpu.memory_space<semaphore_mem>>)
      %dma_wait3A = arith.constant 0 : i32
      %dma_wait3A_85 = arith.constant 0 : i32
      %dma_wait3A_86 = tpu.memref_slice %arg16[%dma_wait3A, %dma_wait3A_85] : memref<5128x128xf32, #tpu.memory_space<vmem_shared>> -> memref<5128x128xf32, #tpu.memory_space<vmem_shared>>
      tpu.wait_indirect_dma semaphore(%arg17 : memref<!tpu.dma_semaphore, #tpu.memory_space<semaphore_mem>>) src(%dma_wait3A_86 : memref<5128x128xf32, #tpu.memory_space<vmem_shared>>) dst(%arg10 : memref<256x128xf32, #tpu.memory_space<vmem>>)
      "tpu.region"() ({
        %run_scoped3A = tpu.sem_alloc : memref<!tpu.dma_semaphore, #tpu.memory_space<semaphore_mem>>
        %dma_start3A_87 = arith.constant 0 : i32
        %dma_start3A_88 = tpu.memref_slice %arg8[%mul3A_82, %dma_start3A_87] : memref<552960x128xf32, #tpu.memory_space<hbm>> -> memref<256x128xf32, #tpu.memory_space<hbm>>
        %dma_start3A_89 = arith.constant 0 : i32
        %dma_start3A_90 = tpu.memref_slice %arg8[%mul3A_82, %dma_start3A_89] : memref<552960x128xf32, #tpu.memory_space<hbm>> -> memref<256x128xf32, #tpu.memory_space<hbm>>
        tpu.enqueue_dma source(%arg10 : memref<256x128xf32, #tpu.memory_space<vmem>>) target(%dma_start3A_90 : memref<256x128xf32, #tpu.memory_space<hbm>>) target_semaphore(%run_scoped3A : memref<!tpu.dma_semaphore, #tpu.memory_space<semaphore_mem>>)
        %dma_wait3A_91 = arith.constant 0 : i32
        %dma_wait3A_92 = tpu.memref_slice %arg8[%mul3A_82, %dma_wait3A_91] : memref<552960x128xf32, #tpu.memory_space<hbm>> -> memref<256x128xf32, #tpu.memory_space<hbm>>
        %dma_wait3A_93 = arith.constant 0 : i32
        %dma_wait3A_94 = tpu.memref_slice %arg8[%mul3A_82, %dma_wait3A_93] : memref<552960x128xf32, #tpu.memory_space<hbm>> -> memref<256x128xf32, #tpu.memory_space<hbm>>
        tpu.wait_dma2 semaphore(%run_scoped3A : memref<!tpu.dma_semaphore, #tpu.memory_space<semaphore_mem>>) src(%arg10 : memref<256x128xf32, #tpu.memory_space<vmem>>) dst(%dma_wait3A_94 : memref<256x128xf32, #tpu.memory_space<hbm>>)
        tpu.yield
      }) : () -> ()
    }
    return
  }
}

module attributes {stable_mosaic.version = 14 : i64} {
  func.func @body(%arg0: i32, %arg1: memref<2160xi32, #tpu.memory_space<smem>>, %arg2: memref<2160xi32, #tpu.memory_space<smem>>, %arg3: memref<2160xi32, #tpu.memory_space<smem>>, %arg4: memref<256x128xf32, #tpu.memory_space<vmem>>, %arg5: memref<1x128x128xf32, #tpu.memory_space<vmem>>, %arg6: memref<256x128xf32, #tpu.memory_space<vmem>>) attributes {dimension_semantics = [#tpu.dimension_semantics<arbitrary>], iteration_bounds = array<i64: 2160>, scalar_prefetch = 3 : i64, scratch_operands = 0 : i64, tpu.core_type = #tpu.core_type<tc>, window_params = [{transform_indices = @transform_0, window_bounds = array<i64: 256, 128>}, {transform_indices = @transform_1, window_bounds = array<i64: 1, 128, 128>}, {transform_indices = @transform_2, window_bounds = array<i64: 256, 128>}]} {
    %get3A = arith.index_cast %arg0 : i32 to index
    %get3A_0 = memref.load %arg3[%get3A] : memref<2160xi32, #tpu.memory_space<smem>>
    %eq3A = arith.constant 1 : i32
    %eq3A_1 = arith.cmpi eq, %get3A_0, %eq3A : i32
    %convert_element_type3A = arith.extui %eq3A_1 : i1 to i32
    %cond3A = arith.constant 0 : i32
    %cond3A_2 = arith.cmpi ne, %convert_element_type3A, %cond3A : i32
    scf.if %cond3A_2 {
      %get3A_3 = arith.constant 0 : index
      %get3A_4 = arith.constant 0 : index
      %get3A_5 = vector.load %arg4[%get3A_3, %get3A_4] : memref<256x128xf32, #tpu.memory_space<vmem>>, vector<256x128xf32>
      %get3A_6 = arith.constant 0 : index
      %get3A_7 = arith.constant 0 : index
      %get3A_8 = arith.constant 0 : index
      %get3A_9 = vector.load %arg5[%get3A_6, %get3A_7, %get3A_8] : memref<1x128x128xf32, #tpu.memory_space<vmem>>, vector<1x128x128xf32>
      %get3A_10 = vector.shape_cast %get3A_9 : vector<1x128x128xf32> to vector<128x128xf32>
      %dot_general3A = arith.constant dense<0.000000e+00> : vector<256x128xf32>
      %dot_general3A_11 = tpu.matmul %get3A_5, %get3A_10, %dot_general3A {dimension_numbers = #tpu.dot_dimension_numbers<[1], [0], [0], [1], [0, 0, 1, 1], [], []>, transpose_lhs_hint = false} : vector<256x128xf32>, vector<128x128xf32>, vector<256x128xf32> -> vector<256x128xf32>
      %swap3A = arith.constant 0 : index
      %swap3A_12 = arith.constant 0 : index
      %swap3A_13 = vector.load %arg6[%swap3A, %swap3A_12] : memref<256x128xf32, #tpu.memory_space<vmem>>, vector<256x128xf32>
      tpu.vector_store %arg6[%swap3A, %swap3A_12], %dot_general3A_11 {strides = array<i32>} : memref<256x128xf32, #tpu.memory_space<vmem>>, vector<256x128xf32>,
    } else {
    }
    return
  }
  func.func @transform_0(%arg0: i32, %arg1: memref<2160xi32, #tpu.memory_space<smem>>, %arg2: memref<2160xi32, #tpu.memory_space<smem>>, %arg3: memref<2160xi32, #tpu.memory_space<smem>>) -> (i32, i32) {
    %get3A = arith.index_cast %arg0 : i32 to index
    %get3A_0 = memref.load %arg1[%get3A] : memref<2160xi32, #tpu.memory_space<smem>>
    %c0_i32 = arith.constant 0 : i32
    %c0_i32_1 = arith.constant 0 : i32
    return %get3A_0, %c0_i32 : i32, i32
  }
  func.func @transform_1(%arg0: i32, %arg1: memref<2160xi32, #tpu.memory_space<smem>>, %arg2: memref<2160xi32, #tpu.memory_space<smem>>, %arg3: memref<2160xi32, #tpu.memory_space<smem>>) -> (i32, i32, i32) {
    %get3A = arith.index_cast %arg0 : i32 to index
    %get3A_0 = memref.load %arg2[%get3A] : memref<2160xi32, #tpu.memory_space<smem>>
    %c0_i32 = arith.constant 0 : i32
    %c0_i32_1 = arith.constant 0 : i32
    %c0_i32_2 = arith.constant 0 : i32
    return %get3A_0, %c0_i32, %c0_i32_1 : i32, i32, i32
  }
  func.func @transform_2(%arg0: i32, %arg1: memref<2160xi32, #tpu.memory_space<smem>>, %arg2: memref<2160xi32, #tpu.memory_space<smem>>, %arg3: memref<2160xi32, #tpu.memory_space<smem>>) -> (i32, i32) {
    %get3A = arith.index_cast %arg0 : i32 to index
    %get3A_0 = memref.load %arg1[%get3A] : memref<2160xi32, #tpu.memory_space<smem>>
    %c0_i32 = arith.constant 0 : i32
    %c0_i32_1 = arith.constant 0 : i32
    return %get3A_0, %c0_i32 : i32, i32
  }
}

module attributes {stable_mosaic.version = 14 : i64} {
  func.func @body(%arg0: i32, %arg1: memref<256x128xf32, #tpu.memory_space<vmem>>, %arg2: memref<1x128xf32, #tpu.memory_space<vmem>>, %arg3: memref<1x128xf32, #tpu.memory_space<vmem>>, %arg4: memref<256x128xf32, #tpu.memory_space<vmem>>) attributes {dimension_semantics = [#tpu.dimension_semantics<arbitrary>], iteration_bounds = array<i64: 40>, scalar_prefetch = 0 : i64, scratch_operands = 0 : i64, tpu.core_type = #tpu.core_type<tc>, window_params = [{transform_indices = @transform_0, window_bounds = array<i64: 256, 128>}, {pipeline_mode = #tpu.pipeline_mode<synchronous>, transform_indices = @transform_1, window_bounds = array<i64: 1, 128>}, {pipeline_mode = #tpu.pipeline_mode<synchronous>, transform_indices = @transform_2, window_bounds = array<i64: 1, 128>}, {transform_indices = @transform_3, window_bounds = array<i64: 256, 128>}]} {
    %get3A = arith.constant 0 : index
    %get3A_0 = arith.constant 0 : index
    %get3A_1 = vector.load %arg1[%get3A, %get3A_0] : memref<256x128xf32, #tpu.memory_space<vmem>>, vector<256x128xf32>
    %get3A_2 = arith.constant 0 : index
    %get3A_3 = arith.constant 0 : index
    %get3A_4 = vector.load %arg2[%get3A_2, %get3A_3] : memref<1x128xf32, #tpu.memory_space<vmem>>, vector<1x128xf32>
    %mul3A = vector.broadcast %get3A_4 : vector<1x128xf32> to vector<256x128xf32>
    %mul3A_5 = arith.mulf %get3A_1, %mul3A : vector<256x128xf32>
    %get3A_6 = arith.constant 0 : index
    %get3A_7 = arith.constant 0 : index
    %get3A_8 = vector.load %arg3[%get3A_6, %get3A_7] : memref<1x128xf32, #tpu.memory_space<vmem>>, vector<1x128xf32>
    %add3A = vector.broadcast %get3A_8 : vector<1x128xf32> to vector<256x128xf32>
    %add3A_9 = arith.addf %mul3A_5, %add3A : vector<256x128xf32>
    %max3A = arith.constant 0.000000e+00 : f32
    %max3A_10 = vector.broadcast %max3A : f32 to vector<256x128xf32>
    %max3A_11 = arith.maximumf %add3A_9, %max3A_10 : vector<256x128xf32>
    %swap3A = arith.constant 0 : index
    %swap3A_12 = arith.constant 0 : index
    %swap3A_13 = vector.load %arg4[%swap3A, %swap3A_12] : memref<256x128xf32, #tpu.memory_space<vmem>>, vector<256x128xf32>
    tpu.vector_store %arg4[%swap3A, %swap3A_12], %max3A_11 {strides = array<i32>} : memref<256x128xf32, #tpu.memory_space<vmem>>, vector<256x128xf32>,
    return
  }
  func.func @transform_0(%arg0: i32) -> (i32, i32) {
    %c0_i32 = arith.constant 0 : i32
    %c0_i32_0 = arith.constant 0 : i32
    return %arg0, %c0_i32 : i32, i32
  }
  func.func @transform_1(%arg0: i32) -> (i32, i32) {
    %c0_i32 = arith.constant 0 : i32
    %c0_i32_0 = arith.constant 0 : i32
    %c0_i32_1 = arith.constant 0 : i32
    return %c0_i32, %c0_i32_0 : i32, i32
  }
  func.func @transform_2(%arg0: i32) -> (i32, i32) {
    %c0_i32 = arith.constant 0 : i32
    %c0_i32_0 = arith.constant 0 : i32
    %c0_i32_1 = arith.constant 0 : i32
    return %c0_i32, %c0_i32_0 : i32, i32
  }
  func.func @transform_3(%arg0: i32) -> (i32, i32) {
    %c0_i32 = arith.constant 0 : i32
    %c0_i32_0 = arith.constant 0 : i32
    return %arg0, %c0_i32 : i32, i32
  }
}

</mosaic_0001>

<sc_bundles>
// kernel: kernel.12.cloned.1.call-start
scs
__scs_entry_jumppad:
0x0: {  	(pc) =	sbr.rel $0x88, $3  }
0x1: {  	(tag) =	ssettag $0x0;
	lr =	simm.s32 $0x1  }
0x2: {  	[smem:$0x3F99] =	sst lr;
	_ =	strace $0xD0000000  }
0x3: {  	_ = 	snop  }
0x4: {  	_ = 	snop  }
0x5: {  	_ = 	snop  }
0x6: {  	_ = 	snop  }
0x7: {  	_ = 	snop  }
__scs_overlays_trampoline_lowered:
0x8: {  	[smem:$0x3FA8] =	sst s0  }
0x9: {  	[smem:$0x3FA9] =	sst s1  }
0xa: {  	[smem:$0x3FAA] =	sst s2  }
0xb: {  	[smem:$0x3FAB] =	sst s3  }
0xc: {  	[smem:$0x3FAC] =	sst s4  }
0xd: {  	[smem:$0x3FAD] =	sst s5  }
0xe: {  	[smem:$0x3FAE] =	sst s6  }
0xf: {  	[smem:$0x3FAF] =	sst s7  }
0x10: {  	[smem:$0x3FB0] =	sst s8  }
0x11: {  	[smem:$0x3FB1] =	sst s9;
	s0 =	simm.s32 @!p0 $0x0  }
0x12: {  	s1 =	sld [smem:$0x3F97];
	s0 =	simm.s32 @p0 $0x1  }
0x13: {  	[smem:$0x3FB2] =	sst s0;
	s0 =	simm.s32 @!p1 $0x0  }
0x14: {  	s2 =	sld [smem:$0x3F96];
	s0 =	simm.s32 @p1 $0x1  }
0x15: {  	[smem:$0x3FB3] =	sst s0;
	s0 =	simm.s32 @!p2 $0x0  }
0x16: {  	s3 =	sld [smem:$0x3FDB];
	s0 =	simm.s32 @p2 $0x1  }
0x17: {  	s4 =	simm.s32 $0x1BF5;
	[smem:$0x3FB5] =	sst s0  }
0x18: {  	s0 =	sld [smem:$0x3F98];
	_ =	swait.ge [sflag:s4], $0x0  }
0x19: {  	s7 =	sld [smem:$0x3F99]  }
0x1a: {  	s8 =	sadd.s32 $0xFFFFE003, lr  }
0x1b: {  	s9 =	sadd.s32 $0xFFFFFEF7, lr;
	s5 =	simm.s32 $0xFFFFFFFF;
	p2 =	slt.u32 s8, $0xFFFFF086  }
0x1c: {  	p1 =	slt.u32 s9, $0xF7A;
	s5 =	simm.s32 @!p2 $0x0  }
0x1d: {  	s5 =	simm.s32 @p1 $0x1;
	p0 =	seq.s32 s7, s2  }
0x1e: {  	s7 =	smul.u32 @!p0 $0xF7A, s2;
	p2 =	seq.s32 @!p0 s5, $0x0  }
0x1f: {  	s9 =	smul.u32 $0xF7A, s1;
	s8 =	simm.s32 @!p0 $0x1BF5;
	p2 =	por !p2, p0  }
0x20: {  	[sflag:s8] =	ssyncset.s32 @!p0 $0xFFFFF086;
	s6 =	sadd.s32 @!p0 s3, s7;
	s7 =	simm.s32 @!p0 $0x108  }
0x21: {  	s3 =	sadd.s32 s3, s9;
	s6 =	sadd.s32 @!p0 $0x88, s6;
	s7 =	simm.s32 @p2 $0x1082  }
0x22: {  	[simem:s7], [sflag:s8] =	dma.local @!p0 [hbm:s6], $0xF7A  }
0x23: {  	s9 =	sor.u32 $0xD0000000, s2;
	s6 =	simm.s32 $0x108;
	_ =	swait.ge @!p0 [sflag:s8], $0x0  }
0x24: {  	s3 =	sadd.s32 $0x88, s3;
	s6 =	simm.s32 @!p1 $0x1082;
	[sflag:s4] =	ssyncset.s32 $0xFFFFF086  }
0x25: {  	[simem:s6], [sflag:s4] =	dma.local [hbm:s3], $0xF7A  }
0x26: {  	[smem:$0x3F99] =	sst s1;
	(tag) =	ssettag s2;
	_ =	strace s9  }
0x27: {  	s1 =	sld [smem:$0x3FA9]  }
0x28: {  	s2 =	sld [smem:$0x3FAA]  }
0x29: {  	s4 =	sld [smem:$0x3FAC]  }
0x2a: {  	p0 =	seq.s32 s5, $0x0;
	s5 =	sld [smem:$0x3FAD]  }
0x2b: {  	s6 =	sld [smem:$0x3FAE]  }
0x2c: {  	s7 =	sld [smem:$0x3FAF]  }
0x2d: {  	s3 =	simm.s32 $0x108;
	s8 =	sld [smem:$0x3FB0]  }
0x2e: {  	s3 =	simm.s32 @!p0 $0x1082;
	s9 =	sld [smem:$0x3FB1]  }
0x2f: {  	lr =	sadd.s32 s0, s3;
	s0 =	sld [smem:$0x3FA8]  }
0x30: {  	s3 =	sld [smem:$0x3FAB]  }
0x31: {  	[smem:$0x3FB4] =	sst s10  }
0x32: {  	s10 =	sld [smem:$0x3FB2];
	_ =	sdelay $0x3  }
0x33: {  	p0 =	seq.s32 s10, $0x1;
	s10 =	sld [smem:$0x3FB4];
	_ =	sdelay $0x3  }
0x34: {  	[smem:$0x3FB4] =	sst s10  }
0x35: {  	s10 =	sld [smem:$0x3FB3];
	_ =	sdelay $0x3  }
0x36: {  	p1 =	seq.s32 s10, $0x1;
	s10 =	sld [smem:$0x3FB4];
	_ =	sdelay $0x3  }
0x37: {  	[smem:$0x3FB4] =	sst s10  }
0x38: {  	s10 =	sld [smem:$0x3FB5]  }
0x39: {  	_ = 	snop;
	(pc) =	sbr.ind lr, $3  }
0x3a: {  	_ = 	snop  }
0x3b: {  	_ = 	snop  }
0x3c: {  	p2 =	seq.s32 s10, $0x1;
	s10 =	sld [smem:$0x3FB4]  }
0x3d: {  	_ =	shalt  }
0x3e: {  	_ =	shalt  }
0x3f: {  	_ =	shalt  }
0x40: {  	_ =	shalt  }
0x41: {  	_ =	shalt  }
0x42: {  	_ =	shalt  }
0x43: {  	_ =	shalt  }
0x44: {  	_ =	shalt  }
0x45: {  	_ =	shalt  }
0x46: {  	_ =	shalt  }
0x47: {  	_ =	shalt  }
0x48: {  	_ =	shalt  }
0x49: {  	_ =	shalt  }
0x4a: {  	_ =	shalt  }
0x4b: {  	_ =	shalt  }
0x4c: {  	_ =	shalt  }
0x4d: {  	_ =	shalt  }
0x4e: {  	_ =	shalt  }
0x4f: {  	_ =	shalt  }
0x50: {  	_ =	shalt  }
0x51: {  	_ =	shalt  }
0x52: {  	_ =	shalt  }
0x53: {  	_ =	shalt  }
0x54: {  	_ =	shalt  }
0x55: {  	_ =	shalt  }
0x56: {  	_ =	shalt  }
0x57: {  	_ =	shalt  }
0x58: {  	_ =	shalt  }
0x59: {  	_ =	shalt  }
0x5a: {  	_ =	shalt  }
0x5b: {  	_ =	shalt  }
0x5c: {  	_ =	shalt  }
0x5d: {  	_ =	shalt  }
0x5e: {  	_ =	shalt  }
0x5f: {  	_ =	shalt  }
0x60: {  	_ =	shalt  }
0x61: {  	_ =	shalt  }
0x62: {  	_ =	shalt  }
0x63: {  	_ =	shalt  }
0x64: {  	_ =	shalt  }
0x65: {  	_ =	shalt  }
0x66: {  	_ =	shalt  }
0x67: {  	_ =	shalt  }
0x68: {  	_ =	shalt  }
0x69: {  	_ =	shalt  }
0x6a: {  	_ =	shalt  }
0x6b: {  	_ =	shalt  }
0x6c: {  	_ =	shalt  }
0x6d: {  	_ =	shalt  }
0x6e: {  	_ =	shalt  }
0x6f: {  	_ =	shalt  }
0x70: {  	_ =	shalt  }
0x71: {  	_ =	shalt  }
0x72: {  	_ =	shalt  }
0x73: {  	_ =	shalt  }
0x74: {  	_ =	shalt  }
0x75: {  	_ =	shalt  }
0x76: {  	_ =	shalt  }
0x77: {  	_ =	shalt  }
0x78: {  	_ =	shalt  }
0x79: {  	_ =	shalt  }
0x7a: {  	_ =	shalt  }
0x7b: {  	_ =	shalt  }
0x7c: {  	_ =	shalt  }
0x7d: {  	_ =	shalt  }
0x7e: {  	_ =	shalt  }
0x7f: {  	_ =	shalt  }
0x80: {  	_ =	shalt  }
0x81: {  	_ =	shalt  }
0x82: {  	_ =	shalt  }
0x83: {  	_ =	shalt  }
0x84: {  	_ =	shalt  }
0x85: {  	_ =	shalt  }
0x86: {  	_ =	shalt  }
0x87: {  	_ =	shalt  }
.Lfunc_end0:
.L_simem_size_0:
called_computation.1_lowered:
.L_overlay_start_0:
0x88: {  	s2 =	sld [smem:$0x3FD9]  }
0x89: {  	s3 =	sld [smem:$0x3FFE];
	_ =	sdelay $0x1  }
0x8a: {  	s1 =	srdreg.scid  }
0x8b: {  	s0 =	sand.u32 $0x1, s1  }
0x8c: {  	s16 =	sshll.u32 s0, $0xA;
	s2 =	sadd.s32 s3, s2  }
0x8d: {  	s2 =	sadd.s32 s2, s16  }
0x8e: {  	[smem:$0x3FC0] =	sst s2  }
0x8f: {  	_ = 	snop  }
0x90: {  	(tm) =	ssettm $0x1  }
0x91: {  	s17 =	sld [smem:$0x3FFB];
	_ =	sdelay $0x3  }
0x92: {  	_ =	strace s17  }
0x93: {  	s2 =	sld [smem:$0x3FFC];
	_ =	sdelay $0x3  }
0x94: {  	_ =	strace s2  }
0x95: {  	s2 =	sld [smem:$0x3FFD];
	_ =	sdelay $0x3  }
0x96: {  	_ =	strace s2  }
0x97: {  	_ =	strace $0x8FFFFFFF  }
0x98: {  	s18 =	sld [smem:$0x3FDB];
	_ =	sdelay $0x1  }
0x99: {  	s19 =	simm.s32 $_scs_section_size  }
0x9a: {  	s4 =	simm.s32 $_size__tile_overlayer_lowered;
	s5 =	simm.s32 $_tile_overlayer_lowered  }
0x9b: {  	s22 =	simm.s32 $0x1BFF;
	s21 =	sshll.u32 s5, $0x1;
	s2 =	sadd.s32 s19, s18  }
0x9c: {  	s6 =	simm.s32 $0x0;
	s20 =	sshll.u32 s4, $0x1;
	s4 =	sadd.s32 s21, s2  }
0x9d: {  	[timem:s6], [sflag:s22] =	dma.local [hbm:s4], s20  }
0x9e: {  	_ =	swait.ge [sflag:s22], s20  }
0x9f: {  	s3 =	ssub.s32 $0x0, s20;
	[sflag:s22] =	ssyncset.done $0x0  }
0xa0: {  	[sflag:s22] =	ssyncadd.s32 s3;
	_ =	sdelay $0x1  }
0xa1: {  	s23 =	simm.s32 $0x1B8B  }
0xa2: {  	_ =	swait.ge [sflag:s23], $0x1  }
0xa3: {  	[sflag:s23] =	ssyncset.done $0x0  }
0xa4: {  	s25 =	simm.s32 $0x1B8E;
	s24 =	sld [smem:$0x3FFE];
	[sflag:s23] =	ssyncadd.s32 $0xFFFFFFFF  }
0xa5: {  	s26 =	simm.s32 $execute0_lowered;
	[smem:$0x3FD2] =	sst s25  }
0xa6: {  	s4 =	sshll.u32 s26, $0x1;
	_ =	strace $0x80000049;
	[dreg:$0x1] =	wrdreg $0xFFFFFFFF  }
0xa7: {  	s28 =	simm.s32 $_size_execute0_lowered;
	s2 =	sadd.s32 s2, s4;
	[dreg:$0x0] =	wrdreg $0x0  }
0xa8: {  	s4 =	sshll.u32 s28, $0x1;
	[dreg:$0x2] =	wrdreg s2  }
0xa9: {  	[dreg:$0x3] =	wrdreg s4  }
0xaa: {  	[dreg:$0x4] =	wrdreg $0xC0  }
0xab: {  	_ =	task [dreg:s6], $0x5FFFF  }
0xac: {  	[dreg:$0x1] =	wrdreg $0xFFFFFFFF  }
0xad: {  	[dreg:$0x0] =	wrdreg $0x60  }
0xae: {  	[dreg:$0x2] =	wrdreg s24  }
0xaf: {  	[dreg:$0x3] =	wrdreg $0x124000  }
0xb0: {  	[dreg:$0x4] =	wrdreg $0x9  }
0xb1: {  	_ =	task.clear_ibuf [dreg:s6], $0x5FFFF;
	_ =	strace $0x90000049  }
0xb2: {  	s29 =	simm.s32 $0x9;
	_ =	strace $0x8000004B  }
0xb3: {  	_ =	swait.ge [sflag:s29], $0x1  }
0xb4: {  	[sflag:s29] =	ssyncadd.s32 $0xFFFFFFFF  }
0xb5: {  	_ =	strace $0x9000004B  }
0xb6: {  	_ =	sfence  }
0xb7: {  	s30 =	sld [smem:$0x0];
	_ =	sdelay $0x2  }
0xb8: {  	s31 =	sshll.u32 s1, $0xD;
	s1 =	sshrl.u32 s1, $0x2  }
0xb9: {  	s3 =	sand.u32 $0x4000, s31;
	s1 =	sadd.s32 s1, s30  }
0xba: {  	s0 =	sor.u32 s3, s0;
	s1 =	sshll.u32 s1, $0x11  }
0xbb: {  	s0 =	sor.u32 s1, s0  }
0xbc: {  	s0 =	sadd.s32 $0x8F2B, s0  }
0xbd: {  	[sflag:s0] =	ssyncadd.remote.s32 $0x1  }
0xbe: {  	_ =	sfence.sel $0xFFFF  }
0xbf: {  	[dreg:$0x0] =	wrdreg $0xFFFFFFFF;
	(pc) =	sbr.abs _section_cstart, $3  }
0xc0: {  	[dreg:$0x1] =	wrdreg $0xFFFFFFFF  }
0xc1: {  	_ =	task.clear_ibuf [dreg:s6], $0x2FFFF;
	_ =	strace $0x9FFFFFFF  }
0xc2: {  	(tm) =	ssettm $0x7FFFFFFF  }
0xc3: {  	_ =	shalt  }
tec
execute0_lowered:
.L_overlay_start_1:
0x0: {  	(tag) =	ssettag $0x1  }
0x1: {  	s11 =	rddreg [dreg:$0x0]  }
0x2: {  	s1 =	rddreg [dreg:$0x1]  }
0x3: {  	s0 =	rddreg [dreg:$0x2];
	s3 =	simm.s32 $0x0;
	s5 =	srdreg.scid  }
0x4: {  	s2 =	stileid.u32;
	s17 =	simm.s32 $0x12200;
	s18 =	simm.s32 $0x12280  }
0x5: {  	s19 =	simm.s32 $0x12300;
	s20 =	simm.s32 $0x12380;
	s21 =	simm.s32 $0x100  }
0x6: {  	s22 =	simm.s32 $0x12100;
	s23 =	simm.s32 $0x0;
	[smem:$0x7FF] =	sst s3  }
0x7: {  	s4 =	sadd.s32 $0x899A00, s11;
	s12 =	sand.u32 $0x1, s5;
	s10 =	smul.u32 $0x1400, s2  }
0x8: {  	s5 =	sadd.s32 $0x1C00, s11;
	s6 =	sadd.s32 $0x1400, s11;
	s13 =	smul.u32 $0x14000, s12  }
0x9: {  	s7 =	sadd.s32 $0x1600, s11;
	s8 =	sadd.s32 $0x13E00, s11;
	s9 =	sadd.s32 $0x12A00, s11  }
0xa: {  	s31 =	sshll.u32 s2, $0x1;
	s14 =	smul.u32 $0x28000, s2;
	s10 =	sadd.s32 s10, s13  }
0xb: {  	s15 =	sadd.s32 s10, s11;
	s10 =	sor.u32 s12, s31;
	s12 =	ssub.s32 $0x2, s12  }
0xc: {  	_ =	strace $0x8000004A;
	s13 =	sshll.u32 s10, $0x5;
	s16 =	sshrl.u32 s12, $0x1  }
0xd: {  	s14 =	sshrl.u32 s14, $0x2;
	s13 =	sadd.s32 s13, s11;
	s16 =	ssub.s32 s12, s16  }
0xe: {  	s11 =	sadd.s32 s14, s1;
	s12 =	sadd.s32 $0x14000, s13;
	s13 =	sadd.s32 $0x14400, s15  }
0xf: {  	s14 =	smax.u32 s16, $0x1;
	s15 =	simm.s32 $0x8100;
	s16 =	simm.s32 $0x1  }
.LBB2_1:
0x10: {  	[tilespmem:s15], [sflag:$0x1] =	stream.linear.gather [hbm4b:s9+s3], $0xA000, $0x38;
	[tilespmem:$0x1C400] =	vst v63  }
0x11: {  	_ =	swait.ge [sflag:s16], $0xA000  }
0x12: {  	[sflag:s16] =	ssyncset.done $0x0  }
0x13: {  	[sflag:s16] =	ssyncadd.s32 $0xFFFF6000  }
0x14: {  	[spmem:s11] =	stream.linear.scatter [tilespmem:s15], [sflag:$0x1], $0xA000, $0x38;
	[tilespmem:$0x1C400] =	vst v63  }
0x15: {  	_ =	swait.ge [sflag:s16], $0xA000  }
0x16: {  	[sflag:s16] =	ssyncset.done $0x0  }
0x17: {  	[sflag:s16] =	ssyncadd.s32 $0xFFFF6000  }
0x18: {  	[bflag:$0x0] =	sbarrier.arrive $0xFFFF  }
0x19: {  	[tilespmem:s17], [sflag:$0x1] =	stream.linear.gather [hbm4b:s6+s3], $0x20, $0x38;
	[tilespmem:$0x1C400] =	vst v63  }
0x1a: {  	_ =	swait.ge [sflag:s16], $0x20  }
0x1b: {  	[sflag:s16] =	ssyncset.done $0x0  }
0x1c: {  	[sflag:s16] =	ssyncadd.s32 $0xFFFFFFE0  }
0x1d: {  	[tilespmem:s18], [sflag:$0x1] =	stream.linear.gather [hbm4b:s7+s3], $0x20, $0x38;
	[tilespmem:$0x1C400] =	vst v63  }
0x1e: {  	_ =	swait.ge [sflag:s16], $0x20  }
0x1f: {  	[sflag:s16] =	ssyncset.done $0x0  }
0x20: {  	[sflag:s16] =	ssyncadd.s32 $0xFFFFFFE0  }
0x21: {  	[tilespmem:s19], [sflag:$0x1] =	stream.linear.gather [hbm4b:s6+s3], $0x20, $0x38;
	[tilespmem:$0x1C400] =	vst v63  }
0x22: {  	_ =	swait.ge [sflag:s16], $0x20  }
0x23: {  	[sflag:s16] =	ssyncset.done $0x0  }
0x24: {  	[sflag:s16] =	ssyncadd.s32 $0xFFFFFFE0  }
0x25: {  	[tilespmem:s20], [sflag:$0x1] =	stream.linear.gather [hbm4b:s8+s3], $0x20, $0x38;
	[tilespmem:$0x1C400] =	vst v63  }
0x26: {  	_ =	swait.ge [sflag:s16], $0x20  }
0x27: {  	[sflag:s16] =	ssyncset.done $0x0  }
0x28: {  	[sflag:s16] =	ssyncadd.s32 $0xFFFFFFE0  }
0x29: {  	v0 =	vld [tilespmem:s10+$0x12200]  }
0x2a: {  	v1 =	vld [tilespmem:s10+$0x12280];
	_ =	sdelay $0x3  }
0x2b: {  	(v2sf) =	vpush v0, $0x0  }
0x2c: {  	(v2sf) =	vpush v1, $0x0;
	_ =	sdelay $0xd  }
0x2d: {  	s25 =	spop (v2sf)  }
0x2e: {  	s26 =	spop (v2sf)  }
0x2f: {  	p0 =	slt.s32 s26, $0x1  }
.Ltmp0:
0x30: {  	_ = 	snop;
	(pc) =	sbr.rel @p0 .LBB2_8-.Ltmp0, $1  }
0x31: {  	_ =	sdelay $0x3  }
0x32: {  	p1 =	sne.s32 s26, $0x1  }
.Ltmp1:
0x33: {  	_ = 	snop;
	(pc) =	sbr.rel @!p1 .LBB2_3-.Ltmp1, $3  }
0x34: {  	_ =	sdelay $0x1  }
0x35: {  	s24 =	sshll.u32 s25, $0x5;
	s25 =	sshll.u32 s25, $0xC  }
0x36: {  	s26 =	sadd.s32 $0xFFFFFFFF, s26;
	p0 =	por $0x0, $0x0;
	s29 =	sand.u32 $0x1FFFF000, s25  }
0x37: {  	s28 =	sadd.s32 s4, s29  }
0x38: {  	[tilespmem:s21], [sflag:$0x1] =	stream.linear.gather [hbm4b:s28+s3], $0x8000, $0x38;
	[tilespmem:$0x1C400] =	vst v63  }
0x39: {  	_ =	swait.ge [sflag:s16], $0x8000  }
0x3a: {  	s28 =	sand.u32 $0x1FFFFFE0, s24;
	[sflag:s16] =	ssyncset.done $0x0  }
0x3b: {  	s28 =	sadd.s32 s5, s28;
	[sflag:s16] =	ssyncadd.s32 $0xFFFF8000  }
0x3c: {  	[tilespmem:s3], [sflag:$0x1] =	stream.linear.gather [hbm4b:s28+s3], $0x100, $0x38;
	[tilespmem:$0x1C400] =	vst v63  }
0x3d: {  	p1 =	sne.s32 s26, $0x1;
	_ =	swait.ge [sflag:s16], $0x100  }
.Ltmp2:
0x3e: {  	[sflag:s16] =	ssyncset.done $0x0;
	(pc) =	sbr.rel @!p1 .LBB2_5-.Ltmp2, $4  }
0x3f: {  	s26 =	sadd.s32 $0xFFFFFFFF, s26;
	[sflag:s16] =	ssyncadd.s32 $0xFFFFFF00  }
0x40: {  	[spmem:s1] =	stream.indirect.scatter.add.f32 [tilespmem:s21], [sflag:$0x1], $0x80, s3, s21, $0xb8;
	[tilespmem:$0x1C400] =	vst v63  }
0x41: {  	p0 =	por $0x1, $0x1;
	s28 =	sadd.s32 $0x1000, s25;
	_ =	swait.ge [sflag:s16], $0x8000  }
0x42: {  	s25 =	smov.u32 s24;
	s29 =	sand.u32 $0x1FFFF000, s28;
	[sflag:s16] =	ssyncset.done $0x0  }
.LBB2_6:
0x43: {  	s29 =	sadd.s32 s4, s29;
	[sflag:s16] =	ssyncadd.s32 $0xFFFF8000;
	s25 =	sadd.s32 $0x20, s25  }
0x44: {  	[tilespmem:s21], [sflag:$0x1] =	stream.linear.gather [hbm4b:s29+s3], $0x8000, $0x38;
	[tilespmem:$0x1C400] =	vst v63  }
0x45: {  	p1 =	sne.s32 s26, $0x1;
	s26 =	sadd.s32 $0xFFFFFFFF, s26;
	_ =	swait.ge [sflag:s16], $0x8000  }
0x46: {  	s29 =	sand.u32 $0x1FFFFFE0, s25;
	[sflag:s16] =	ssyncset.done $0x0  }
0x47: {  	s29 =	sadd.s32 s5, s29;
	[sflag:s16] =	ssyncadd.s32 $0xFFFF8000  }
0x48: {  	[tilespmem:s3], [sflag:$0x1] =	stream.linear.gather [hbm4b:s29+s3], $0x100, $0x38;
	[tilespmem:$0x1C400] =	vst v63  }
0x49: {  	_ =	swait.ge [sflag:s16], $0x100  }
.Ltmp3:
0x4a: {  	[sflag:s16] =	ssyncset.done $0x0;
	(pc) =	sbr.rel @p1 .LBB2_6-.Ltmp3, $4  }
0x4b: {  	[sflag:s16] =	ssyncadd.s32 $0xFFFFFF00  }
0x4c: {  	[spmem:s1] =	stream.indirect.scatter.add.f32 [tilespmem:s21], [sflag:$0x1], $0x80, s3, s21, $0xb8;
	[tilespmem:$0x1C400] =	vst v63  }
0x4d: {  	s28 =	sadd.s32 $0x1000, s28;
	_ =	swait.ge [sflag:s16], $0x8000  }
0x4e: {  	s29 =	sand.u32 $0x1FFFF000, s28;
	[sflag:s16] =	ssyncset.done $0x0  }
.LBB2_7:
0x4f: {  	s26 =	sadd.s32 s4, s29;
	[sflag:s16] =	ssyncadd.s32 @p0 $0xFFFF8000;
	s25 =	sadd.s32 @p0 $0x20, s25  }
0x50: {  	[tilespmem:s21], [sflag:$0x1] =	stream.linear.gather [hbm4b:s26+s3], $0x8000, $0x38;
	[tilespmem:$0x1C400] =	vst v63  }
0x51: {  	s24 =	smov.u32 @p0 s25;
	_ =	swait.ge [sflag:s16], $0x8000  }
0x52: {  	s24 =	sand.u32 $0x1FFFFFE0, s24;
	[sflag:s16] =	ssyncset.done $0x0  }
0x53: {  	s24 =	sadd.s32 s5, s24;
	[sflag:s16] =	ssyncadd.s32 $0xFFFF8000  }
0x54: {  	[tilespmem:s3], [sflag:$0x1] =	stream.linear.gather [hbm4b:s24+s3], $0x100, $0x38;
	[tilespmem:$0x1C400] =	vst v63  }
0x55: {  	_ =	swait.ge [sflag:s16], $0x100  }
0x56: {  	[sflag:s16] =	ssyncset.done $0x0  }
0x57: {  	[sflag:s16] =	ssyncadd.s32 $0xFFFFFF00  }
0x58: {  	[spmem:s1] =	stream.indirect.scatter.add.f32 [tilespmem:s21], [sflag:$0x1], $0x80, s3, s21, $0xb8;
	[tilespmem:$0x1C400] =	vst v63  }
0x59: {  	_ =	swait.ge [sflag:s16], $0x8000  }
0x5a: {  	[sflag:s16] =	ssyncset.done $0x0  }
0x5b: {  	[sflag:s16] =	ssyncadd.s32 $0xFFFF8000  }
.LBB2_8:
0x5c: {  	v0 =	vld [tilespmem:s10+$0x12300]  }
0x5d: {  	v1 =	vld [tilespmem:s10+$0x12380];
	_ =	sdelay $0x3  }
0x5e: {  	(v2sf) =	vpush v0, $0x0  }
0x5f: {  	(v2sf) =	vpush v1, $0x0;
	_ =	sdelay $0xd  }
0x60: {  	s25 =	spop (v2sf)  }
0x61: {  	s26 =	spop (v2sf)  }
0x62: {  	p0 =	slt.s32 s26, $0x1  }
.Ltmp4:
0x63: {  	_ = 	snop;
	(pc) =	sbr.rel @p0 .LBB2_15-.Ltmp4, $1  }
0x64: {  	_ =	sdelay $0x3  }
0x65: {  	p1 =	sne.s32 s26, $0x1  }
.Ltmp5:
0x66: {  	_ = 	snop;
	(pc) =	sbr.rel @!p1 .LBB2_10-.Ltmp5, $3  }
0x67: {  	_ =	sdelay $0x1  }
0x68: {  	s24 =	sshll.u32 s25, $0x5;
	s25 =	sshll.u32 s25, $0xC  }
0x69: {  	s26 =	sadd.s32 $0xFFFFFFFF, s26;
	p0 =	por $0x0, $0x0;
	s29 =	sand.u32 $0x1FFFF000, s25  }
0x6a: {  	s28 =	sadd.s32 s4, s29  }
0x6b: {  	[tilespmem:s21], [sflag:$0x1] =	stream.linear.gather [hbm4b:s28+s3], $0x8000, $0x38;
	[tilespmem:$0x1C400] =	vst v63  }
0x6c: {  	_ =	swait.ge [sflag:s16], $0x8000  }
0x6d: {  	s28 =	sand.u32 $0x1FFFFFE0, s24;
	[sflag:s16] =	ssyncset.done $0x0  }
0x6e: {  	s28 =	sadd.s32 s5, s28;
	[sflag:s16] =	ssyncadd.s32 $0xFFFF8000  }
0x6f: {  	[tilespmem:s3], [sflag:$0x1] =	stream.linear.gather [hbm4b:s28+s3], $0x100, $0x38;
	[tilespmem:$0x1C400] =	vst v63  }
0x70: {  	p1 =	sne.s32 s26, $0x1;
	_ =	swait.ge [sflag:s16], $0x100  }
.Ltmp6:
0x71: {  	[sflag:s16] =	ssyncset.done $0x0;
	(pc) =	sbr.rel @!p1 .LBB2_12-.Ltmp6, $4  }
0x72: {  	s26 =	sadd.s32 $0xFFFFFFFF, s26;
	[sflag:s16] =	ssyncadd.s32 $0xFFFFFF00  }
0x73: {  	[spmem:s1] =	stream.indirect.scatter.add.f32 [tilespmem:s21], [sflag:$0x1], $0x80, s3, s21, $0xb8;
	[tilespmem:$0x1C400] =	vst v63  }
0x74: {  	p0 =	por $0x1, $0x1;
	s28 =	sadd.s32 $0x1000, s25;
	_ =	swait.ge [sflag:s16], $0x8000  }
0x75: {  	s25 =	smov.u32 s24;
	s29 =	sand.u32 $0x1FFFF000, s28;
	[sflag:s16] =	ssyncset.done $0x0  }
.LBB2_13:
0x76: {  	s29 =	sadd.s32 s4, s29;
	[sflag:s16] =	ssyncadd.s32 $0xFFFF8000;
	s25 =	sadd.s32 $0x20, s25  }
0x77: {  	[tilespmem:s21], [sflag:$0x1] =	stream.linear.gather [hbm4b:s29+s3], $0x8000, $0x38;
	[tilespmem:$0x1C400] =	vst v63  }
0x78: {  	p1 =	sne.s32 s26, $0x1;
	s26 =	sadd.s32 $0xFFFFFFFF, s26;
	_ =	swait.ge [sflag:s16], $0x8000  }
0x79: {  	s29 =	sand.u32 $0x1FFFFFE0, s25;
	[sflag:s16] =	ssyncset.done $0x0  }
0x7a: {  	s29 =	sadd.s32 s5, s29;
	[sflag:s16] =	ssyncadd.s32 $0xFFFF8000  }
0x7b: {  	[tilespmem:s3], [sflag:$0x1] =	stream.linear.gather [hbm4b:s29+s3], $0x100, $0x38;
	[tilespmem:$0x1C400] =	vst v63  }
0x7c: {  	_ =	swait.ge [sflag:s16], $0x100  }
.Ltmp7:
0x7d: {  	[sflag:s16] =	ssyncset.done $0x0;
	(pc) =	sbr.rel @p1 .LBB2_13-.Ltmp7, $4  }
0x7e: {  	[sflag:s16] =	ssyncadd.s32 $0xFFFFFF00  }
0x7f: {  	[spmem:s1] =	stream.indirect.scatter.add.f32 [tilespmem:s21], [sflag:$0x1], $0x80, s3, s21, $0xb8;
	[tilespmem:$0x1C400] =	vst v63  }
0x80: {  	s28 =	sadd.s32 $0x1000, s28;
	_ =	swait.ge [sflag:s16], $0x8000  }
0x81: {  	s29 =	sand.u32 $0x1FFFF000, s28;
	[sflag:s16] =	ssyncset.done $0x0  }
.LBB2_14:
0x82: {  	s26 =	sadd.s32 s4, s29;
	[sflag:s16] =	ssyncadd.s32 @p0 $0xFFFF8000;
	s25 =	sadd.s32 @p0 $0x20, s25  }
0x83: {  	[tilespmem:s21], [sflag:$0x1] =	stream.linear.gather [hbm4b:s26+s3], $0x8000, $0x38;
	[tilespmem:$0x1C400] =	vst v63  }
0x84: {  	s24 =	smov.u32 @p0 s25;
	_ =	swait.ge [sflag:s16], $0x8000  }
0x85: {  	s24 =	sand.u32 $0x1FFFFFE0, s24;
	[sflag:s16] =	ssyncset.done $0x0  }
0x86: {  	s24 =	sadd.s32 s5, s24;
	[sflag:s16] =	ssyncadd.s32 $0xFFFF8000  }
0x87: {  	[tilespmem:s3], [sflag:$0x1] =	stream.linear.gather [hbm4b:s24+s3], $0x100, $0x38;
	[tilespmem:$0x1C400] =	vst v63  }
0x88: {  	_ =	swait.ge [sflag:s16], $0x100  }
0x89: {  	[sflag:s16] =	ssyncset.done $0x0  }
0x8a: {  	[sflag:s16] =	ssyncadd.s32 $0xFFFFFF00  }
0x8b: {  	[spmem:s1] =	stream.indirect.scatter.add.f32 [tilespmem:s21], [sflag:$0x1], $0x80, s3, s21, $0xb8;
	[tilespmem:$0x1C400] =	vst v63  }
0x8c: {  	_ =	swait.ge [sflag:s16], $0x8000  }
0x8d: {  	[sflag:s16] =	ssyncset.done $0x0  }
0x8e: {  	[sflag:s16] =	ssyncadd.s32 $0xFFFF8000  }
.LBB2_15:
0x8f: {  	[bflag:$0x0] =	sbarrier.arrive $0xFFFF  }
0x90: {  	[tilespmem:s15], [sflag:$0x1] =	stream.linear.gather [spmem:s11], $0xA000, $0x38;
	[tilespmem:$0x1C400] =	vst v63  }
0x91: {  	_ =	swait.ge [sflag:s16], $0xA000  }
0x92: {  	[sflag:s16] =	ssyncset.done $0x0  }
0x93: {  	s26 =	simm.s32 $0x0;
	[sflag:s16] =	ssyncadd.s32 $0xFFFF6000  }
0x94: {  	v1 =	vld [tilespmem:s26+$0x8170]  }
0x95: {  	v2 =	vld [tilespmem:s26+$0x8100]  }
0x96: {  	v15 =	vimm.f32 $0.0e+00;
	v3 =	vld [tilespmem:s26+$0x8110]  }
0x97: {  	v19 =	vimm.f32 $0.0e+00;
	v18 =	vimm.f32 $0.0e+00;
	v10 =	vimm.f32 $0.0e+00  }
0x98: {  	v17 =	vimm.f32 $0.0e+00;
	v6 =	vimm.f32 $0.0e+00;
	v11 =	vimm.f32 $0.0e+00;
	v20 =	vld [tilespmem:s26+$0x8120]  }
0x99: {  	v4 =	vimm.f32 $0.0e+00;
	v7 =	vimm.f32 $0.0e+00;
	v5 =	vimm.f32 $0.0e+00;
	v16 =	vld [tilespmem:s26+$0x8130]  }
0x9a: {  	v13 =	vld [tilespmem:s26+$0x8140];
	v0 =	vadd.f32 v1, v15;
	v1 =	vmul.f32 v1, v1;
	v14 =	vadd.f32 v2, v15  }
0x9b: {  	v12 =	vld [tilespmem:s26+$0x8150];
	v22 =	vmul.f32 v2, v2;
	v9 =	vadd.f32 v3, v15;
	v21 =	vmul.f32 v3, v3  }
0x9c: {  	s24 =	simm.s32 $0x80;
	s25 =	simm.s32 $0x400;
	v8 =	vld [tilespmem:s26+$0x8160];
	v3 =	vimm.f32 $0.0e+00;
	v2 =	vimm.f32 $0.0e+00;
	v1 =	vadd.f32 v1, v15  }
.LBB2_16:
0x9d: {  	p0 =	sne.s32 s25, $0x27E00;
	v23 =	vld [tilespmem:s24+$0x8170];
	v15 =	vadd.f32 v22, v15;
	v19 =	vadd.f32 v20, v19;
	v20 =	vmul.f32 v20, v20  }
0x9e: {  	v22 =	vld [tilespmem:s24+$0x8100];
	v18 =	vadd.f32 v21, v18;
	v10 =	vadd.f32 v16, v10;
	v16 =	vmul.f32 v16, v16  }
0x9f: {  	v21 =	vld [tilespmem:s24+$0x8110];
	v17 =	vadd.f32 v20, v17;
	v6 =	vadd.f32 v13, v6;
	v13 =	vmul.f32 v13, v13  }
.Ltmp8:
0xa0: {  	v20 =	vld [tilespmem:s24+$0x8120];
	v11 =	vadd.f32 v16, v11;
	v4 =	vadd.f32 v12, v4;
	v12 =	vmul.f32 v12, v12;
	(pc) =	sbr.rel @p0 .LBB2_16-.Ltmp8, $4  }
0xa1: {  	v16 =	vld [tilespmem:s24+$0x8130];
	v7 =	vadd.f32 v13, v7;
	v3 =	vadd.f32 v8, v3;
	v8 =	vmul.f32 v8, v8  }
0xa2: {  	v13 =	vld [tilespmem:s24+$0x8140];
	v0 =	vadd.f32 v23, v0;
	v23 =	vmul.f32 v23, v23;
	v5 =	vadd.f32 v12, v5  }
0xa3: {  	v14 =	vadd.f32 v22, v14;
	v22 =	vmul.f32 v22, v22;
	v12 =	vld [tilespmem:s24+$0x8150];
	v2 =	vadd.f32 v8, v2  }
0xa4: {  	v9 =	vadd.f32 v21, v9;
	v21 =	vmul.f32 v21, v21;
	v8 =	vld [tilespmem:s24+$0x8160];
	s24 =	sshra.s32 s25, $0x2;
	s25 =	sadd.s32 $0x200, s25;
	v1 =	vadd.f32 v23, v1  }
0xa5: {  	v23 =	vld [tilespmem:s24+$0x8100]  }
0xa6: {  	v25 =	vld [tilespmem:s24+$0x8110]  }
0xa7: {  	v26 =	vld [tilespmem:s24+$0x8120]  }
0xa8: {  	v27 =	vld [tilespmem:s24+$0x8130]  }
0xa9: {  	v15 =	vadd.f32 v22, v15;
	v47 =	vld [tilespmem:s24+$0x8140]  }
0xaa: {  	v19 =	vadd.f32 v20, v19;
	v49 =	vld [tilespmem:s24+$0x8150];
	v14 =	vadd.f32 v23, v14  }
0xab: {  	v24 =	vld [tilespmem:s24+$0x8170];
	v10 =	vadd.f32 v16, v10;
	v9 =	vadd.f32 v25, v9  }
0xac: {  	v51 =	vld [tilespmem:s24+$0x8160];
	v6 =	vadd.f32 v13, v6;
	v55 =	vadd.f32 v26, v19;
	[tilespmem:$0x12100] =	vst v14  }
0xad: {  	v4 =	vadd.f32 v12, v4;
	v10 =	vadd.f32 v27, v10;
	[tilespmem:$0x12110] =	vst v9  }
0xae: {  	v18 =	vadd.f32 v21, v18;
	v53 =	vmul.f32 v16, v16;
	v6 =	vadd.f32 v47, v6;
	[tilespmem:$0x12120] =	vst v55  }
0xaf: {  	v56 =	vmul.f32 v13, v13;
	v3 =	vadd.f32 v8, v3;
	v4 =	vadd.f32 v49, v4;
	[tilespmem:$0x12130] =	vst v10  }
0xb0: {  	v11 =	vadd.f32 v53, v11;
	v28 =	vmul.f32 v23, v23;
	v0 =	vadd.f32 v24, v0;
	[tilespmem:$0x12140] =	vst v6  }
0xb1: {  	v58 =	vmul.f32 v12, v12;
	v50 =	vmul.f32 v25, v25;
	v3 =	vadd.f32 v51, v3;
	[tilespmem:$0x12150] =	vst v4  }
0xb2: {  	v7 =	vadd.f32 v56, v7;
	v57 =	vmul.f32 v27, v27;
	v15 =	vadd.f32 v28, v15;
	[tilespmem:$0x12170] =	vst v0  }
0xb3: {  	v60 =	vmul.f32 v8, v8;
	v59 =	vmul.f32 v47, v47;
	v52 =	vadd.f32 v50, v18;
	[tilespmem:$0x12160] =	vst v3  }
0xb4: {  	v5 =	vadd.f32 v58, v5;
	v61 =	vmul.f32 v49, v49;
	v11 =	vadd.f32 v57, v11;
	[tilespmem:$0x12180] =	vst v15  }
0xb5: {  	v48 =	vmul.f32 v20, v20;
	v63 =	vmul.f32 v24, v24;
	v7 =	vadd.f32 v59, v7;
	[tilespmem:$0x12190] =	vst v52  }
0xb6: {  	v62 =	vmul.f32 v51, v51;
	v2 =	vadd.f32 v60, v2;
	v5 =	vadd.f32 v61, v5;
	[tilespmem:$0x121B0] =	vst v11  }
0xb7: {  	v17 =	vadd.f32 v48, v17;
	v54 =	vmul.f32 v26, v26;
	v1 =	vadd.f32 v63, v1;
	[tilespmem:$0x121C0] =	vst v7  }
0xb8: {  	v2 =	vadd.f32 v62, v2;
	[tilespmem:$0x121D0] =	vst v5  }
0xb9: {  	v15 =	vadd.f32 v54, v17;
	[tilespmem:$0x121F0] =	vst v1  }
0xba: {  	[tilespmem:$0x121E0] =	vst v2  }
0xbb: {  	[tilespmem:$0x121A0] =	vst v15  }
0xbc: {  	[hbm4b:s12+s3] =	stream.linear.scatter [tilespmem:s22], [sflag:$0x1], $0x100, $0x38;
	[tilespmem:$0x1C400] =	vst v63  }
0xbd: {  	_ =	swait.ge [sflag:s16], $0x100  }
0xbe: {  	s23 =	sadd.s32 $0x1, s23;
	[sflag:s16] =	ssyncset.done $0x0  }
0xbf: {  	p0 =	sne.s32 s23, s14;
	[sflag:s16] =	ssyncadd.s32 $0xFFFFFF00  }
0xc0: {  	[hbm4b:s13+s3] =	stream.linear.scatter [tilespmem:s15], [sflag:$0x1], $0xA000, $0x38;
	[tilespmem:$0x1C400] =	vst v63  }
.Ltmp9:
0xc1: {  	_ = 	snop;
	(pc) =	sbr.rel @p0 .LBB2_1-.Ltmp9, $4  }
.Ltmp10:
0xc2: {  	_ = 	snop;
	(pc) =	sbr.rel @!p0 .LBB2_18-.Ltmp10, $4  }
0xc3: {  	_ =	swait.ge [sflag:s16], $0xA000  }
0xc4: {  	[sflag:s16] =	ssyncset.done $0x0  }
0xc5: {  	[sflag:s16] =	ssyncadd.s32 $0xFFFF6000  }
0xc6: {  	_ = 	snop  }
.LBB2_3:
.Ltmp11:
0xc7: {  	(pc) =	sbr.rel .LBB2_7-.Ltmp11, $2  }
0xc8: {  	_ =	sdelay $0x2  }
0xc9: {  	s25 =	smov.u32 s24  }
.LBB2_10:
.Ltmp12:
0xca: {  	(pc) =	sbr.rel .LBB2_14-.Ltmp12, $2  }
0xcb: {  	_ =	sdelay $0x2  }
0xcc: {  	s25 =	smov.u32 s24  }
.LBB2_5:
.Ltmp13:
0xcd: {  	(pc) =	sbr.rel .LBB2_7-.Ltmp13, $2  }
0xce: {  	_ =	sdelay $0x2  }
0xcf: {  	s25 =	smov.u32 s24  }
.LBB2_12:
.Ltmp14:
0xd0: {  	(pc) =	sbr.rel .LBB2_14-.Ltmp14, $2  }
0xd1: {  	_ =	sdelay $0x2  }
0xd2: {  	s25 =	smov.u32 s24  }
.LBB2_18:
0xd3: {  	_ =	sfence.sel $0x180000  }
0xd4: {  	[bflag:$0x0] =	sbarrier.arrive $0xFFFF  }
0xd5: {  	p0 =	sne.s32 s2, $0x0;
	_ =	strace $0x9000004A  }
0xd6: {  	s0 =	sadd.s32 @!p0 $0x100000, s0;
	[bflag:$0x2] =	sbarrier.arrive $0xFFFF  }
0xd7: {  	[sflag:s0] =	ssyncadd.tile.s32 @!p0 $0x1;
	_ =	shalt  }
.Lfunc_end2:
_tile_overlayer_lowered:
.L_overlay_start_2:
0xd8: {  	(tag) =	ssettag $0x2  }
0xd9: {  	s0 =	rddreg [dreg:$0x0];
	s2 =	stileid.u32  }
0xda: {  	s1 =	rddreg [dreg:$0x1];
	p0 =	sne.s32 s2, $0x0  }
0xdb: {  	s3 =	rddreg [dreg:$0x2];
	[bflag:$0x3] =	sbarrier.arrive $0xFFFF;
	s2 =	simm.s32 @!p0 $0x1C01  }
0xdc: {  	[timem:s3], [sflag:s2] =	dma.local @!p0 [hbm:s0], s1  }
0xdd: {  	s0 =	simm.s32 @!p0 $0x1  }
0xde: {  	_ =	swait.ge @!p0 [sflag:s0], s1  }
0xdf: {  	s1 =	ssub.s32 @!p0 $0x0, s1;
	[sflag:s0] =	ssyncset.done @!p0 $0x0  }
0xe0: {  	[sflag:s0] =	ssyncadd.s32 @!p0 s1  }
0xe1: {  	[bflag:$0x3] =	sbarrier.arrive $0xFFFF  }
0xe2: {  	_ =	shalt  }

// kernel: kernel.15.cloned.1.call-start
scs
__scs_entry_jumppad:
0x0: {  	(pc) =	sbr.rel $0x88, $3  }
0x1: {  	(tag) =	ssettag $0x0;
	lr =	simm.s32 $0x1  }
0x2: {  	[smem:$0x3F99] =	sst lr;
	_ =	strace $0xD0000000  }
0x3: {  	_ = 	snop  }
0x4: {  	_ = 	snop  }
0x5: {  	_ = 	snop  }
0x6: {  	_ = 	snop  }
0x7: {  	_ = 	snop  }
__scs_overlays_trampoline_lowered:
0x8: {  	[smem:$0x3FA8] =	sst s0  }
0x9: {  	[smem:$0x3FA9] =	sst s1  }
0xa: {  	[smem:$0x3FAA] =	sst s2  }
0xb: {  	[smem:$0x3FAB] =	sst s3  }
0xc: {  	[smem:$0x3FAC] =	sst s4  }
0xd: {  	[smem:$0x3FAD] =	sst s5  }
0xe: {  	[smem:$0x3FAE] =	sst s6  }
0xf: {  	[smem:$0x3FAF] =	sst s7  }
0x10: {  	[smem:$0x3FB0] =	sst s8  }
0x11: {  	[smem:$0x3FB1] =	sst s9;
	s0 =	simm.s32 @!p0 $0x0  }
0x12: {  	s1 =	sld [smem:$0x3F97];
	s0 =	simm.s32 @p0 $0x1  }
0x13: {  	[smem:$0x3FB2] =	sst s0;
	s0 =	simm.s32 @!p1 $0x0  }
0x14: {  	s2 =	sld [smem:$0x3F96];
	s0 =	simm.s32 @p1 $0x1  }
0x15: {  	[smem:$0x3FB3] =	sst s0;
	s0 =	simm.s32 @!p2 $0x0  }
0x16: {  	s3 =	sld [smem:$0x3FDB];
	s0 =	simm.s32 @p2 $0x1  }
0x17: {  	s4 =	simm.s32 $0x1BF5;
	[smem:$0x3FB5] =	sst s0  }
0x18: {  	s0 =	sld [smem:$0x3F98];
	_ =	swait.ge [sflag:s4], $0x0  }
0x19: {  	s7 =	sld [smem:$0x3F99]  }
0x1a: {  	s8 =	sadd.s32 $0xFFFFE003, lr  }
0x1b: {  	s9 =	sadd.s32 $0xFFFFFEF7, lr;
	s5 =	simm.s32 $0xFFFFFFFF;
	p2 =	slt.u32 s8, $0xFFFFF086  }
0x1c: {  	p1 =	slt.u32 s9, $0xF7A;
	s5 =	simm.s32 @!p2 $0x0  }
0x1d: {  	s5 =	simm.s32 @p1 $0x1;
	p0 =	seq.s32 s7, s2  }
0x1e: {  	s7 =	smul.u32 @!p0 $0xF7A, s2;
	p2 =	seq.s32 @!p0 s5, $0x0  }
0x1f: {  	s9 =	smul.u32 $0xF7A, s1;
	s8 =	simm.s32 @!p0 $0x1BF5;
	p2 =	por !p2, p0  }
0x20: {  	[sflag:s8] =	ssyncset.s32 @!p0 $0xFFFFF086;
	s6 =	sadd.s32 @!p0 s3, s7;
	s7 =	simm.s32 @!p0 $0x108  }
0x21: {  	s3 =	sadd.s32 s3, s9;
	s6 =	sadd.s32 @!p0 $0x88, s6;
	s7 =	simm.s32 @p2 $0x1082  }
0x22: {  	[simem:s7], [sflag:s8] =	dma.local @!p0 [hbm:s6], $0xF7A  }
0x23: {  	s9 =	sor.u32 $0xD0000000, s2;
	s6 =	simm.s32 $0x108;
	_ =	swait.ge @!p0 [sflag:s8], $0x0  }
0x24: {  	s3 =	sadd.s32 $0x88, s3;
	s6 =	simm.s32 @!p1 $0x1082;
	[sflag:s4] =	ssyncset.s32 $0xFFFFF086  }
0x25: {  	[simem:s6], [sflag:s4] =	dma.local [hbm:s3], $0xF7A  }
0x26: {  	[smem:$0x3F99] =	sst s1;
	(tag) =	ssettag s2;
	_ =	strace s9  }
0x27: {  	s1 =	sld [smem:$0x3FA9]  }
0x28: {  	s2 =	sld [smem:$0x3FAA]  }
0x29: {  	s4 =	sld [smem:$0x3FAC]  }
0x2a: {  	p0 =	seq.s32 s5, $0x0;
	s5 =	sld [smem:$0x3FAD]  }
0x2b: {  	s6 =	sld [smem:$0x3FAE]  }
0x2c: {  	s7 =	sld [smem:$0x3FAF]  }
0x2d: {  	s3 =	simm.s32 $0x108;
	s8 =	sld [smem:$0x3FB0]  }
0x2e: {  	s3 =	simm.s32 @!p0 $0x1082;
	s9 =	sld [smem:$0x3FB1]  }
0x2f: {  	lr =	sadd.s32 s0, s3;
	s0 =	sld [smem:$0x3FA8]  }
0x30: {  	s3 =	sld [smem:$0x3FAB]  }
0x31: {  	[smem:$0x3FB4] =	sst s10  }
0x32: {  	s10 =	sld [smem:$0x3FB2];
	_ =	sdelay $0x3  }
0x33: {  	p0 =	seq.s32 s10, $0x1;
	s10 =	sld [smem:$0x3FB4];
	_ =	sdelay $0x3  }
0x34: {  	[smem:$0x3FB4] =	sst s10  }
0x35: {  	s10 =	sld [smem:$0x3FB3];
	_ =	sdelay $0x3  }
0x36: {  	p1 =	seq.s32 s10, $0x1;
	s10 =	sld [smem:$0x3FB4];
	_ =	sdelay $0x3  }
0x37: {  	[smem:$0x3FB4] =	sst s10  }
0x38: {  	s10 =	sld [smem:$0x3FB5]  }
0x39: {  	_ = 	snop;
	(pc) =	sbr.ind lr, $3  }
0x3a: {  	_ = 	snop  }
0x3b: {  	_ = 	snop  }
0x3c: {  	p2 =	seq.s32 s10, $0x1;
	s10 =	sld [smem:$0x3FB4]  }
0x3d: {  	_ =	shalt  }
0x3e: {  	_ =	shalt  }
0x3f: {  	_ =	shalt  }
0x40: {  	_ =	shalt  }
0x41: {  	_ =	shalt  }
0x42: {  	_ =	shalt  }
0x43: {  	_ =	shalt  }
0x44: {  	_ =	shalt  }
0x45: {  	_ =	shalt  }
0x46: {  	_ =	shalt  }
0x47: {  	_ =	shalt  }
0x48: {  	_ =	shalt  }
0x49: {  	_ =	shalt  }
0x4a: {  	_ =	shalt  }
0x4b: {  	_ =	shalt  }
0x4c: {  	_ =	shalt  }
0x4d: {  	_ =	shalt  }
0x4e: {  	_ =	shalt  }
0x4f: {  	_ =	shalt  }
0x50: {  	_ =	shalt  }
0x51: {  	_ =	shalt  }
0x52: {  	_ =	shalt  }
0x53: {  	_ =	shalt  }
0x54: {  	_ =	shalt  }
0x55: {  	_ =	shalt  }
0x56: {  	_ =	shalt  }
0x57: {  	_ =	shalt  }
0x58: {  	_ =	shalt  }
0x59: {  	_ =	shalt  }
0x5a: {  	_ =	shalt  }
0x5b: {  	_ =	shalt  }
0x5c: {  	_ =	shalt  }
0x5d: {  	_ =	shalt  }
0x5e: {  	_ =	shalt  }
0x5f: {  	_ =	shalt  }
0x60: {  	_ =	shalt  }
0x61: {  	_ =	shalt  }
0x62: {  	_ =	shalt  }
0x63: {  	_ =	shalt  }
0x64: {  	_ =	shalt  }
0x65: {  	_ =	shalt  }
0x66: {  	_ =	shalt  }
0x67: {  	_ =	shalt  }
0x68: {  	_ =	shalt  }
0x69: {  	_ =	shalt  }
0x6a: {  	_ =	shalt  }
0x6b: {  	_ =	shalt  }
0x6c: {  	_ =	shalt  }
0x6d: {  	_ =	shalt  }
0x6e: {  	_ =	shalt  }
0x6f: {  	_ =	shalt  }
0x70: {  	_ =	shalt  }
0x71: {  	_ =	shalt  }
0x72: {  	_ =	shalt  }
0x73: {  	_ =	shalt  }
0x74: {  	_ =	shalt  }
0x75: {  	_ =	shalt  }
0x76: {  	_ =	shalt  }
0x77: {  	_ =	shalt  }
0x78: {  	_ =	shalt  }
0x79: {  	_ =	shalt  }
0x7a: {  	_ =	shalt  }
0x7b: {  	_ =	shalt  }
0x7c: {  	_ =	shalt  }
0x7d: {  	_ =	shalt  }
0x7e: {  	_ =	shalt  }
0x7f: {  	_ =	shalt  }
0x80: {  	_ =	shalt  }
0x81: {  	_ =	shalt  }
0x82: {  	_ =	shalt  }
0x83: {  	_ =	shalt  }
0x84: {  	_ =	shalt  }
0x85: {  	_ =	shalt  }
0x86: {  	_ =	shalt  }
0x87: {  	_ =	shalt  }
.Lfunc_end0:
.L_simem_size_0:
called_computation.2_lowered:
.L_overlay_start_0:
0x88: {  	s2 =	sld [smem:$0x3FD9]  }
0x89: {  	s3 =	sld [smem:$0x3FFE];
	_ =	sdelay $0x1  }
0x8a: {  	s1 =	srdreg.scid  }
0x8b: {  	s0 =	sand.u32 $0x1, s1  }
0x8c: {  	s17 =	sshll.u32 s0, $0xA;
	s2 =	sadd.s32 s3, s2  }
0x8d: {  	s2 =	sadd.s32 s2, s17  }
0x8e: {  	[smem:$0x3FC0] =	sst s2  }
0x8f: {  	_ = 	snop  }
0x90: {  	s2 =	sld [smem:$0x3FD0];
	(tm) =	ssettm $0x1  }
0x91: {  	s18 =	sld [smem:$0x3FFB];
	_ =	sdelay $0x3  }
0x92: {  	_ =	strace s18  }
0x93: {  	s3 =	sld [smem:$0x3FFC];
	_ =	sdelay $0x3  }
0x94: {  	_ =	strace s3  }
0x95: {  	s3 =	sld [smem:$0x3FFD];
	_ =	sdelay $0x3  }
0x96: {  	_ =	strace s3  }
0x97: {  	_ =	strace $0x8FFFFFFF  }
0x98: {  	s19 =	sld [smem:$0x3FDB];
	_ =	sdelay $0x1  }
0x99: {  	s4 =	simm.s32 $_scs_section_size  }
0x9a: {  	s5 =	simm.s32 $_size__tile_overlayer_lowered;
	s6 =	simm.s32 $_tile_overlayer_lowered  }
0x9b: {  	s22 =	simm.s32 $0x1BFF;
	s21 =	sshll.u32 s6, $0x1;
	s3 =	sadd.s32 s4, s19  }
0x9c: {  	s7 =	simm.s32 $0x0;
	s20 =	sshll.u32 s5, $0x1;
	s5 =	sadd.s32 s21, s3  }
0x9d: {  	[timem:s7], [sflag:s22] =	dma.local [hbm:s5], s20  }
0x9e: {  	_ =	swait.ge [sflag:s22], s20  }
0x9f: {  	s4 =	ssub.s32 $0x0, s20;
	[sflag:s22] =	ssyncset.done $0x0  }
0xa0: {  	[sflag:s22] =	ssyncadd.s32 s4;
	_ =	sdelay $0x1  }
0xa1: {  	s23 =	simm.s32 $0x1B8B  }
0xa2: {  	_ =	swait.ge [sflag:s23], $0x1  }
0xa3: {  	[sflag:s23] =	ssyncset.done $0x0  }
0xa4: {  	s25 =	simm.s32 $0x1B8E;
	s24 =	sld [smem:$0x3FFE];
	[sflag:s23] =	ssyncadd.s32 $0xFFFFFFFF  }
0xa5: {  	s26 =	simm.s32 $execute0_lowered;
	[smem:$0x3FD2] =	sst s25  }
0xa6: {  	s5 =	sshll.u32 s26, $0x1;
	_ =	strace $0x8000004C;
	[dreg:$0x1] =	wrdreg $0xFFFFFFFF  }
0xa7: {  	s28 =	simm.s32 $_size_execute0_lowered;
	s3 =	sadd.s32 s3, s5;
	[dreg:$0x0] =	wrdreg $0x0  }
0xa8: {  	s5 =	sshll.u32 s28, $0x1;
	[dreg:$0x2] =	wrdreg s3  }
0xa9: {  	[dreg:$0x3] =	wrdreg s5  }
0xaa: {  	[dreg:$0x4] =	wrdreg $0xC0  }
0xab: {  	_ =	task [dreg:s7], $0x5FFFF  }
0xac: {  	[dreg:$0x1] =	wrdreg $0xFFFFFFFF  }
0xad: {  	[dreg:$0x0] =	wrdreg $0x60  }
0xae: {  	[dreg:$0x2] =	wrdreg s24  }
0xaf: {  	[dreg:$0x3] =	wrdreg s2  }
0xb0: {  	[dreg:$0x4] =	wrdreg $0x123000  }
0xb1: {  	[dreg:$0x5] =	wrdreg $0x9  }
0xb2: {  	_ =	task.clear_ibuf [dreg:s7], $0x6FFFF;
	_ =	strace $0x9000004C  }
0xb3: {  	s29 =	simm.s32 $0x9;
	_ =	strace $0x8000004E  }
0xb4: {  	_ =	swait.ge [sflag:s29], $0x1  }
0xb5: {  	[sflag:s29] =	ssyncadd.s32 $0xFFFFFFFF  }
0xb6: {  	_ =	strace $0x9000004E  }
0xb7: {  	_ =	sfence  }
0xb8: {  	s30 =	sld [smem:$0x0];
	_ =	sdelay $0x2  }
0xb9: {  	s31 =	sshll.u32 s1, $0xD;
	s1 =	sshrl.u32 s1, $0x2  }
0xba: {  	s3 =	sand.u32 $0x4000, s31;
	s1 =	sadd.s32 s1, s30  }
0xbb: {  	s0 =	sor.u32 s3, s0;
	s1 =	sshll.u32 s1, $0x11  }
0xbc: {  	s0 =	sor.u32 s1, s0  }
0xbd: {  	s0 =	sadd.s32 $0x8F2B, s0  }
0xbe: {  	[sflag:s0] =	ssyncadd.remote.s32 $0x1  }
0xbf: {  	_ =	sfence.sel $0xFFFF  }
0xc0: {  	[dreg:$0x0] =	wrdreg $0xFFFFFFFF;
	(pc) =	sbr.abs _section_cstart, $3  }
0xc1: {  	[dreg:$0x1] =	wrdreg $0xFFFFFFFF  }
0xc2: {  	_ =	task.clear_ibuf [dreg:s7], $0x2FFFF;
	_ =	strace $0x9FFFFFFF  }
0xc3: {  	(tm) =	ssettm $0x7FFFFFFF  }
tec
execute0_lowered:
.L_overlay_start_1:
0x0: {  	(tag) =	ssettag $0x1  }
0x1: {  	s9 =	rddreg [dreg:$0x0]  }
0x2: {  	s1 =	srdreg.scid;
	s0 =	rddreg [dreg:$0x1]  }
0x3: {  	s19 =	stileid.u32;
	s2 =	rddreg [dreg:$0x2];
	s3 =	simm.s32 $0x0  }
0x4: {  	s15 =	simm.s32 $0x12200;
	s16 =	simm.s32 $0x2;
	s17 =	simm.s32 $0x12280  }
0x5: {  	s18 =	simm.s32 $0x8100;
	s20 =	simm.s32 $0x12100;
	s21 =	simm.s32 $0x12180  }
0x6: {  	s22 =	simm.s32 $0x1;
	s10 =	sand.u32 $0x1, s1;
	s1 =	rddreg [dreg:$0x3]  }
0x7: {  	s23 =	simm.s32 $0x0;
	s5 =	smul.u32 $0x140, s19;
	[smem:$0x7FF] =	sst s3  }
0x8: {  	s6 =	sadd.s32 $0x14000, s9;
	s7 =	sadd.s32 $0x1400, s9;
	s13 =	smul.u32 $0x28000, s19  }
0x9: {  	s8 =	sadd.s32 $0x1600, s9;
	s31 =	sshll.u32 s19, $0x1;
	p0 =	sne.s32 s19, $0x0  }
0xa: {  	s19 =	simm.s32 $0x100;
	s4 =	smul.u32 $0x1400, s10;
	_ =	strace $0x8000004D  }
.Ltmp0:
0xb: {  	s12 =	ssub.s32 $0x2, s10;
	s10 =	sor.u32 s10, s31;
	(pc) =	sbr.rel .LBB2_1-.Ltmp0, $4  }
0xc: {  	s14 =	sshrl.u32 s12, $0x1;
	s13 =	sshrl.u32 s13, $0x2;
	s4 =	sadd.s32 s5, s4  }
0xd: {  	s14 =	ssub.s32 s12, s14;
	s12 =	sadd.s32 s13, s2;
	s5 =	sshll.u32 s4, $0x4  }
0xe: {  	s13 =	sadd.s32 $0xA0000, s2;
	s14 =	smax.u32 s14, $0x1;
	s11 =	sadd.s32 s5, s9  }
0xf: {  	v0 =	vimm.f32 $0.0e+00;
	s5 =	sadd.s32 $0x14200, s9;
	s9 =	sadd.s32 $0x3C400, s9;
	s11 =	sadd.s32 $0x14400, s11  }
.LBB2_7:
0x10: {  	s25 =	smov.u32 s24  }
.LBB2_11:
0x11: {  	s26 =	sadd.s32 s0, s29;
	[sflag:s16] =	ssyncadd.s32 @p1 $0xFFFF8000  }
0x12: {  	[tilespmem:s3], [sflag:$0x2] =	stream.linear.gather [hbm4b:s26+s3], $0x100, $0x38;
	[tilespmem:$0x1C340] =	vst v63  }
0x13: {  	_ =	swait.ge [sflag:s16], $0x100  }
0x14: {  	[sflag:s16] =	ssyncset.done $0x0  }
0x15: {  	s25 =	sadd.s32 @p1 $0x1000, s25;
	[sflag:s16] =	ssyncadd.s32 $0xFFFFFF00  }
0x16: {  	[tilespmem:s19], [sflag:$0x1] =	stream.indirect.gather [spmem:s2], $0x80, s3, s19, $0xb8;
	[tilespmem:$0x1C340] =	vst v63  }
0x17: {  	s24 =	smov.u32 @p1 s25;
	_ =	swait.ge [sflag:s22], $0x8000  }
0x18: {  	s24 =	sand.u32 $0x1FFFF000, s24;
	[sflag:s22] =	ssyncset.done $0x0  }
0x19: {  	s24 =	sadd.s32 s9, s24;
	[sflag:s22] =	ssyncadd.s32 $0xFFFF8000  }
0x1a: {  	[hbm4b:s24+s3] =	stream.linear.scatter [tilespmem:s19], [sflag:$0x2], $0x8000, $0x38;
	[tilespmem:$0x1C340] =	vst v63  }
0x1b: {  	_ =	swait.ge [sflag:s16], $0x8000  }
0x1c: {  	[sflag:s16] =	ssyncset.done $0x0  }
0x1d: {  	[sflag:s16] =	ssyncadd.s32 $0xFFFF8000  }
.LBB2_12:
0x1e: {  	s23 =	sadd.s32 $0x1, s23  }
0x1f: {  	p1 =	sne.s32 s23, s14  }
.Ltmp1:
0x20: {  	_ = 	snop;
	(pc) =	sbr.rel @!p1 .LBB2_13-.Ltmp1, $1  }
0x21: {  	_ =	sdelay $0x3  }
.LBB2_1:
0x22: {  	[tilespmem:s15], [sflag:$0x2] =	stream.linear.gather [hbm4b:s5+s3], $0x80, $0x38;
	[tilespmem:$0x1C340] =	vst v63  }
0x23: {  	_ =	swait.ge [sflag:s16], $0x80  }
0x24: {  	[sflag:s16] =	ssyncset.done $0x0  }
0x25: {  	[sflag:s16] =	ssyncadd.s32 $0xFFFFFF80  }
0x26: {  	[tilespmem:s17], [sflag:$0x2] =	stream.linear.gather [hbm4b:s6+s3], $0x80, $0x38;
	[tilespmem:$0x1C340] =	vst v63  }
0x27: {  	_ =	swait.ge [sflag:s16], $0x80  }
0x28: {  	[sflag:s16] =	ssyncset.done $0x0  }
0x29: {  	[sflag:s16] =	ssyncadd.s32 $0xFFFFFF80  }
0x2a: {  	v3 =	vld [tilespmem:$0x12200]  }
0x2b: {  	v7 =	vld [tilespmem:$0x12210]  }
0x2c: {  	v8 =	vld [tilespmem:$0x12220]  }
0x2d: {  	v9 =	vld [tilespmem:$0x12230]  }
0x2e: {  	v10 =	vld [tilespmem:$0x12240]  }
0x2f: {  	v4 =	vld [tilespmem:$0x12250]  }
0x30: {  	v12 =	vld [tilespmem:$0x12260]  }
0x31: {  	v1 =	vld [tilespmem:$0x12270]  }
0x32: {  	v6 =	vld [tilespmem:$0x12280]  }
0x33: {  	v13 =	vld [tilespmem:$0x12290]  }
0x34: {  	v11 =	vld [tilespmem:$0x122A0]  }
0x35: {  	v14 =	vld [tilespmem:$0x122B0]  }
0x36: {  	v15 =	vld [tilespmem:$0x122C0]  }
0x37: {  	v5 =	vld [tilespmem:$0x122D0]  }
0x38: {  	v16 =	vld [tilespmem:$0x122E0]  }
0x39: {  	v2 =	vld [tilespmem:$0x122F0];
	[tilespmem:s18], [sflag:$0x2] =	stream.linear.gather [hbm4b:s11+s3], $0xA000, $0x38  }
0x3a: {  	_ =	swait.ge [sflag:s16], $0xA000  }
0x3b: {  	[sflag:s16] =	ssyncset.done $0x0  }
0x3c: {  	s24 =	simm.s32 $0x8140;
	[sflag:s16] =	ssyncadd.s32 $0xFFFF6000  }
0x3d: {  	v17 =	vld [tilespmem:s24+$0x0]  }
0x3e: {  	v19 =	vld [tilespmem:s24+$0x20]  }
0x3f: {  	v18 =	vld [tilespmem:s24+$0xFFFFFFF0];
	_ =	sdelay $0x3  }
0x40: {  	v20 =	vld [tilespmem:s24+$0xFFFFFFD0];
	v17 =	vmul.f32 v17, v10;
	v19 =	vmul.f32 v19, v12  }
0x41: {  	v21 =	vld [tilespmem:s24+$0xFFFFFFE0];
	v18 =	vmul.f32 v18, v9  }
0x42: {  	v22 =	vadd.f32 v17, v15;
	v24 =	vadd.f32 v19, v16;
	v19 =	vld [tilespmem:s24+$0xFFFFFFC0]  }
0x43: {  	s25 =	sadd.s32 $0x0, s4;
	v23 =	vadd.f32 v18, v14;
	v17 =	vld [tilespmem:s24+$0x10]  }
0x44: {  	p1 =	slt.u32 s25, $0x2710;
	v18 =	vld [tilespmem:s24+$0x30];
	v22 =	vmax.f32 v22, $0.0e+00  }
0x45: {  	v20 =	vmul.f32 v20, v7;
	v23 =	vmax.f32 v23, $0.0e+00;
	v25 =	vpsel !p1, $0x0, v22  }
0x46: {  	s26 =	simm.s32 $0x81C0;
	s25 =	simm.s32 $0x1;
	v21 =	vmul.f32 v21, v8;
	v22 =	vpsel !p1, $0x0, v23;
	v23 =	vmax.f32 v24, $0.0e+00;
	[tilespmem:s24+$0x0] =	vst v25  }
.LBB2_2:
0x47: {  	v24 =	vld [tilespmem:s26+$0x0];
	p2 =	sne.s32 s25, $0x13F;
	v19 =	vmul.f32 v19, v3;
	v20 =	vadd.f32 v20, v13;
	[tilespmem:s24+$0xFFFFFFF0] =	vst v22;
	v22 =	vpsel !p1, $0x0, v23;
	s28 =	smov.u32 s25;
	s25 =	sadd.s32 $0x1, s25  }
0x48: {  	v23 =	vld [tilespmem:s26+$0xFFFFFFF0];
	v21 =	vadd.f32 v21, v11;
	v17 =	vmul.f32 v17, v4;
	[tilespmem:s24+$0x20] =	vst v22  }
0x49: {  	v22 =	vld [tilespmem:s26+$0x20];
	v19 =	vadd.f32 v19, v6;
	v20 =	vmax.f32 v20, $0.0e+00;
	v18 =	vmul.f32 v18, v1  }
0x4a: {  	v20 =	vpsel !p1, $0x0, v20;
	v21 =	vmax.f32 v21, $0.0e+00;
	v17 =	vadd.f32 v17, v5  }
0x4b: {  	v19 =	vmax.f32 v19, $0.0e+00;
	[tilespmem:s24+$0xFFFFFFD0] =	vst v20;
	v20 =	vpsel !p1, $0x0, v21;
	v18 =	vadd.f32 v18, v2  }
0x4c: {  	v21 =	vld [tilespmem:s26+$0xFFFFFFD0];
	v24 =	vmul.f32 v24, v10;
	v19 =	vpsel !p1, $0x0, v19;
	[tilespmem:s24+$0xFFFFFFE0] =	vst v20;
	v17 =	vmax.f32 v17, $0.0e+00  }
0x4d: {  	v25 =	vld [tilespmem:s26+$0xFFFFFFE0];
	v20 =	vmul.f32 v23, v9;
	[tilespmem:s24+$0xFFFFFFC0] =	vst v19;
	v17 =	vpsel !p1, $0x0, v17;
	v18 =	vmax.f32 v18, $0.0e+00  }
.Ltmp2:
0x4e: {  	v19 =	vld [tilespmem:s26+$0xFFFFFFC0];
	v23 =	vadd.f32 v24, v15;
	v22 =	vmul.f32 v22, v12;
	[tilespmem:s24+$0x10] =	vst v17;
	v18 =	vpsel !p1, $0x0, v18;
	(pc) =	sbr.rel @p2 .LBB2_2-.Ltmp2, $4  }
0x4f: {  	s28 =	sadd.s32 s28, s4;
	v24 =	vadd.f32 v20, v14;
	v17 =	vld [tilespmem:s26+$0x10];
	[tilespmem:s24+$0x30] =	vst v18;
	s24 =	smov.u32 s26  }
0x50: {  	p1 =	slt.u32 s28, $0x2710;
	v23 =	vmax.f32 v23, $0.0e+00;
	v26 =	vadd.f32 v22, v16;
	v18 =	vld [tilespmem:s26+$0x30]  }
0x51: {  	v20 =	vmul.f32 v21, v7;
	v22 =	vmax.f32 v24, $0.0e+00;
	v23 =	vpsel !p1, $0x0, v23  }
0x52: {  	s26 =	sadd.s32 $0x80, s26;
	v21 =	vmul.f32 v25, v8;
	v22 =	vpsel !p1, $0x0, v22;
	[tilespmem:s24+$0x0] =	vst v23;
	v23 =	vmax.f32 v26, $0.0e+00  }
0x53: {  	v3 =	vmul.f32 v19, v3;
	v7 =	vadd.f32 v20, v13  }
0x54: {  	v8 =	vpsel !p1, $0x0, v23;
	v9 =	vadd.f32 v21, v11;
	v4 =	vmul.f32 v17, v4  }
0x55: {  	[tilespmem:s24+$0xFFFFFFF0] =	vst v22;
	v3 =	vadd.f32 v3, v6;
	v61 =	vmax.f32 v7, $0.0e+00;
	v1 =	vmul.f32 v18, v1  }
0x56: {  	[tilespmem:s24+$0x20] =	vst v8;
	v6 =	vpsel !p1, $0x0, v61;
	v62 =	vmax.f32 v9, $0.0e+00;
	v4 =	vadd.f32 v4, v5  }
0x57: {  	v3 =	vmax.f32 v3, $0.0e+00;
	[tilespmem:s24+$0xFFFFFFD0] =	vst v6;
	v63 =	vpsel !p1, $0x0, v62;
	v1 =	vadd.f32 v1, v2  }
0x58: {  	v2 =	vpsel !p1, $0x0, v3;
	[tilespmem:s24+$0xFFFFFFE0] =	vst v63;
	v3 =	vmax.f32 v4, $0.0e+00  }
0x59: {  	[tilespmem:s24+$0xFFFFFFC0] =	vst v2;
	v2 =	vpsel !p1, $0x0, v3;
	v1 =	vmax.f32 v1, $0.0e+00  }
0x5a: {  	[tilespmem:s24+$0x10] =	vst v2;
	v1 =	vpsel !p1, $0x0, v1  }
.Ltmp3:
0x5b: {  	[tilespmem:s24+$0x30] =	vst v1;
	(pc) =	sbr.rel @p0 .LBB2_5-.Ltmp3, $4  }
0x5c: {  	[spmem:s12] =	stream.linear.scatter [tilespmem:s18], [sflag:$0x2], $0xA000, $0x38;
	[tilespmem:$0x1C340] =	vst v63  }
0x5d: {  	_ =	swait.ge [sflag:s16], $0xA000  }
0x5e: {  	[sflag:s16] =	ssyncset.done $0x0  }
0x5f: {  	[sflag:s16] =	ssyncadd.s32 $0xFFFF6000  }
0x60: {  	[tilespmem:$0x100] =	vst v0  }
0x61: {  	[tilespmem:$0x110] =	vst v0  }
0x62: {  	[tilespmem:$0x120] =	vst v0  }
0x63: {  	[tilespmem:$0x130] =	vst v0  }
0x64: {  	[tilespmem:$0x140] =	vst v0  }
0x65: {  	[tilespmem:$0x150] =	vst v0  }
0x66: {  	[tilespmem:$0x160] =	vst v0  }
0x67: {  	[tilespmem:$0x170] =	vst v0  }
0x68: {  	[tilespmem:$0x180] =	vst v0  }
0x69: {  	[tilespmem:$0x190] =	vst v0  }
0x6a: {  	[tilespmem:$0x1A0] =	vst v0  }
0x6b: {  	[tilespmem:$0x1B0] =	vst v0  }
0x6c: {  	[tilespmem:$0x1C0] =	vst v0  }
0x6d: {  	[tilespmem:$0x1D0] =	vst v0  }
0x6e: {  	[tilespmem:$0x1E0] =	vst v0  }
0x6f: {  	[tilespmem:$0x1F0] =	vst v0  }
0x70: {  	[tilespmem:$0x200] =	vst v0  }
0x71: {  	[tilespmem:$0x210] =	vst v0  }
0x72: {  	[tilespmem:$0x220] =	vst v0  }
0x73: {  	[tilespmem:$0x230] =	vst v0  }
0x74: {  	[tilespmem:$0x240] =	vst v0  }
0x75: {  	[tilespmem:$0x250] =	vst v0  }
0x76: {  	[tilespmem:$0x260] =	vst v0  }
0x77: {  	[tilespmem:$0x270] =	vst v0  }
0x78: {  	[tilespmem:$0x280] =	vst v0  }
0x79: {  	[tilespmem:$0x290] =	vst v0  }
0x7a: {  	[tilespmem:$0x2A0] =	vst v0  }
0x7b: {  	[tilespmem:$0x2B0] =	vst v0  }
0x7c: {  	[tilespmem:$0x2C0] =	vst v0  }
0x7d: {  	[tilespmem:$0x2D0] =	vst v0  }
0x7e: {  	[tilespmem:$0x2E0] =	vst v0  }
0x7f: {  	[tilespmem:$0x2F0] =	vst v0  }
0x80: {  	[tilespmem:$0x300] =	vst v0  }
0x81: {  	[tilespmem:$0x310] =	vst v0  }
0x82: {  	[tilespmem:$0x320] =	vst v0  }
0x83: {  	[tilespmem:$0x330] =	vst v0  }
0x84: {  	[tilespmem:$0x340] =	vst v0  }
0x85: {  	[tilespmem:$0x350] =	vst v0  }
0x86: {  	[tilespmem:$0x360] =	vst v0  }
0x87: {  	[tilespmem:$0x370] =	vst v0  }
0x88: {  	[tilespmem:$0x380] =	vst v0  }
0x89: {  	[tilespmem:$0x390] =	vst v0  }
0x8a: {  	[tilespmem:$0x3A0] =	vst v0  }
0x8b: {  	[tilespmem:$0x3B0] =	vst v0  }
0x8c: {  	[tilespmem:$0x3C0] =	vst v0  }
0x8d: {  	[tilespmem:$0x3D0] =	vst v0  }
0x8e: {  	[tilespmem:$0x3E0] =	vst v0  }
0x8f: {  	[tilespmem:$0x3F0] =	vst v0  }
0x90: {  	[tilespmem:$0x400] =	vst v0  }
0x91: {  	[tilespmem:$0x410] =	vst v0  }
0x92: {  	[tilespmem:$0x420] =	vst v0  }
0x93: {  	[tilespmem:$0x430] =	vst v0  }
0x94: {  	[tilespmem:$0x440] =	vst v0  }
0x95: {  	[tilespmem:$0x450] =	vst v0  }
0x96: {  	[tilespmem:$0x460] =	vst v0  }
0x97: {  	[tilespmem:$0x470] =	vst v0  }
0x98: {  	[tilespmem:$0x480] =	vst v0  }
0x99: {  	[tilespmem:$0x490] =	vst v0  }
0x9a: {  	[tilespmem:$0x4A0] =	vst v0  }
0x9b: {  	[tilespmem:$0x4B0] =	vst v0  }
0x9c: {  	[tilespmem:$0x4C0] =	vst v0  }
0x9d: {  	[tilespmem:$0x4D0] =	vst v0  }
0x9e: {  	[tilespmem:$0x4E0] =	vst v0  }
0x9f: {  	[tilespmem:$0x4F0] =	vst v0  }
0xa0: {  	[spmem:s13] =	stream.linear.scatter [tilespmem:s19], [sflag:$0x2], $0x400, $0x38;
	[tilespmem:$0x1C340] =	vst v63  }
0xa1: {  	_ =	swait.ge [sflag:s16], $0x400  }
0xa2: {  	[sflag:s16] =	ssyncset.done $0x0  }
0xa3: {  	[sflag:s16] =	ssyncadd.s32 $0xFFFFFC00  }
.LBB2_5:
0xa4: {  	[bflag:$0x0] =	sbarrier.arrive $0xFFFF  }
0xa5: {  	[tilespmem:s20], [sflag:$0x2] =	stream.linear.gather [hbm4b:s7+s3], $0x20, $0x38;
	[tilespmem:$0x1C340] =	vst v63  }
0xa6: {  	_ =	swait.ge [sflag:s16], $0x20  }
0xa7: {  	[sflag:s16] =	ssyncset.done $0x0  }
0xa8: {  	[sflag:s16] =	ssyncadd.s32 $0xFFFFFFE0  }
0xa9: {  	[tilespmem:s21], [sflag:$0x2] =	stream.linear.gather [hbm4b:s8+s3], $0x20, $0x38;
	[tilespmem:$0x1C340] =	vst v63  }
0xaa: {  	_ =	swait.ge [sflag:s16], $0x20  }
0xab: {  	[sflag:s16] =	ssyncset.done $0x0  }
0xac: {  	[sflag:s16] =	ssyncadd.s32 $0xFFFFFFE0  }
0xad: {  	v1 =	vld [tilespmem:s10+$0x12100]  }
0xae: {  	v2 =	vld [tilespmem:s10+$0x12180];
	_ =	sdelay $0x3  }
0xaf: {  	(v2sf) =	vpush v1, $0x0  }
0xb0: {  	(v2sf) =	vpush v2, $0x0;
	_ =	sdelay $0xd  }
0xb1: {  	s25 =	spop (v2sf)  }
0xb2: {  	s26 =	spop (v2sf)  }
0xb3: {  	p1 =	slt.s32 s26, $0x1  }
.Ltmp4:
0xb4: {  	_ = 	snop;
	(pc) =	sbr.rel @p1 .LBB2_12-.Ltmp4, $1  }
0xb5: {  	_ =	sdelay $0x3  }
0xb6: {  	p2 =	sne.s32 s26, $0x1  }
.Ltmp5:
0xb7: {  	_ = 	snop;
	(pc) =	sbr.rel @!p2 .LBB2_7-.Ltmp5, $3  }
0xb8: {  	_ =	sdelay $0x1  }
0xb9: {  	s24 =	sshll.u32 s25, $0xC;
	s25 =	sshll.u32 s25, $0x5  }
0xba: {  	s26 =	sadd.s32 $0xFFFFFFFF, s26;
	p1 =	por $0x0, $0x0;
	s29 =	sand.u32 $0x1FFFFFE0, s25  }
0xbb: {  	s28 =	sadd.s32 s0, s29  }
0xbc: {  	[tilespmem:s3], [sflag:$0x2] =	stream.linear.gather [hbm4b:s28+s3], $0x100, $0x38;
	[tilespmem:$0x1C340] =	vst v63  }
0xbd: {  	_ =	swait.ge [sflag:s16], $0x100  }
0xbe: {  	[sflag:s16] =	ssyncset.done $0x0  }
0xbf: {  	[sflag:s16] =	ssyncadd.s32 $0xFFFFFF00  }
0xc0: {  	[tilespmem:s19], [sflag:$0x1] =	stream.indirect.gather [spmem:s2], $0x80, s3, s19, $0xb8;
	[tilespmem:$0x1C340] =	vst v63  }
0xc1: {  	p2 =	sne.s32 s26, $0x1;
	_ =	swait.ge [sflag:s22], $0x8000  }
.Ltmp6:
0xc2: {  	s28 =	sand.u32 $0x1FFFF000, s24;
	[sflag:s22] =	ssyncset.done $0x0;
	(pc) =	sbr.rel @!p2 .LBB2_9-.Ltmp6, $4  }
0xc3: {  	s26 =	sadd.s32 $0xFFFFFFFF, s26;
	s28 =	sadd.s32 s9, s28;
	[sflag:s22] =	ssyncadd.s32 $0xFFFF8000  }
0xc4: {  	[hbm4b:s28+s3] =	stream.linear.scatter [tilespmem:s19], [sflag:$0x2], $0x8000, $0x38;
	[tilespmem:$0x1C340] =	vst v63  }
0xc5: {  	p1 =	por $0x1, $0x1;
	s28 =	sadd.s32 $0x20, s25;
	_ =	swait.ge [sflag:s16], $0x8000  }
0xc6: {  	s25 =	smov.u32 s24;
	s29 =	sand.u32 $0x1FFFFFE0, s28;
	[sflag:s16] =	ssyncset.done $0x0  }
.LBB2_10:
0xc7: {  	s29 =	sadd.s32 s0, s29;
	[sflag:s16] =	ssyncadd.s32 $0xFFFF8000;
	s25 =	sadd.s32 $0x1000, s25  }
0xc8: {  	[tilespmem:s3], [sflag:$0x2] =	stream.linear.gather [hbm4b:s29+s3], $0x100, $0x38;
	[tilespmem:$0x1C340] =	vst v63  }
0xc9: {  	p2 =	sne.s32 s26, $0x1;
	s26 =	sadd.s32 $0xFFFFFFFF, s26;
	_ =	swait.ge [sflag:s16], $0x100  }
0xca: {  	[sflag:s16] =	ssyncset.done $0x0  }
0xcb: {  	[sflag:s16] =	ssyncadd.s32 $0xFFFFFF00  }
0xcc: {  	[tilespmem:s19], [sflag:$0x1] =	stream.indirect.gather [spmem:s2], $0x80, s3, s19, $0xb8;
	[tilespmem:$0x1C340] =	vst v63  }
0xcd: {  	_ =	swait.ge [sflag:s22], $0x8000  }
.Ltmp7:
0xce: {  	s29 =	sand.u32 $0x1FFFF000, s25;
	[sflag:s22] =	ssyncset.done $0x0;
	(pc) =	sbr.rel @p2 .LBB2_10-.Ltmp7, $4  }
0xcf: {  	s29 =	sadd.s32 s9, s29;
	[sflag:s22] =	ssyncadd.s32 $0xFFFF8000  }
0xd0: {  	[hbm4b:s29+s3] =	stream.linear.scatter [tilespmem:s19], [sflag:$0x2], $0x8000, $0x38;
	[tilespmem:$0x1C340] =	vst v63  }
0xd1: {  	s28 =	sadd.s32 $0x20, s28;
	_ =	swait.ge [sflag:s16], $0x8000  }
0xd2: {  	s29 =	sand.u32 $0x1FFFFFE0, s28;
	[sflag:s16] =	ssyncset.done $0x0  }
.Ltmp8:
0xd3: {  	_ = 	snop;
	(pc) =	sbr.rel .LBB2_11-.Ltmp8, $1  }
0xd4: {  	_ =	sdelay $0x3  }
.LBB2_9:
.Ltmp9:
0xd5: {  	(pc) =	sbr.rel .LBB2_11-.Ltmp9, $2  }
0xd6: {  	_ =	sdelay $0x2  }
0xd7: {  	s25 =	smov.u32 s24  }
.LBB2_13:
0xd8: {  	_ =	sfence.sel $0x180000  }
0xd9: {  	[bflag:$0x0] =	sbarrier.arrive $0xFFFF  }
0xda: {  	_ =	strace $0x9000004D  }
0xdb: {  	s0 =	sadd.s32 @!p0 $0x100000, s1;
	[bflag:$0x2] =	sbarrier.arrive $0xFFFF  }
0xdc: {  	[sflag:s0] =	ssyncadd.tile.s32 @!p0 $0x1;
	_ =	shalt  }
.Lfunc_end2:
_tile_overlayer_lowered:
.L_overlay_start_2:
0xdd: {  	(tag) =	ssettag $0x2  }
0xde: {  	s0 =	rddreg [dreg:$0x0];
	s2 =	stileid.u32  }
0xdf: {  	s1 =	rddreg [dreg:$0x1];
	p0 =	sne.s32 s2, $0x0  }
0xe0: {  	s3 =	rddreg [dreg:$0x2];
	[bflag:$0x3] =	sbarrier.arrive $0xFFFF;
	s2 =	simm.s32 @!p0 $0x1C02  }
0xe1: {  	[timem:s3], [sflag:s2] =	dma.local @!p0 [hbm:s0], s1  }
0xe2: {  	s0 =	simm.s32 @!p0 $0x2  }
0xe3: {  	_ =	swait.ge @!p0 [sflag:s0], s1  }
0xe4: {  	s1 =	ssub.s32 @!p0 $0x0, s1;
	[sflag:s0] =	ssyncset.done @!p0 $0x0  }
0xe5: {  	[sflag:s0] =	ssyncadd.s32 @!p0 s1  }
0xe6: {  	[bflag:$0x3] =	sbarrier.arrive $0xFFFF  }
0xe7: {  	_ =	shalt  }

// kernel: kernel.18.cloned.1.call-start
scs
__scs_entry_jumppad:
0x0: {  	(pc) =	sbr.rel $0x88, $3  }
0x1: {  	(tag) =	ssettag $0x0;
	lr =	simm.s32 $0x1  }
0x2: {  	[smem:$0x3F99] =	sst lr;
	_ =	strace $0xD0000000  }
0x3: {  	_ = 	snop  }
0x4: {  	_ = 	snop  }
0x5: {  	_ = 	snop  }
0x6: {  	_ = 	snop  }
0x7: {  	_ = 	snop  }
__scs_overlays_trampoline_lowered:
0x8: {  	[smem:$0x3FA8] =	sst s0  }
0x9: {  	[smem:$0x3FA9] =	sst s1  }
0xa: {  	[smem:$0x3FAA] =	sst s2  }
0xb: {  	[smem:$0x3FAB] =	sst s3  }
0xc: {  	[smem:$0x3FAC] =	sst s4  }
0xd: {  	[smem:$0x3FAD] =	sst s5  }
0xe: {  	[smem:$0x3FAE] =	sst s6  }
0xf: {  	[smem:$0x3FAF] =	sst s7  }
0x10: {  	[smem:$0x3FB0] =	sst s8  }
0x11: {  	[smem:$0x3FB1] =	sst s9;
	s0 =	simm.s32 @!p0 $0x0  }
0x12: {  	s1 =	sld [smem:$0x3F97];
	s0 =	simm.s32 @p0 $0x1  }
0x13: {  	[smem:$0x3FB2] =	sst s0;
	s0 =	simm.s32 @!p1 $0x0  }
0x14: {  	s2 =	sld [smem:$0x3F96];
	s0 =	simm.s32 @p1 $0x1  }
0x15: {  	[smem:$0x3FB3] =	sst s0;
	s0 =	simm.s32 @!p2 $0x0  }
0x16: {  	s3 =	sld [smem:$0x3FDB];
	s0 =	simm.s32 @p2 $0x1  }
0x17: {  	s4 =	simm.s32 $0x1BF5;
	[smem:$0x3FB5] =	sst s0  }
0x18: {  	s0 =	sld [smem:$0x3F98];
	_ =	swait.ge [sflag:s4], $0x0  }
0x19: {  	s7 =	sld [smem:$0x3F99]  }
0x1a: {  	s8 =	sadd.s32 $0xFFFFE003, lr  }
0x1b: {  	s9 =	sadd.s32 $0xFFFFFEF7, lr;
	s5 =	simm.s32 $0xFFFFFFFF;
	p2 =	slt.u32 s8, $0xFFFFF086  }
0x1c: {  	p1 =	slt.u32 s9, $0xF7A;
	s5 =	simm.s32 @!p2 $0x0  }
0x1d: {  	s5 =	simm.s32 @p1 $0x1;
	p0 =	seq.s32 s7, s2  }
0x1e: {  	s7 =	smul.u32 @!p0 $0xF7A, s2;
	p2 =	seq.s32 @!p0 s5, $0x0  }
0x1f: {  	s9 =	smul.u32 $0xF7A, s1;
	s8 =	simm.s32 @!p0 $0x1BF5;
	p2 =	por !p2, p0  }
0x20: {  	[sflag:s8] =	ssyncset.s32 @!p0 $0xFFFFF086;
	s6 =	sadd.s32 @!p0 s3, s7;
	s7 =	simm.s32 @!p0 $0x108  }
0x21: {  	s3 =	sadd.s32 s3, s9;
	s6 =	sadd.s32 @!p0 $0x88, s6;
	s7 =	simm.s32 @p2 $0x1082  }
0x22: {  	[simem:s7], [sflag:s8] =	dma.local @!p0 [hbm:s6], $0xF7A  }
0x23: {  	s9 =	sor.u32 $0xD0000000, s2;
	s6 =	simm.s32 $0x108;
	_ =	swait.ge @!p0 [sflag:s8], $0x0  }
0x24: {  	s3 =	sadd.s32 $0x88, s3;
	s6 =	simm.s32 @!p1 $0x1082;
	[sflag:s4] =	ssyncset.s32 $0xFFFFF086  }
0x25: {  	[simem:s6], [sflag:s4] =	dma.local [hbm:s3], $0xF7A  }
0x26: {  	[smem:$0x3F99] =	sst s1;
	(tag) =	ssettag s2;
	_ =	strace s9  }
0x27: {  	s1 =	sld [smem:$0x3FA9]  }
0x28: {  	s2 =	sld [smem:$0x3FAA]  }
0x29: {  	s4 =	sld [smem:$0x3FAC]  }
0x2a: {  	p0 =	seq.s32 s5, $0x0;
	s5 =	sld [smem:$0x3FAD]  }
0x2b: {  	s6 =	sld [smem:$0x3FAE]  }
0x2c: {  	s7 =	sld [smem:$0x3FAF]  }
0x2d: {  	s3 =	simm.s32 $0x108;
	s8 =	sld [smem:$0x3FB0]  }
0x2e: {  	s3 =	simm.s32 @!p0 $0x1082;
	s9 =	sld [smem:$0x3FB1]  }
0x2f: {  	lr =	sadd.s32 s0, s3;
	s0 =	sld [smem:$0x3FA8]  }
0x30: {  	s3 =	sld [smem:$0x3FAB]  }
0x31: {  	[smem:$0x3FB4] =	sst s10  }
0x32: {  	s10 =	sld [smem:$0x3FB2];
	_ =	sdelay $0x3  }
0x33: {  	p0 =	seq.s32 s10, $0x1;
	s10 =	sld [smem:$0x3FB4];
	_ =	sdelay $0x3  }
0x34: {  	[smem:$0x3FB4] =	sst s10  }
0x35: {  	s10 =	sld [smem:$0x3FB3];
	_ =	sdelay $0x3  }
0x36: {  	p1 =	seq.s32 s10, $0x1;
	s10 =	sld [smem:$0x3FB4];
	_ =	sdelay $0x3  }
0x37: {  	[smem:$0x3FB4] =	sst s10  }
0x38: {  	s10 =	sld [smem:$0x3FB5]  }
0x39: {  	_ = 	snop;
	(pc) =	sbr.ind lr, $3  }
0x3a: {  	_ = 	snop  }
0x3b: {  	_ = 	snop  }
0x3c: {  	p2 =	seq.s32 s10, $0x1;
	s10 =	sld [smem:$0x3FB4]  }
0x3d: {  	_ =	shalt  }
0x3e: {  	_ =	shalt  }
0x3f: {  	_ =	shalt  }
0x40: {  	_ =	shalt  }
0x41: {  	_ =	shalt  }
0x42: {  	_ =	shalt  }
0x43: {  	_ =	shalt  }
0x44: {  	_ =	shalt  }
0x45: {  	_ =	shalt  }
0x46: {  	_ =	shalt  }
0x47: {  	_ =	shalt  }
0x48: {  	_ =	shalt  }
0x49: {  	_ =	shalt  }
0x4a: {  	_ =	shalt  }
0x4b: {  	_ =	shalt  }
0x4c: {  	_ =	shalt  }
0x4d: {  	_ =	shalt  }
0x4e: {  	_ =	shalt  }
0x4f: {  	_ =	shalt  }
0x50: {  	_ =	shalt  }
0x51: {  	_ =	shalt  }
0x52: {  	_ =	shalt  }
0x53: {  	_ =	shalt  }
0x54: {  	_ =	shalt  }
0x55: {  	_ =	shalt  }
0x56: {  	_ =	shalt  }
0x57: {  	_ =	shalt  }
0x58: {  	_ =	shalt  }
0x59: {  	_ =	shalt  }
0x5a: {  	_ =	shalt  }
0x5b: {  	_ =	shalt  }
0x5c: {  	_ =	shalt  }
0x5d: {  	_ =	shalt  }
0x5e: {  	_ =	shalt  }
0x5f: {  	_ =	shalt  }
0x60: {  	_ =	shalt  }
0x61: {  	_ =	shalt  }
0x62: {  	_ =	shalt  }
0x63: {  	_ =	shalt  }
0x64: {  	_ =	shalt  }
0x65: {  	_ =	shalt  }
0x66: {  	_ =	shalt  }
0x67: {  	_ =	shalt  }
0x68: {  	_ =	shalt  }
0x69: {  	_ =	shalt  }
0x6a: {  	_ =	shalt  }
0x6b: {  	_ =	shalt  }
0x6c: {  	_ =	shalt  }
0x6d: {  	_ =	shalt  }
0x6e: {  	_ =	shalt  }
0x6f: {  	_ =	shalt  }
0x70: {  	_ =	shalt  }
0x71: {  	_ =	shalt  }
0x72: {  	_ =	shalt  }
0x73: {  	_ =	shalt  }
0x74: {  	_ =	shalt  }
0x75: {  	_ =	shalt  }
0x76: {  	_ =	shalt  }
0x77: {  	_ =	shalt  }
0x78: {  	_ =	shalt  }
0x79: {  	_ =	shalt  }
0x7a: {  	_ =	shalt  }
0x7b: {  	_ =	shalt  }
0x7c: {  	_ =	shalt  }
0x7d: {  	_ =	shalt  }
0x7e: {  	_ =	shalt  }
0x7f: {  	_ =	shalt  }
0x80: {  	_ =	shalt  }
0x81: {  	_ =	shalt  }
0x82: {  	_ =	shalt  }
0x83: {  	_ =	shalt  }
0x84: {  	_ =	shalt  }
0x85: {  	_ =	shalt  }
0x86: {  	_ =	shalt  }
0x87: {  	_ =	shalt  }
.Lfunc_end0:
.L_simem_size_0:
called_computation.3_lowered:
.L_overlay_start_0:
0x88: {  	s2 =	sld [smem:$0x3FD9]  }
0x89: {  	s3 =	sld [smem:$0x3FFE];
	_ =	sdelay $0x1  }
0x8a: {  	s1 =	srdreg.scid  }
0x8b: {  	s0 =	sand.u32 $0x1, s1  }
0x8c: {  	s17 =	sshll.u32 s0, $0xA;
	s2 =	sadd.s32 s3, s2  }
0x8d: {  	s2 =	sadd.s32 s2, s17  }
0x8e: {  	[smem:$0x3FC0] =	sst s2  }
0x8f: {  	_ = 	snop  }
0x90: {  	s2 =	sld [smem:$0x3FD0];
	(tm) =	ssettm $0x1  }
0x91: {  	s18 =	sld [smem:$0x3FFB];
	_ =	sdelay $0x3  }
0x92: {  	_ =	strace s18  }
0x93: {  	s3 =	sld [smem:$0x3FFC];
	_ =	sdelay $0x3  }
0x94: {  	_ =	strace s3  }
0x95: {  	s3 =	sld [smem:$0x3FFD];
	_ =	sdelay $0x3  }
0x96: {  	_ =	strace s3  }
0x97: {  	_ =	strace $0x8FFFFFFF  }
0x98: {  	s19 =	sld [smem:$0x3FDB];
	_ =	sdelay $0x1  }
0x99: {  	s4 =	simm.s32 $_scs_section_size  }
0x9a: {  	s5 =	simm.s32 $_size__tile_overlayer_lowered;
	s6 =	simm.s32 $_tile_overlayer_lowered  }
0x9b: {  	s22 =	simm.s32 $0x1BFF;
	s21 =	sshll.u32 s6, $0x1;
	s3 =	sadd.s32 s4, s19  }
0x9c: {  	s7 =	simm.s32 $0x0;
	s20 =	sshll.u32 s5, $0x1;
	s5 =	sadd.s32 s21, s3  }
0x9d: {  	[timem:s7], [sflag:s22] =	dma.local [hbm:s5], s20  }
0x9e: {  	_ =	swait.ge [sflag:s22], s20  }
0x9f: {  	s4 =	ssub.s32 $0x0, s20;
	[sflag:s22] =	ssyncset.done $0x0  }
0xa0: {  	[sflag:s22] =	ssyncadd.s32 s4;
	_ =	sdelay $0x1  }
0xa1: {  	s23 =	simm.s32 $0x1B8B  }
0xa2: {  	_ =	swait.ge [sflag:s23], $0x1  }
0xa3: {  	[sflag:s23] =	ssyncset.done $0x0  }
0xa4: {  	s25 =	simm.s32 $0x1B8E;
	s24 =	sld [smem:$0x3FFE];
	[sflag:s23] =	ssyncadd.s32 $0xFFFFFFFF  }
0xa5: {  	s26 =	simm.s32 $execute0_lowered;
	[smem:$0x3FD2] =	sst s25  }
0xa6: {  	s5 =	sshll.u32 s26, $0x1;
	_ =	strace $0x8000004F;
	[dreg:$0x1] =	wrdreg $0xFFFFFFFF  }
0xa7: {  	s28 =	simm.s32 $_size_execute0_lowered;
	s3 =	sadd.s32 s3, s5;
	[dreg:$0x0] =	wrdreg $0x0  }
0xa8: {  	s5 =	sshll.u32 s28, $0x1;
	[dreg:$0x2] =	wrdreg s3  }
0xa9: {  	[dreg:$0x3] =	wrdreg s5  }
0xaa: {  	[dreg:$0x4] =	wrdreg $0xC0  }
0xab: {  	_ =	task [dreg:s7], $0x5FFFF  }
0xac: {  	[dreg:$0x1] =	wrdreg $0xFFFFFFFF  }
0xad: {  	[dreg:$0x0] =	wrdreg $0x60  }
0xae: {  	[dreg:$0x2] =	wrdreg s24  }
0xaf: {  	[dreg:$0x3] =	wrdreg s2  }
0xb0: {  	[dreg:$0x4] =	wrdreg $0x124000  }
0xb1: {  	[dreg:$0x5] =	wrdreg $0x9  }
0xb2: {  	_ =	task.clear_ibuf [dreg:s7], $0x6FFFF;
	_ =	strace $0x9000004F  }
0xb3: {  	s29 =	simm.s32 $0x9;
	_ =	strace $0x80000051  }
0xb4: {  	_ =	swait.ge [sflag:s29], $0x1  }
0xb5: {  	[sflag:s29] =	ssyncadd.s32 $0xFFFFFFFF  }
0xb6: {  	_ =	strace $0x90000051  }
0xb7: {  	_ =	sfence  }
0xb8: {  	s30 =	sld [smem:$0x0];
	_ =	sdelay $0x2  }
0xb9: {  	s31 =	sshll.u32 s1, $0xD;
	s1 =	sshrl.u32 s1, $0x2  }
0xba: {  	s3 =	sand.u32 $0x4000, s31;
	s1 =	sadd.s32 s1, s30  }
0xbb: {  	s0 =	sor.u32 s3, s0;
	s1 =	sshll.u32 s1, $0x11  }
0xbc: {  	s0 =	sor.u32 s1, s0  }
0xbd: {  	s0 =	sadd.s32 $0x8F2B, s0  }
0xbe: {  	[sflag:s0] =	ssyncadd.remote.s32 $0x1  }
0xbf: {  	_ =	sfence.sel $0xFFFF  }
0xc0: {  	[dreg:$0x0] =	wrdreg $0xFFFFFFFF;
	(pc) =	sbr.abs _section_cstart, $3  }
0xc1: {  	[dreg:$0x1] =	wrdreg $0xFFFFFFFF  }
0xc2: {  	_ =	task.clear_ibuf [dreg:s7], $0x2FFFF;
	_ =	strace $0x9FFFFFFF  }
0xc3: {  	(tm) =	ssettm $0x7FFFFFFF  }
tec
execute0_lowered:
.L_overlay_start_1:
0x0: {  	(tag) =	ssettag $0x1  }
0x1: {  	s10 =	rddreg [dreg:$0x0]  }
0x2: {  	s12 =	rddreg [dreg:$0x1]  }
0x3: {  	s1 =	rddreg [dreg:$0x2]  }
0x4: {  	s0 =	rddreg [dreg:$0x3];
	s3 =	simm.s32 $0x0  }
0x5: {  	s4 =	srdreg.scid;
	s2 =	stileid.u32;
	s17 =	simm.s32 $0x12200  }
0x6: {  	s18 =	simm.s32 $0x12280;
	s19 =	simm.s32 $0x12300;
	s20 =	simm.s32 $0x12380  }
0x7: {  	s21 =	simm.s32 $0x100;
	s22 =	simm.s32 $0x12100;
	s23 =	simm.s32 $0x0  }
0x8: {  	[smem:$0x7FF] =	sst s3;
	s11 =	sand.u32 $0x1, s4;
	s13 =	smul.u32 $0x1400, s2  }
0x9: {  	s4 =	sadd.s32 $0x8AC400, s10;
	s5 =	sadd.s32 $0x1C00, s10;
	s6 =	sadd.s32 $0x1400, s10  }
0xa: {  	s7 =	sadd.s32 $0x1600, s10;
	s8 =	sadd.s32 $0x13E00, s10;
	s26 =	smul.u32 $0x28000, s2  }
0xb: {  	s9 =	sadd.s32 $0x12A00, s10;
	s14 =	smul.u32 $0x14000, s11;
	s15 =	ssub.s32 $0x2, s11  }
0xc: {  	s28 =	sshll.u32 s2, $0x1;
	_ =	strace $0x80000050;
	s16 =	sshrl.u32 s15, $0x1  }
0xd: {  	s29 =	sshrl.u32 s26, $0x2;
	s13 =	sadd.s32 s13, s14;
	s30 =	ssub.s32 s15, s16  }
0xe: {  	s15 =	simm.s32 $0x8100;
	s13 =	sadd.s32 s13, s10;
	s10 =	sor.u32 s11, s28  }
0xf: {  	s16 =	simm.s32 $0x1;
	s11 =	sadd.s32 s29, s1;
	s31 =	sshll.u32 s10, $0x5  }
0x10: {  	s14 =	smax.u32 s30, $0x1;
	s13 =	sadd.s32 $0x14000, s13;
	s12 =	sadd.s32 s12, s31  }
.LBB2_1:
0x11: {  	[tilespmem:s15], [sflag:$0x1] =	stream.linear.gather [hbm4b:s9+s3], $0xA000, $0x38;
	[tilespmem:$0x1C400] =	vst v63  }
0x12: {  	_ =	swait.ge [sflag:s16], $0xA000  }
0x13: {  	[sflag:s16] =	ssyncset.done $0x0  }
0x14: {  	[sflag:s16] =	ssyncadd.s32 $0xFFFF6000  }
0x15: {  	[spmem:s11] =	stream.linear.scatter [tilespmem:s15], [sflag:$0x1], $0xA000, $0x38;
	[tilespmem:$0x1C400] =	vst v63  }
0x16: {  	_ =	swait.ge [sflag:s16], $0xA000  }
0x17: {  	[sflag:s16] =	ssyncset.done $0x0  }
0x18: {  	[sflag:s16] =	ssyncadd.s32 $0xFFFF6000  }
0x19: {  	[bflag:$0x0] =	sbarrier.arrive $0xFFFF  }
0x1a: {  	[tilespmem:s17], [sflag:$0x1] =	stream.linear.gather [hbm4b:s6+s3], $0x20, $0x38;
	[tilespmem:$0x1C400] =	vst v63  }
0x1b: {  	_ =	swait.ge [sflag:s16], $0x20  }
0x1c: {  	[sflag:s16] =	ssyncset.done $0x0  }
0x1d: {  	[sflag:s16] =	ssyncadd.s32 $0xFFFFFFE0  }
0x1e: {  	[tilespmem:s18], [sflag:$0x1] =	stream.linear.gather [hbm4b:s7+s3], $0x20, $0x38;
	[tilespmem:$0x1C400] =	vst v63  }
0x1f: {  	_ =	swait.ge [sflag:s16], $0x20  }
0x20: {  	[sflag:s16] =	ssyncset.done $0x0  }
0x21: {  	[sflag:s16] =	ssyncadd.s32 $0xFFFFFFE0  }
0x22: {  	[tilespmem:s19], [sflag:$0x1] =	stream.linear.gather [hbm4b:s6+s3], $0x20, $0x38;
	[tilespmem:$0x1C400] =	vst v63  }
0x23: {  	_ =	swait.ge [sflag:s16], $0x20  }
0x24: {  	[sflag:s16] =	ssyncset.done $0x0  }
0x25: {  	[sflag:s16] =	ssyncadd.s32 $0xFFFFFFE0  }
0x26: {  	[tilespmem:s20], [sflag:$0x1] =	stream.linear.gather [hbm4b:s8+s3], $0x20, $0x38;
	[tilespmem:$0x1C400] =	vst v63  }
0x27: {  	_ =	swait.ge [sflag:s16], $0x20  }
0x28: {  	[sflag:s16] =	ssyncset.done $0x0  }
0x29: {  	[sflag:s16] =	ssyncadd.s32 $0xFFFFFFE0  }
0x2a: {  	v0 =	vld [tilespmem:s10+$0x12200]  }
0x2b: {  	v1 =	vld [tilespmem:s10+$0x12280];
	_ =	sdelay $0x3  }
0x2c: {  	(v2sf) =	vpush v0, $0x0  }
0x2d: {  	(v2sf) =	vpush v1, $0x0;
	_ =	sdelay $0xd  }
0x2e: {  	s25 =	spop (v2sf)  }
0x2f: {  	s26 =	spop (v2sf)  }
0x30: {  	p0 =	slt.s32 s26, $0x1  }
.Ltmp0:
0x31: {  	_ = 	snop;
	(pc) =	sbr.rel @p0 .LBB2_8-.Ltmp0, $1  }
0x32: {  	_ =	sdelay $0x3  }
0x33: {  	p1 =	sne.s32 s26, $0x1  }
.Ltmp1:
0x34: {  	_ = 	snop;
	(pc) =	sbr.rel @!p1 .LBB2_3-.Ltmp1, $3  }
0x35: {  	_ =	sdelay $0x1  }
0x36: {  	s24 =	sshll.u32 s25, $0x5;
	s25 =	sshll.u32 s25, $0xC  }
0x37: {  	s26 =	sadd.s32 $0xFFFFFFFF, s26;
	p0 =	por $0x0, $0x0;
	s29 =	sand.u32 $0x1FFFF000, s25  }
0x38: {  	s28 =	sadd.s32 s4, s29  }
0x39: {  	[tilespmem:s21], [sflag:$0x1] =	stream.linear.gather [hbm4b:s28+s3], $0x8000, $0x38;
	[tilespmem:$0x1C400] =	vst v63  }
0x3a: {  	_ =	swait.ge [sflag:s16], $0x8000  }
0x3b: {  	s28 =	sand.u32 $0x1FFFFFE0, s24;
	[sflag:s16] =	ssyncset.done $0x0  }
0x3c: {  	s28 =	sadd.s32 s5, s28;
	[sflag:s16] =	ssyncadd.s32 $0xFFFF8000  }
0x3d: {  	[tilespmem:s3], [sflag:$0x1] =	stream.linear.gather [hbm4b:s28+s3], $0x100, $0x38;
	[tilespmem:$0x1C400] =	vst v63  }
0x3e: {  	p1 =	sne.s32 s26, $0x1;
	_ =	swait.ge [sflag:s16], $0x100  }
.Ltmp2:
0x3f: {  	[sflag:s16] =	ssyncset.done $0x0;
	(pc) =	sbr.rel @!p1 .LBB2_5-.Ltmp2, $4  }
0x40: {  	s26 =	sadd.s32 $0xFFFFFFFF, s26;
	[sflag:s16] =	ssyncadd.s32 $0xFFFFFF00  }
0x41: {  	[spmem:s1] =	stream.indirect.scatter.add.f32 [tilespmem:s21], [sflag:$0x1], $0x80, s3, s21, $0xb8;
	[tilespmem:$0x1C400] =	vst v63  }
0x42: {  	p0 =	por $0x1, $0x1;
	s28 =	sadd.s32 $0x1000, s25;
	_ =	swait.ge [sflag:s16], $0x8000  }
0x43: {  	s25 =	smov.u32 s24;
	s29 =	sand.u32 $0x1FFFF000, s28;
	[sflag:s16] =	ssyncset.done $0x0  }
.LBB2_6:
0x44: {  	s29 =	sadd.s32 s4, s29;
	[sflag:s16] =	ssyncadd.s32 $0xFFFF8000;
	s25 =	sadd.s32 $0x20, s25  }
0x45: {  	[tilespmem:s21], [sflag:$0x1] =	stream.linear.gather [hbm4b:s29+s3], $0x8000, $0x38;
	[tilespmem:$0x1C400] =	vst v63  }
0x46: {  	p1 =	sne.s32 s26, $0x1;
	s26 =	sadd.s32 $0xFFFFFFFF, s26;
	_ =	swait.ge [sflag:s16], $0x8000  }
0x47: {  	s29 =	sand.u32 $0x1FFFFFE0, s25;
	[sflag:s16] =	ssyncset.done $0x0  }
0x48: {  	s29 =	sadd.s32 s5, s29;
	[sflag:s16] =	ssyncadd.s32 $0xFFFF8000  }
0x49: {  	[tilespmem:s3], [sflag:$0x1] =	stream.linear.gather [hbm4b:s29+s3], $0x100, $0x38;
	[tilespmem:$0x1C400] =	vst v63  }
0x4a: {  	_ =	swait.ge [sflag:s16], $0x100  }
.Ltmp3:
0x4b: {  	[sflag:s16] =	ssyncset.done $0x0;
	(pc) =	sbr.rel @p1 .LBB2_6-.Ltmp3, $4  }
0x4c: {  	[sflag:s16] =	ssyncadd.s32 $0xFFFFFF00  }
0x4d: {  	[spmem:s1] =	stream.indirect.scatter.add.f32 [tilespmem:s21], [sflag:$0x1], $0x80, s3, s21, $0xb8;
	[tilespmem:$0x1C400] =	vst v63  }
0x4e: {  	s28 =	sadd.s32 $0x1000, s28;
	_ =	swait.ge [sflag:s16], $0x8000  }
0x4f: {  	s29 =	sand.u32 $0x1FFFF000, s28;
	[sflag:s16] =	ssyncset.done $0x0  }
.LBB2_7:
0x50: {  	s26 =	sadd.s32 s4, s29;
	[sflag:s16] =	ssyncadd.s32 @p0 $0xFFFF8000;
	s25 =	sadd.s32 @p0 $0x20, s25  }
0x51: {  	[tilespmem:s21], [sflag:$0x1] =	stream.linear.gather [hbm4b:s26+s3], $0x8000, $0x38;
	[tilespmem:$0x1C400] =	vst v63  }
0x52: {  	s24 =	smov.u32 @p0 s25;
	_ =	swait.ge [sflag:s16], $0x8000  }
0x53: {  	s24 =	sand.u32 $0x1FFFFFE0, s24;
	[sflag:s16] =	ssyncset.done $0x0  }
0x54: {  	s24 =	sadd.s32 s5, s24;
	[sflag:s16] =	ssyncadd.s32 $0xFFFF8000  }
0x55: {  	[tilespmem:s3], [sflag:$0x1] =	stream.linear.gather [hbm4b:s24+s3], $0x100, $0x38;
	[tilespmem:$0x1C400] =	vst v63  }
0x56: {  	_ =	swait.ge [sflag:s16], $0x100  }
0x57: {  	[sflag:s16] =	ssyncset.done $0x0  }
0x58: {  	[sflag:s16] =	ssyncadd.s32 $0xFFFFFF00  }
0x59: {  	[spmem:s1] =	stream.indirect.scatter.add.f32 [tilespmem:s21], [sflag:$0x1], $0x80, s3, s21, $0xb8;
	[tilespmem:$0x1C400] =	vst v63  }
0x5a: {  	_ =	swait.ge [sflag:s16], $0x8000  }
0x5b: {  	[sflag:s16] =	ssyncset.done $0x0  }
0x5c: {  	[sflag:s16] =	ssyncadd.s32 $0xFFFF8000  }
.LBB2_8:
0x5d: {  	v0 =	vld [tilespmem:s10+$0x12300]  }
0x5e: {  	v1 =	vld [tilespmem:s10+$0x12380];
	_ =	sdelay $0x3  }
0x5f: {  	(v2sf) =	vpush v0, $0x0  }
0x60: {  	(v2sf) =	vpush v1, $0x0;
	_ =	sdelay $0xd  }
0x61: {  	s25 =	spop (v2sf)  }
0x62: {  	s26 =	spop (v2sf)  }
0x63: {  	p0 =	slt.s32 s26, $0x1  }
.Ltmp4:
0x64: {  	_ = 	snop;
	(pc) =	sbr.rel @p0 .LBB2_15-.Ltmp4, $1  }
0x65: {  	_ =	sdelay $0x3  }
0x66: {  	p1 =	sne.s32 s26, $0x1  }
.Ltmp5:
0x67: {  	_ = 	snop;
	(pc) =	sbr.rel @!p1 .LBB2_10-.Ltmp5, $3  }
0x68: {  	_ =	sdelay $0x1  }
0x69: {  	s24 =	sshll.u32 s25, $0x5;
	s25 =	sshll.u32 s25, $0xC  }
0x6a: {  	s26 =	sadd.s32 $0xFFFFFFFF, s26;
	p0 =	por $0x0, $0x0;
	s29 =	sand.u32 $0x1FFFF000, s25  }
0x6b: {  	s28 =	sadd.s32 s4, s29  }
0x6c: {  	[tilespmem:s21], [sflag:$0x1] =	stream.linear.gather [hbm4b:s28+s3], $0x8000, $0x38;
	[tilespmem:$0x1C400] =	vst v63  }
0x6d: {  	_ =	swait.ge [sflag:s16], $0x8000  }
0x6e: {  	s28 =	sand.u32 $0x1FFFFFE0, s24;
	[sflag:s16] =	ssyncset.done $0x0  }
0x6f: {  	s28 =	sadd.s32 s5, s28;
	[sflag:s16] =	ssyncadd.s32 $0xFFFF8000  }
0x70: {  	[tilespmem:s3], [sflag:$0x1] =	stream.linear.gather [hbm4b:s28+s3], $0x100, $0x38;
	[tilespmem:$0x1C400] =	vst v63  }
0x71: {  	p1 =	sne.s32 s26, $0x1;
	_ =	swait.ge [sflag:s16], $0x100  }
.Ltmp6:
0x72: {  	[sflag:s16] =	ssyncset.done $0x0;
	(pc) =	sbr.rel @!p1 .LBB2_12-.Ltmp6, $4  }
0x73: {  	s26 =	sadd.s32 $0xFFFFFFFF, s26;
	[sflag:s16] =	ssyncadd.s32 $0xFFFFFF00  }
0x74: {  	[spmem:s1] =	stream.indirect.scatter.add.f32 [tilespmem:s21], [sflag:$0x1], $0x80, s3, s21, $0xb8;
	[tilespmem:$0x1C400] =	vst v63  }
0x75: {  	p0 =	por $0x1, $0x1;
	s28 =	sadd.s32 $0x1000, s25;
	_ =	swait.ge [sflag:s16], $0x8000  }
0x76: {  	s25 =	smov.u32 s24;
	s29 =	sand.u32 $0x1FFFF000, s28;
	[sflag:s16] =	ssyncset.done $0x0  }
.LBB2_13:
0x77: {  	s29 =	sadd.s32 s4, s29;
	[sflag:s16] =	ssyncadd.s32 $0xFFFF8000;
	s25 =	sadd.s32 $0x20, s25  }
0x78: {  	[tilespmem:s21], [sflag:$0x1] =	stream.linear.gather [hbm4b:s29+s3], $0x8000, $0x38;
	[tilespmem:$0x1C400] =	vst v63  }
0x79: {  	p1 =	sne.s32 s26, $0x1;
	s26 =	sadd.s32 $0xFFFFFFFF, s26;
	_ =	swait.ge [sflag:s16], $0x8000  }
0x7a: {  	s29 =	sand.u32 $0x1FFFFFE0, s25;
	[sflag:s16] =	ssyncset.done $0x0  }
0x7b: {  	s29 =	sadd.s32 s5, s29;
	[sflag:s16] =	ssyncadd.s32 $0xFFFF8000  }
0x7c: {  	[tilespmem:s3], [sflag:$0x1] =	stream.linear.gather [hbm4b:s29+s3], $0x100, $0x38;
	[tilespmem:$0x1C400] =	vst v63  }
0x7d: {  	_ =	swait.ge [sflag:s16], $0x100  }
.Ltmp7:
0x7e: {  	[sflag:s16] =	ssyncset.done $0x0;
	(pc) =	sbr.rel @p1 .LBB2_13-.Ltmp7, $4  }
0x7f: {  	[sflag:s16] =	ssyncadd.s32 $0xFFFFFF00  }
0x80: {  	[spmem:s1] =	stream.indirect.scatter.add.f32 [tilespmem:s21], [sflag:$0x1], $0x80, s3, s21, $0xb8;
	[tilespmem:$0x1C400] =	vst v63  }
0x81: {  	s28 =	sadd.s32 $0x1000, s28;
	_ =	swait.ge [sflag:s16], $0x8000  }
0x82: {  	s29 =	sand.u32 $0x1FFFF000, s28;
	[sflag:s16] =	ssyncset.done $0x0  }
.LBB2_14:
0x83: {  	s26 =	sadd.s32 s4, s29;
	[sflag:s16] =	ssyncadd.s32 @p0 $0xFFFF8000;
	s25 =	sadd.s32 @p0 $0x20, s25  }
0x84: {  	[tilespmem:s21], [sflag:$0x1] =	stream.linear.gather [hbm4b:s26+s3], $0x8000, $0x38;
	[tilespmem:$0x1C400] =	vst v63  }
0x85: {  	s24 =	smov.u32 @p0 s25;
	_ =	swait.ge [sflag:s16], $0x8000  }
0x86: {  	s24 =	sand.u32 $0x1FFFFFE0, s24;
	[sflag:s16] =	ssyncset.done $0x0  }
0x87: {  	s24 =	sadd.s32 s5, s24;
	[sflag:s16] =	ssyncadd.s32 $0xFFFF8000  }
0x88: {  	[tilespmem:s3], [sflag:$0x1] =	stream.linear.gather [hbm4b:s24+s3], $0x100, $0x38;
	[tilespmem:$0x1C400] =	vst v63  }
0x89: {  	_ =	swait.ge [sflag:s16], $0x100  }
0x8a: {  	[sflag:s16] =	ssyncset.done $0x0  }
0x8b: {  	[sflag:s16] =	ssyncadd.s32 $0xFFFFFF00  }
0x8c: {  	[spmem:s1] =	stream.indirect.scatter.add.f32 [tilespmem:s21], [sflag:$0x1], $0x80, s3, s21, $0xb8;
	[tilespmem:$0x1C400] =	vst v63  }
0x8d: {  	_ =	swait.ge [sflag:s16], $0x8000  }
0x8e: {  	[sflag:s16] =	ssyncset.done $0x0  }
0x8f: {  	[sflag:s16] =	ssyncadd.s32 $0xFFFF8000  }
.LBB2_15:
0x90: {  	[bflag:$0x0] =	sbarrier.arrive $0xFFFF  }
0x91: {  	[tilespmem:s15], [sflag:$0x1] =	stream.linear.gather [spmem:s11], $0xA000, $0x38;
	[tilespmem:$0x1C400] =	vst v63  }
0x92: {  	_ =	swait.ge [sflag:s16], $0xA000  }
0x93: {  	[sflag:s16] =	ssyncset.done $0x0  }
0x94: {  	s26 =	simm.s32 $0x0;
	[sflag:s16] =	ssyncadd.s32 $0xFFFF6000  }
0x95: {  	v1 =	vld [tilespmem:s26+$0x8170]  }
0x96: {  	v2 =	vld [tilespmem:s26+$0x8100]  }
0x97: {  	v15 =	vimm.f32 $0.0e+00;
	v3 =	vld [tilespmem:s26+$0x8110]  }
0x98: {  	v19 =	vimm.f32 $0.0e+00;
	v18 =	vimm.f32 $0.0e+00;
	v10 =	vimm.f32 $0.0e+00  }
0x99: {  	v17 =	vimm.f32 $0.0e+00;
	v6 =	vimm.f32 $0.0e+00;
	v11 =	vimm.f32 $0.0e+00;
	v20 =	vld [tilespmem:s26+$0x8120]  }
0x9a: {  	v4 =	vimm.f32 $0.0e+00;
	v7 =	vimm.f32 $0.0e+00;
	v5 =	vimm.f32 $0.0e+00;
	v16 =	vld [tilespmem:s26+$0x8130]  }
0x9b: {  	v13 =	vld [tilespmem:s26+$0x8140];
	v0 =	vadd.f32 v1, v15;
	v1 =	vmul.f32 v1, v1;
	v14 =	vadd.f32 v2, v15  }
0x9c: {  	v12 =	vld [tilespmem:s26+$0x8150];
	v22 =	vmul.f32 v2, v2;
	v9 =	vadd.f32 v3, v15;
	v21 =	vmul.f32 v3, v3  }
0x9d: {  	s24 =	simm.s32 $0x80;
	s25 =	simm.s32 $0x400;
	v8 =	vld [tilespmem:s26+$0x8160];
	v3 =	vimm.f32 $0.0e+00;
	v2 =	vimm.f32 $0.0e+00;
	v1 =	vadd.f32 v1, v15  }
.LBB2_16:
0x9e: {  	p0 =	sne.s32 s25, $0x27E00;
	v23 =	vld [tilespmem:s24+$0x8170];
	v15 =	vadd.f32 v22, v15;
	v19 =	vadd.f32 v20, v19;
	v20 =	vmul.f32 v20, v20  }
0x9f: {  	v22 =	vld [tilespmem:s24+$0x8100];
	v18 =	vadd.f32 v21, v18;
	v10 =	vadd.f32 v16, v10;
	v16 =	vmul.f32 v16, v16  }
0xa0: {  	v21 =	vld [tilespmem:s24+$0x8110];
	v17 =	vadd.f32 v20, v17;
	v6 =	vadd.f32 v13, v6;
	v13 =	vmul.f32 v13, v13  }
.Ltmp8:
0xa1: {  	v20 =	vld [tilespmem:s24+$0x8120];
	v11 =	vadd.f32 v16, v11;
	v4 =	vadd.f32 v12, v4;
	v12 =	vmul.f32 v12, v12;
	(pc) =	sbr.rel @p0 .LBB2_16-.Ltmp8, $4  }
0xa2: {  	v16 =	vld [tilespmem:s24+$0x8130];
	v7 =	vadd.f32 v13, v7;
	v3 =	vadd.f32 v8, v3;
	v8 =	vmul.f32 v8, v8  }
0xa3: {  	v13 =	vld [tilespmem:s24+$0x8140];
	v0 =	vadd.f32 v23, v0;
	v23 =	vmul.f32 v23, v23;
	v5 =	vadd.f32 v12, v5  }
0xa4: {  	v14 =	vadd.f32 v22, v14;
	v22 =	vmul.f32 v22, v22;
	v12 =	vld [tilespmem:s24+$0x8150];
	v2 =	vadd.f32 v8, v2  }
0xa5: {  	v9 =	vadd.f32 v21, v9;
	v21 =	vmul.f32 v21, v21;
	v8 =	vld [tilespmem:s24+$0x8160];
	s24 =	sshra.s32 s25, $0x2;
	s25 =	sadd.s32 $0x200, s25;
	v1 =	vadd.f32 v23, v1  }
0xa6: {  	v23 =	vld [tilespmem:s24+$0x8100]  }
0xa7: {  	v25 =	vld [tilespmem:s24+$0x8110]  }
0xa8: {  	v26 =	vld [tilespmem:s24+$0x8120]  }
0xa9: {  	v27 =	vld [tilespmem:s24+$0x8130]  }
0xaa: {  	v15 =	vadd.f32 v22, v15;
	v47 =	vld [tilespmem:s24+$0x8140]  }
0xab: {  	v19 =	vadd.f32 v20, v19;
	v49 =	vld [tilespmem:s24+$0x8150];
	v14 =	vadd.f32 v23, v14  }
0xac: {  	v24 =	vld [tilespmem:s24+$0x8170];
	v10 =	vadd.f32 v16, v10;
	v9 =	vadd.f32 v25, v9  }
0xad: {  	v51 =	vld [tilespmem:s24+$0x8160];
	v6 =	vadd.f32 v13, v6;
	v55 =	vadd.f32 v26, v19;
	[tilespmem:$0x12100] =	vst v14  }
0xae: {  	v4 =	vadd.f32 v12, v4;
	v10 =	vadd.f32 v27, v10;
	[tilespmem:$0x12110] =	vst v9  }
0xaf: {  	v18 =	vadd.f32 v21, v18;
	v53 =	vmul.f32 v16, v16;
	v6 =	vadd.f32 v47, v6;
	[tilespmem:$0x12120] =	vst v55  }
0xb0: {  	v56 =	vmul.f32 v13, v13;
	v3 =	vadd.f32 v8, v3;
	v4 =	vadd.f32 v49, v4;
	[tilespmem:$0x12130] =	vst v10  }
0xb1: {  	v11 =	vadd.f32 v53, v11;
	v28 =	vmul.f32 v23, v23;
	v0 =	vadd.f32 v24, v0;
	[tilespmem:$0x12140] =	vst v6  }
0xb2: {  	v58 =	vmul.f32 v12, v12;
	v50 =	vmul.f32 v25, v25;
	v3 =	vadd.f32 v51, v3;
	[tilespmem:$0x12150] =	vst v4  }
0xb3: {  	v7 =	vadd.f32 v56, v7;
	v57 =	vmul.f32 v27, v27;
	v15 =	vadd.f32 v28, v15;
	[tilespmem:$0x12170] =	vst v0  }
0xb4: {  	v60 =	vmul.f32 v8, v8;
	v59 =	vmul.f32 v47, v47;
	v52 =	vadd.f32 v50, v18;
	[tilespmem:$0x12160] =	vst v3  }
0xb5: {  	v5 =	vadd.f32 v58, v5;
	v61 =	vmul.f32 v49, v49;
	v11 =	vadd.f32 v57, v11;
	[tilespmem:$0x12180] =	vst v15  }
0xb6: {  	v48 =	vmul.f32 v20, v20;
	v63 =	vmul.f32 v24, v24;
	v7 =	vadd.f32 v59, v7;
	[tilespmem:$0x12190] =	vst v52  }
0xb7: {  	v62 =	vmul.f32 v51, v51;
	v2 =	vadd.f32 v60, v2;
	v5 =	vadd.f32 v61, v5;
	[tilespmem:$0x121B0] =	vst v11  }
0xb8: {  	v17 =	vadd.f32 v48, v17;
	v54 =	vmul.f32 v26, v26;
	v1 =	vadd.f32 v63, v1;
	[tilespmem:$0x121C0] =	vst v7  }
0xb9: {  	v2 =	vadd.f32 v62, v2;
	[tilespmem:$0x121D0] =	vst v5  }
0xba: {  	v15 =	vadd.f32 v54, v17;
	[tilespmem:$0x121F0] =	vst v1  }
0xbb: {  	[tilespmem:$0x121E0] =	vst v2  }
0xbc: {  	[tilespmem:$0x121A0] =	vst v15  }
0xbd: {  	[hbm4b:s12+s3] =	stream.linear.scatter [tilespmem:s22], [sflag:$0x1], $0x100, $0x38;
	[tilespmem:$0x1C400] =	vst v63  }
0xbe: {  	_ =	swait.ge [sflag:s16], $0x100  }
0xbf: {  	s23 =	sadd.s32 $0x1, s23;
	[sflag:s16] =	ssyncset.done $0x0  }
0xc0: {  	p0 =	sne.s32 s23, s14;
	[sflag:s16] =	ssyncadd.s32 $0xFFFFFF00  }
0xc1: {  	[hbm4b:s13+s3] =	stream.linear.scatter [tilespmem:s15], [sflag:$0x1], $0xA000, $0x38;
	[tilespmem:$0x1C400] =	vst v63  }
.Ltmp9:
0xc2: {  	_ = 	snop;
	(pc) =	sbr.rel @p0 .LBB2_1-.Ltmp9, $4  }
.Ltmp10:
0xc3: {  	_ = 	snop;
	(pc) =	sbr.rel @!p0 .LBB2_18-.Ltmp10, $4  }
0xc4: {  	_ =	swait.ge [sflag:s16], $0xA000  }
0xc5: {  	[sflag:s16] =	ssyncset.done $0x0  }
0xc6: {  	[sflag:s16] =	ssyncadd.s32 $0xFFFF6000  }
0xc7: {  	_ = 	snop  }
.LBB2_3:
.Ltmp11:
0xc8: {  	(pc) =	sbr.rel .LBB2_7-.Ltmp11, $2  }
0xc9: {  	_ =	sdelay $0x2  }
0xca: {  	s25 =	smov.u32 s24  }
.LBB2_10:
.Ltmp12:
0xcb: {  	(pc) =	sbr.rel .LBB2_14-.Ltmp12, $2  }
0xcc: {  	_ =	sdelay $0x2  }
0xcd: {  	s25 =	smov.u32 s24  }
.LBB2_5:
.Ltmp13:
0xce: {  	(pc) =	sbr.rel .LBB2_7-.Ltmp13, $2  }
0xcf: {  	_ =	sdelay $0x2  }
0xd0: {  	s25 =	smov.u32 s24  }
.LBB2_12:
.Ltmp14:
0xd1: {  	(pc) =	sbr.rel .LBB2_14-.Ltmp14, $2  }
0xd2: {  	_ =	sdelay $0x2  }
0xd3: {  	s25 =	smov.u32 s24  }
.LBB2_18:
0xd4: {  	_ =	sfence.sel $0x180000  }
0xd5: {  	[bflag:$0x0] =	sbarrier.arrive $0xFFFF  }
0xd6: {  	p0 =	sne.s32 s2, $0x0;
	_ =	strace $0x90000050  }
0xd7: {  	s0 =	sadd.s32 @!p0 $0x100000, s0;
	[bflag:$0x2] =	sbarrier.arrive $0xFFFF  }
0xd8: {  	[sflag:s0] =	ssyncadd.tile.s32 @!p0 $0x1;
	_ =	shalt  }
.Lfunc_end2:
_tile_overlayer_lowered:
.L_overlay_start_2:
0xd9: {  	(tag) =	ssettag $0x2  }
0xda: {  	s0 =	rddreg [dreg:$0x0];
	s2 =	stileid.u32  }
0xdb: {  	s1 =	rddreg [dreg:$0x1];
	p0 =	sne.s32 s2, $0x0  }
0xdc: {  	s3 =	rddreg [dreg:$0x2];
	[bflag:$0x3] =	sbarrier.arrive $0xFFFF;
	s2 =	simm.s32 @!p0 $0x1C01  }
0xdd: {  	[timem:s3], [sflag:s2] =	dma.local @!p0 [hbm:s0], s1  }
0xde: {  	s0 =	simm.s32 @!p0 $0x1  }
0xdf: {  	_ =	swait.ge @!p0 [sflag:s0], s1  }
0xe0: {  	s1 =	ssub.s32 @!p0 $0x0, s1;
	[sflag:s0] =	ssyncset.done @!p0 $0x0  }
0xe1: {  	[sflag:s0] =	ssyncadd.s32 @!p0 s1  }
0xe2: {  	[bflag:$0x3] =	sbarrier.arrive $0xFFFF  }
0xe3: {  	_ =	shalt  }

// kernel: kernel.9.cloned.1.call-start
scs
__scs_entry_jumppad:
0x0: {  	(pc) =	sbr.rel $0x88, $3  }
0x1: {  	(tag) =	ssettag $0x0;
	lr =	simm.s32 $0x1  }
0x2: {  	[smem:$0x3F99] =	sst lr;
	_ =	strace $0xD0000000  }
0x3: {  	_ = 	snop  }
0x4: {  	_ = 	snop  }
0x5: {  	_ = 	snop  }
0x6: {  	_ = 	snop  }
0x7: {  	_ = 	snop  }
__scs_overlays_trampoline_lowered:
0x8: {  	[smem:$0x3FA8] =	sst s0  }
0x9: {  	[smem:$0x3FA9] =	sst s1  }
0xa: {  	[smem:$0x3FAA] =	sst s2  }
0xb: {  	[smem:$0x3FAB] =	sst s3  }
0xc: {  	[smem:$0x3FAC] =	sst s4  }
0xd: {  	[smem:$0x3FAD] =	sst s5  }
0xe: {  	[smem:$0x3FAE] =	sst s6  }
0xf: {  	[smem:$0x3FAF] =	sst s7  }
0x10: {  	[smem:$0x3FB0] =	sst s8  }
0x11: {  	[smem:$0x3FB1] =	sst s9;
	s0 =	simm.s32 @!p0 $0x0  }
0x12: {  	s1 =	sld [smem:$0x3F97];
	s0 =	simm.s32 @p0 $0x1  }
0x13: {  	[smem:$0x3FB2] =	sst s0;
	s0 =	simm.s32 @!p1 $0x0  }
0x14: {  	s2 =	sld [smem:$0x3F96];
	s0 =	simm.s32 @p1 $0x1  }
0x15: {  	[smem:$0x3FB3] =	sst s0;
	s0 =	simm.s32 @!p2 $0x0  }
0x16: {  	s3 =	sld [smem:$0x3FDB];
	s0 =	simm.s32 @p2 $0x1  }
0x17: {  	s4 =	simm.s32 $0x1BF5;
	[smem:$0x3FB5] =	sst s0  }
0x18: {  	s0 =	sld [smem:$0x3F98];
	_ =	swait.ge [sflag:s4], $0x0  }
0x19: {  	s7 =	sld [smem:$0x3F99]  }
0x1a: {  	s8 =	sadd.s32 $0xFFFFE003, lr  }
0x1b: {  	s9 =	sadd.s32 $0xFFFFFEF7, lr;
	s5 =	simm.s32 $0xFFFFFFFF;
	p2 =	slt.u32 s8, $0xFFFFF086  }
0x1c: {  	p1 =	slt.u32 s9, $0xF7A;
	s5 =	simm.s32 @!p2 $0x0  }
0x1d: {  	s5 =	simm.s32 @p1 $0x1;
	p0 =	seq.s32 s7, s2  }
0x1e: {  	s7 =	smul.u32 @!p0 $0xF7A, s2;
	p2 =	seq.s32 @!p0 s5, $0x0  }
0x1f: {  	s9 =	smul.u32 $0xF7A, s1;
	s8 =	simm.s32 @!p0 $0x1BF5;
	p2 =	por !p2, p0  }
0x20: {  	[sflag:s8] =	ssyncset.s32 @!p0 $0xFFFFF086;
	s6 =	sadd.s32 @!p0 s3, s7;
	s7 =	simm.s32 @!p0 $0x108  }
0x21: {  	s3 =	sadd.s32 s3, s9;
	s6 =	sadd.s32 @!p0 $0x88, s6;
	s7 =	simm.s32 @p2 $0x1082  }
0x22: {  	[simem:s7], [sflag:s8] =	dma.local @!p0 [hbm:s6], $0xF7A  }
0x23: {  	s9 =	sor.u32 $0xD0000000, s2;
	s6 =	simm.s32 $0x108;
	_ =	swait.ge @!p0 [sflag:s8], $0x0  }
0x24: {  	s3 =	sadd.s32 $0x88, s3;
	s6 =	simm.s32 @!p1 $0x1082;
	[sflag:s4] =	ssyncset.s32 $0xFFFFF086  }
0x25: {  	[simem:s6], [sflag:s4] =	dma.local [hbm:s3], $0xF7A  }
0x26: {  	[smem:$0x3F99] =	sst s1;
	(tag) =	ssettag s2;
	_ =	strace s9  }
0x27: {  	s1 =	sld [smem:$0x3FA9]  }
0x28: {  	s2 =	sld [smem:$0x3FAA]  }
0x29: {  	s4 =	sld [smem:$0x3FAC]  }
0x2a: {  	p0 =	seq.s32 s5, $0x0;
	s5 =	sld [smem:$0x3FAD]  }
0x2b: {  	s6 =	sld [smem:$0x3FAE]  }
0x2c: {  	s7 =	sld [smem:$0x3FAF]  }
0x2d: {  	s3 =	simm.s32 $0x108;
	s8 =	sld [smem:$0x3FB0]  }
0x2e: {  	s3 =	simm.s32 @!p0 $0x1082;
	s9 =	sld [smem:$0x3FB1]  }
0x2f: {  	lr =	sadd.s32 s0, s3;
	s0 =	sld [smem:$0x3FA8]  }
0x30: {  	s3 =	sld [smem:$0x3FAB]  }
0x31: {  	[smem:$0x3FB4] =	sst s10  }
0x32: {  	s10 =	sld [smem:$0x3FB2];
	_ =	sdelay $0x3  }
0x33: {  	p0 =	seq.s32 s10, $0x1;
	s10 =	sld [smem:$0x3FB4];
	_ =	sdelay $0x3  }
0x34: {  	[smem:$0x3FB4] =	sst s10  }
0x35: {  	s10 =	sld [smem:$0x3FB3];
	_ =	sdelay $0x3  }
0x36: {  	p1 =	seq.s32 s10, $0x1;
	s10 =	sld [smem:$0x3FB4];
	_ =	sdelay $0x3  }
0x37: {  	[smem:$0x3FB4] =	sst s10  }
0x38: {  	s10 =	sld [smem:$0x3FB5]  }
0x39: {  	_ = 	snop;
	(pc) =	sbr.ind lr, $3  }
0x3a: {  	_ = 	snop  }
0x3b: {  	_ = 	snop  }
0x3c: {  	p2 =	seq.s32 s10, $0x1;
	s10 =	sld [smem:$0x3FB4]  }
0x3d: {  	_ =	shalt  }
0x3e: {  	_ =	shalt  }
0x3f: {  	_ =	shalt  }
0x40: {  	_ =	shalt  }
0x41: {  	_ =	shalt  }
0x42: {  	_ =	shalt  }
0x43: {  	_ =	shalt  }
0x44: {  	_ =	shalt  }
0x45: {  	_ =	shalt  }
0x46: {  	_ =	shalt  }
0x47: {  	_ =	shalt  }
0x48: {  	_ =	shalt  }
0x49: {  	_ =	shalt  }
0x4a: {  	_ =	shalt  }
0x4b: {  	_ =	shalt  }
0x4c: {  	_ =	shalt  }
0x4d: {  	_ =	shalt  }
0x4e: {  	_ =	shalt  }
0x4f: {  	_ =	shalt  }
0x50: {  	_ =	shalt  }
0x51: {  	_ =	shalt  }
0x52: {  	_ =	shalt  }
0x53: {  	_ =	shalt  }
0x54: {  	_ =	shalt  }
0x55: {  	_ =	shalt  }
0x56: {  	_ =	shalt  }
0x57: {  	_ =	shalt  }
0x58: {  	_ =	shalt  }
0x59: {  	_ =	shalt  }
0x5a: {  	_ =	shalt  }
0x5b: {  	_ =	shalt  }
0x5c: {  	_ =	shalt  }
0x5d: {  	_ =	shalt  }
0x5e: {  	_ =	shalt  }
0x5f: {  	_ =	shalt  }
0x60: {  	_ =	shalt  }
0x61: {  	_ =	shalt  }
0x62: {  	_ =	shalt  }
0x63: {  	_ =	shalt  }
0x64: {  	_ =	shalt  }
0x65: {  	_ =	shalt  }
0x66: {  	_ =	shalt  }
0x67: {  	_ =	shalt  }
0x68: {  	_ =	shalt  }
0x69: {  	_ =	shalt  }
0x6a: {  	_ =	shalt  }
0x6b: {  	_ =	shalt  }
0x6c: {  	_ =	shalt  }
0x6d: {  	_ =	shalt  }
0x6e: {  	_ =	shalt  }
0x6f: {  	_ =	shalt  }
0x70: {  	_ =	shalt  }
0x71: {  	_ =	shalt  }
0x72: {  	_ =	shalt  }
0x73: {  	_ =	shalt  }
0x74: {  	_ =	shalt  }
0x75: {  	_ =	shalt  }
0x76: {  	_ =	shalt  }
0x77: {  	_ =	shalt  }
0x78: {  	_ =	shalt  }
0x79: {  	_ =	shalt  }
0x7a: {  	_ =	shalt  }
0x7b: {  	_ =	shalt  }
0x7c: {  	_ =	shalt  }
0x7d: {  	_ =	shalt  }
0x7e: {  	_ =	shalt  }
0x7f: {  	_ =	shalt  }
0x80: {  	_ =	shalt  }
0x81: {  	_ =	shalt  }
0x82: {  	_ =	shalt  }
0x83: {  	_ =	shalt  }
0x84: {  	_ =	shalt  }
0x85: {  	_ =	shalt  }
0x86: {  	_ =	shalt  }
0x87: {  	_ =	shalt  }
.Lfunc_end0:
.L_simem_size_0:
called_computation_lowered:
.L_overlay_start_0:
0x88: {  	s2 =	sld [smem:$0x3FD9]  }
0x89: {  	s3 =	sld [smem:$0x3FFE];
	_ =	sdelay $0x1  }
0x8a: {  	s1 =	srdreg.scid  }
0x8b: {  	s0 =	sand.u32 $0x1, s1  }
0x8c: {  	s17 =	sshll.u32 s0, $0xA;
	s2 =	sadd.s32 s3, s2  }
0x8d: {  	s2 =	sadd.s32 s2, s17  }
0x8e: {  	[smem:$0x3FC0] =	sst s2  }
0x8f: {  	_ = 	snop  }
0x90: {  	s2 =	sld [smem:$0x3FD0];
	(tm) =	ssettm $0x1  }
0x91: {  	s18 =	sld [smem:$0x3FFB];
	_ =	sdelay $0x3  }
0x92: {  	_ =	strace s18  }
0x93: {  	s3 =	sld [smem:$0x3FFC];
	_ =	sdelay $0x3  }
0x94: {  	_ =	strace s3  }
0x95: {  	s3 =	sld [smem:$0x3FFD];
	_ =	sdelay $0x3  }
0x96: {  	_ =	strace s3  }
0x97: {  	_ =	strace $0x8FFFFFFF  }
0x98: {  	s19 =	sld [smem:$0x3FDB];
	_ =	sdelay $0x1  }
0x99: {  	s4 =	simm.s32 $_scs_section_size  }
0x9a: {  	s5 =	simm.s32 $_size__tile_overlayer_lowered;
	s6 =	simm.s32 $_tile_overlayer_lowered  }
0x9b: {  	s22 =	simm.s32 $0x1BFF;
	s21 =	sshll.u32 s6, $0x1;
	s3 =	sadd.s32 s4, s19  }
0x9c: {  	s7 =	simm.s32 $0x0;
	s20 =	sshll.u32 s5, $0x1;
	s5 =	sadd.s32 s21, s3  }
0x9d: {  	[timem:s7], [sflag:s22] =	dma.local [hbm:s5], s20  }
0x9e: {  	_ =	swait.ge [sflag:s22], s20  }
0x9f: {  	s4 =	ssub.s32 $0x0, s20;
	[sflag:s22] =	ssyncset.done $0x0  }
0xa0: {  	[sflag:s22] =	ssyncadd.s32 s4;
	_ =	sdelay $0x1  }
0xa1: {  	s23 =	simm.s32 $0x1B8B  }
0xa2: {  	_ =	swait.ge [sflag:s23], $0x1  }
0xa3: {  	[sflag:s23] =	ssyncset.done $0x0  }
0xa4: {  	s25 =	simm.s32 $0x1B8E;
	s24 =	sld [smem:$0x3FFE];
	[sflag:s23] =	ssyncadd.s32 $0xFFFFFFFF  }
0xa5: {  	s26 =	simm.s32 $execute0_lowered;
	[smem:$0x3FD2] =	sst s25  }
0xa6: {  	s5 =	sshll.u32 s26, $0x1;
	_ =	strace $0x80000046;
	[dreg:$0x1] =	wrdreg $0xFFFFFFFF  }
0xa7: {  	s28 =	simm.s32 $_size_execute0_lowered;
	s3 =	sadd.s32 s3, s5;
	[dreg:$0x0] =	wrdreg $0x0  }
0xa8: {  	s5 =	sshll.u32 s28, $0x1;
	[dreg:$0x2] =	wrdreg s3  }
0xa9: {  	[dreg:$0x3] =	wrdreg s5  }
0xaa: {  	[dreg:$0x4] =	wrdreg $0xC0  }
0xab: {  	_ =	task [dreg:s7], $0x5FFFF  }
0xac: {  	[dreg:$0x1] =	wrdreg $0xFFFFFFFF  }
0xad: {  	[dreg:$0x0] =	wrdreg $0x60  }
0xae: {  	[dreg:$0x2] =	wrdreg s24  }
0xaf: {  	[dreg:$0x3] =	wrdreg s2  }
0xb0: {  	[dreg:$0x4] =	wrdreg $0x122000  }
0xb1: {  	[dreg:$0x5] =	wrdreg $0x9  }
0xb2: {  	_ =	task.clear_ibuf [dreg:s7], $0x6FFFF;
	_ =	strace $0x90000046  }
0xb3: {  	s29 =	simm.s32 $0x9;
	_ =	strace $0x80000048  }
0xb4: {  	_ =	swait.ge [sflag:s29], $0x1  }
0xb5: {  	[sflag:s29] =	ssyncadd.s32 $0xFFFFFFFF  }
0xb6: {  	_ =	strace $0x90000048  }
0xb7: {  	_ =	sfence  }
0xb8: {  	s30 =	sld [smem:$0x0];
	_ =	sdelay $0x2  }
0xb9: {  	s31 =	sshll.u32 s1, $0xD;
	s1 =	sshrl.u32 s1, $0x2  }
0xba: {  	s3 =	sand.u32 $0x4000, s31;
	s1 =	sadd.s32 s1, s30  }
0xbb: {  	s0 =	sor.u32 s3, s0;
	s1 =	sshll.u32 s1, $0x11  }
0xbc: {  	s0 =	sor.u32 s1, s0  }
0xbd: {  	s0 =	sadd.s32 $0x8F2B, s0  }
0xbe: {  	[sflag:s0] =	ssyncadd.remote.s32 $0x1  }
0xbf: {  	_ =	sfence.sel $0xFFFF  }
0xc0: {  	[dreg:$0x0] =	wrdreg $0xFFFFFFFF;
	(pc) =	sbr.abs _section_cstart, $3  }
0xc1: {  	[dreg:$0x1] =	wrdreg $0xFFFFFFFF  }
0xc2: {  	_ =	task.clear_ibuf [dreg:s7], $0x2FFFF;
	_ =	strace $0x9FFFFFFF  }
0xc3: {  	(tm) =	ssettm $0x7FFFFFFF  }
tec
execute0_lowered:
.L_overlay_start_1:
0x0: {  	(tag) =	ssettag $0x1  }
0x1: {  	s6 =	rddreg [dreg:$0x0];
	s1 =	srdreg.scid  }
0x2: {  	s0 =	rddreg [dreg:$0x1];
	s12 =	stileid.u32  }
0x3: {  	s2 =	rddreg [dreg:$0x2];
	s3 =	simm.s32 $0x0;
	s14 =	simm.s32 $0x100  }
0x4: {  	s15 =	simm.s32 $0x12100;
	s16 =	simm.s32 $0x12180;
	s17 =	simm.s32 $0x1  }
0x5: {  	s7 =	sand.u32 $0x1, s1;
	s5 =	smul.u32 $0x1400, s12;
	s1 =	rddreg [dreg:$0x3]  }
0x6: {  	s18 =	simm.s32 $0x0;
	[smem:$0x7FF] =	sst s3;
	s10 =	smul.u32 $0x28000, s12  }
0x7: {  	s13 =	sshll.u32 s12, $0x1;
	p0 =	sne.s32 s12, $0x0;
	s12 =	simm.s32 $0x8100  }
0x8: {  	s4 =	smul.u32 $0x14000, s7;
	_ =	strace $0x80000047;
	s9 =	ssub.s32 $0x2, s7  }
.Ltmp0:
0x9: {  	s7 =	sor.u32 s7, s13;
	s13 =	simm.s32 $0x2;
	(pc) =	sbr.rel .LBB2_1-.Ltmp0, $4  }
0xa: {  	s11 =	sshrl.u32 s9, $0x1;
	s31 =	sshrl.u32 s10, $0x2;
	s10 =	sadd.s32 $0xA0000, s2  }
0xb: {  	s4 =	sadd.s32 s5, s4;
	s5 =	sadd.s32 $0x1600, s6;
	s11 =	ssub.s32 s9, s11  }
0xc: {  	s9 =	sadd.s32 s31, s2;
	s8 =	sadd.s32 s4, s6;
	s4 =	sadd.s32 $0x1400, s6  }
0xd: {  	v0 =	vimm.f32 $0.0e+00;
	s6 =	sadd.s32 $0x29A00, s6;
	s11 =	smax.u32 s11, $0x1;
	s8 =	sadd.s32 $0x1800, s8  }
.LBB2_5:
0xe: {  	s20 =	smov.u32 s19  }
.LBB2_9:
0xf: {  	s21 =	sadd.s32 s0, s23;
	[sflag:s13] =	ssyncadd.s32 @p1 $0xFFFF8000  }
0x10: {  	[tilespmem:s3], [sflag:$0x2] =	stream.linear.gather [hbm4b:s21+s3], $0x100, $0x38;
	[tilespmem:$0x1C240] =	vst v63  }
0x11: {  	_ =	swait.ge [sflag:s13], $0x100  }
0x12: {  	[sflag:s13] =	ssyncset.done $0x0  }
0x13: {  	s20 =	sadd.s32 @p1 $0x1000, s20;
	[sflag:s13] =	ssyncadd.s32 $0xFFFFFF00  }
0x14: {  	[tilespmem:s14], [sflag:$0x1] =	stream.indirect.gather [spmem:s2], $0x80, s3, s14, $0xb8;
	[tilespmem:$0x1C240] =	vst v63  }
0x15: {  	s19 =	smov.u32 @p1 s20;
	_ =	swait.ge [sflag:s17], $0x8000  }
0x16: {  	s19 =	sand.u32 $0x1FFFF000, s19;
	[sflag:s17] =	ssyncset.done $0x0  }
0x17: {  	s19 =	sadd.s32 s6, s19;
	[sflag:s17] =	ssyncadd.s32 $0xFFFF8000  }
0x18: {  	[hbm4b:s19+s3] =	stream.linear.scatter [tilespmem:s14], [sflag:$0x2], $0x8000, $0x38;
	[tilespmem:$0x1C240] =	vst v63  }
0x19: {  	_ =	swait.ge [sflag:s13], $0x8000  }
0x1a: {  	[sflag:s13] =	ssyncset.done $0x0  }
0x1b: {  	[sflag:s13] =	ssyncadd.s32 $0xFFFF8000  }
.LBB2_10:
0x1c: {  	s18 =	sadd.s32 $0x1, s18  }
0x1d: {  	p1 =	sne.s32 s18, s11  }
.Ltmp1:
0x1e: {  	_ = 	snop;
	(pc) =	sbr.rel @!p1 .LBB2_11-.Ltmp1, $1  }
0x1f: {  	_ =	sdelay $0x3  }
.LBB2_1:
0x20: {  	[tilespmem:s12], [sflag:$0x2] =	stream.linear.gather [hbm4b:s8+s3], $0xA000, $0x38;
	[tilespmem:$0x1C240] =	vst v63  }
0x21: {  	_ =	swait.ge [sflag:s13], $0xA000  }
0x22: {  	[sflag:s13] =	ssyncset.done $0x0  }
.Ltmp2:
0x23: {  	[sflag:s13] =	ssyncadd.s32 $0xFFFF6000;
	(pc) =	sbr.rel @p0 .LBB2_3-.Ltmp2, $4  }
0x24: {  	[spmem:s9] =	stream.linear.scatter [tilespmem:s12], [sflag:$0x2], $0xA000, $0x38;
	[tilespmem:$0x1C240] =	vst v63  }
0x25: {  	_ =	swait.ge [sflag:s13], $0xA000  }
0x26: {  	[sflag:s13] =	ssyncset.done $0x0  }
0x27: {  	[sflag:s13] =	ssyncadd.s32 $0xFFFF6000  }
0x28: {  	[tilespmem:$0x100] =	vst v0  }
0x29: {  	[tilespmem:$0x110] =	vst v0  }
0x2a: {  	[tilespmem:$0x120] =	vst v0  }
0x2b: {  	[tilespmem:$0x130] =	vst v0  }
0x2c: {  	[tilespmem:$0x140] =	vst v0  }
0x2d: {  	[tilespmem:$0x150] =	vst v0  }
0x2e: {  	[tilespmem:$0x160] =	vst v0  }
0x2f: {  	[tilespmem:$0x170] =	vst v0  }
0x30: {  	[tilespmem:$0x180] =	vst v0  }
0x31: {  	[tilespmem:$0x190] =	vst v0  }
0x32: {  	[tilespmem:$0x1A0] =	vst v0  }
0x33: {  	[tilespmem:$0x1B0] =	vst v0  }
0x34: {  	[tilespmem:$0x1C0] =	vst v0  }
0x35: {  	[tilespmem:$0x1D0] =	vst v0  }
0x36: {  	[tilespmem:$0x1E0] =	vst v0  }
0x37: {  	[tilespmem:$0x1F0] =	vst v0  }
0x38: {  	[tilespmem:$0x200] =	vst v0  }
0x39: {  	[tilespmem:$0x210] =	vst v0  }
0x3a: {  	[tilespmem:$0x220] =	vst v0  }
0x3b: {  	[tilespmem:$0x230] =	vst v0  }
0x3c: {  	[tilespmem:$0x240] =	vst v0  }
0x3d: {  	[tilespmem:$0x250] =	vst v0  }
0x3e: {  	[tilespmem:$0x260] =	vst v0  }
0x3f: {  	[tilespmem:$0x270] =	vst v0  }
0x40: {  	[tilespmem:$0x280] =	vst v0  }
0x41: {  	[tilespmem:$0x290] =	vst v0  }
0x42: {  	[tilespmem:$0x2A0] =	vst v0  }
0x43: {  	[tilespmem:$0x2B0] =	vst v0  }
0x44: {  	[tilespmem:$0x2C0] =	vst v0  }
0x45: {  	[tilespmem:$0x2D0] =	vst v0  }
0x46: {  	[tilespmem:$0x2E0] =	vst v0  }
0x47: {  	[tilespmem:$0x2F0] =	vst v0  }
0x48: {  	[tilespmem:$0x300] =	vst v0  }
0x49: {  	[tilespmem:$0x310] =	vst v0  }
0x4a: {  	[tilespmem:$0x320] =	vst v0  }
0x4b: {  	[tilespmem:$0x330] =	vst v0  }
0x4c: {  	[tilespmem:$0x340] =	vst v0  }
0x4d: {  	[tilespmem:$0x350] =	vst v0  }
0x4e: {  	[tilespmem:$0x360] =	vst v0  }
0x4f: {  	[tilespmem:$0x370] =	vst v0  }
0x50: {  	[tilespmem:$0x380] =	vst v0  }
0x51: {  	[tilespmem:$0x390] =	vst v0  }
0x52: {  	[tilespmem:$0x3A0] =	vst v0  }
0x53: {  	[tilespmem:$0x3B0] =	vst v0  }
0x54: {  	[tilespmem:$0x3C0] =	vst v0  }
0x55: {  	[tilespmem:$0x3D0] =	vst v0  }
0x56: {  	[tilespmem:$0x3E0] =	vst v0  }
0x57: {  	[tilespmem:$0x3F0] =	vst v0  }
0x58: {  	[tilespmem:$0x400] =	vst v0  }
0x59: {  	[tilespmem:$0x410] =	vst v0  }
0x5a: {  	[tilespmem:$0x420] =	vst v0  }
0x5b: {  	[tilespmem:$0x430] =	vst v0  }
0x5c: {  	[tilespmem:$0x440] =	vst v0  }
0x5d: {  	[tilespmem:$0x450] =	vst v0  }
0x5e: {  	[tilespmem:$0x460] =	vst v0  }
0x5f: {  	[tilespmem:$0x470] =	vst v0  }
0x60: {  	[tilespmem:$0x480] =	vst v0  }
0x61: {  	[tilespmem:$0x490] =	vst v0  }
0x62: {  	[tilespmem:$0x4A0] =	vst v0  }
0x63: {  	[tilespmem:$0x4B0] =	vst v0  }
0x64: {  	[tilespmem:$0x4C0] =	vst v0  }
0x65: {  	[tilespmem:$0x4D0] =	vst v0  }
0x66: {  	[tilespmem:$0x4E0] =	vst v0  }
0x67: {  	[tilespmem:$0x4F0] =	vst v0  }
0x68: {  	[spmem:s10] =	stream.linear.scatter [tilespmem:s14], [sflag:$0x2], $0x400, $0x38;
	[tilespmem:$0x1C240] =	vst v63  }
0x69: {  	_ =	swait.ge [sflag:s13], $0x400  }
0x6a: {  	[sflag:s13] =	ssyncset.done $0x0  }
0x6b: {  	[sflag:s13] =	ssyncadd.s32 $0xFFFFFC00  }
.LBB2_3:
0x6c: {  	[bflag:$0x0] =	sbarrier.arrive $0xFFFF  }
0x6d: {  	[tilespmem:s15], [sflag:$0x2] =	stream.linear.gather [hbm4b:s4+s3], $0x20, $0x38;
	[tilespmem:$0x1C240] =	vst v63  }
0x6e: {  	_ =	swait.ge [sflag:s13], $0x20  }
0x6f: {  	[sflag:s13] =	ssyncset.done $0x0  }
0x70: {  	[sflag:s13] =	ssyncadd.s32 $0xFFFFFFE0  }
0x71: {  	[tilespmem:s16], [sflag:$0x2] =	stream.linear.gather [hbm4b:s5+s3], $0x20, $0x38;
	[tilespmem:$0x1C240] =	vst v63  }
0x72: {  	_ =	swait.ge [sflag:s13], $0x20  }
0x73: {  	[sflag:s13] =	ssyncset.done $0x0  }
0x74: {  	[sflag:s13] =	ssyncadd.s32 $0xFFFFFFE0  }
0x75: {  	v1 =	vld [tilespmem:s7+$0x12100]  }
0x76: {  	v2 =	vld [tilespmem:s7+$0x12180];
	_ =	sdelay $0x3  }
0x77: {  	(v2sf) =	vpush v1, $0x0  }
0x78: {  	(v2sf) =	vpush v2, $0x0;
	_ =	sdelay $0xd  }
0x79: {  	s20 =	spop (v2sf)  }
0x7a: {  	s21 =	spop (v2sf)  }
0x7b: {  	p1 =	slt.s32 s21, $0x1  }
.Ltmp3:
0x7c: {  	_ = 	snop;
	(pc) =	sbr.rel @p1 .LBB2_10-.Ltmp3, $1  }
0x7d: {  	_ =	sdelay $0x3  }
0x7e: {  	p2 =	sne.s32 s21, $0x1  }
.Ltmp4:
0x7f: {  	_ = 	snop;
	(pc) =	sbr.rel @!p2 .LBB2_5-.Ltmp4, $3  }
0x80: {  	_ =	sdelay $0x1  }
0x81: {  	s19 =	sshll.u32 s20, $0xC;
	s20 =	sshll.u32 s20, $0x5  }
0x82: {  	s21 =	sadd.s32 $0xFFFFFFFF, s21;
	p1 =	por $0x0, $0x0;
	s23 =	sand.u32 $0x1FFFFFE0, s20  }
0x83: {  	s22 =	sadd.s32 s0, s23  }
0x84: {  	[tilespmem:s3], [sflag:$0x2] =	stream.linear.gather [hbm4b:s22+s3], $0x100, $0x38;
	[tilespmem:$0x1C240] =	vst v63  }
0x85: {  	_ =	swait.ge [sflag:s13], $0x100  }
0x86: {  	[sflag:s13] =	ssyncset.done $0x0  }
0x87: {  	[sflag:s13] =	ssyncadd.s32 $0xFFFFFF00  }
0x88: {  	[tilespmem:s14], [sflag:$0x1] =	stream.indirect.gather [spmem:s2], $0x80, s3, s14, $0xb8;
	[tilespmem:$0x1C240] =	vst v63  }
0x89: {  	p2 =	sne.s32 s21, $0x1;
	_ =	swait.ge [sflag:s17], $0x8000  }
.Ltmp5:
0x8a: {  	s31 =	sand.u32 $0x1FFFF000, s19;
	[sflag:s17] =	ssyncset.done $0x0;
	(pc) =	sbr.rel @!p2 .LBB2_7-.Ltmp5, $4  }
0x8b: {  	s21 =	sadd.s32 $0xFFFFFFFF, s21;
	s22 =	sadd.s32 s6, s31;
	[sflag:s17] =	ssyncadd.s32 $0xFFFF8000  }
0x8c: {  	[hbm4b:s22+s3] =	stream.linear.scatter [tilespmem:s14], [sflag:$0x2], $0x8000, $0x38;
	[tilespmem:$0x1C240] =	vst v63  }
0x8d: {  	p1 =	por $0x1, $0x1;
	s22 =	sadd.s32 $0x20, s20;
	_ =	swait.ge [sflag:s13], $0x8000  }
0x8e: {  	s20 =	smov.u32 s19;
	s23 =	sand.u32 $0x1FFFFFE0, s22;
	[sflag:s13] =	ssyncset.done $0x0  }
.LBB2_8:
0x8f: {  	s23 =	sadd.s32 s0, s23;
	[sflag:s13] =	ssyncadd.s32 $0xFFFF8000;
	s20 =	sadd.s32 $0x1000, s20  }
0x90: {  	[tilespmem:s3], [sflag:$0x2] =	stream.linear.gather [hbm4b:s23+s3], $0x100, $0x38;
	[tilespmem:$0x1C240] =	vst v63  }
0x91: {  	p2 =	sne.s32 s21, $0x1;
	s21 =	sadd.s32 $0xFFFFFFFF, s21;
	_ =	swait.ge [sflag:s13], $0x100  }
0x92: {  	[sflag:s13] =	ssyncset.done $0x0  }
0x93: {  	[sflag:s13] =	ssyncadd.s32 $0xFFFFFF00  }
0x94: {  	[tilespmem:s14], [sflag:$0x1] =	stream.indirect.gather [spmem:s2], $0x80, s3, s14, $0xb8;
	[tilespmem:$0x1C240] =	vst v63  }
0x95: {  	_ =	swait.ge [sflag:s17], $0x8000  }
.Ltmp6:
0x96: {  	s23 =	sand.u32 $0x1FFFF000, s20;
	[sflag:s17] =	ssyncset.done $0x0;
	(pc) =	sbr.rel @p2 .LBB2_8-.Ltmp6, $4  }
0x97: {  	s23 =	sadd.s32 s6, s23;
	[sflag:s17] =	ssyncadd.s32 $0xFFFF8000  }
0x98: {  	[hbm4b:s23+s3] =	stream.linear.scatter [tilespmem:s14], [sflag:$0x2], $0x8000, $0x38;
	[tilespmem:$0x1C240] =	vst v63  }
0x99: {  	s22 =	sadd.s32 $0x20, s22;
	_ =	swait.ge [sflag:s13], $0x8000  }
0x9a: {  	s23 =	sand.u32 $0x1FFFFFE0, s22;
	[sflag:s13] =	ssyncset.done $0x0  }
.Ltmp7:
0x9b: {  	_ = 	snop;
	(pc) =	sbr.rel .LBB2_9-.Ltmp7, $1  }
0x9c: {  	_ =	sdelay $0x3  }
.LBB2_7:
.Ltmp8:
0x9d: {  	(pc) =	sbr.rel .LBB2_9-.Ltmp8, $2  }
0x9e: {  	_ =	sdelay $0x2  }
0x9f: {  	s20 =	smov.u32 s19  }
.LBB2_11:
0xa0: {  	_ =	sfence.sel $0x180000  }
0xa1: {  	[bflag:$0x0] =	sbarrier.arrive $0xFFFF  }
0xa2: {  	_ =	strace $0x90000047  }
0xa3: {  	s0 =	sadd.s32 @!p0 $0x100000, s1;
	[bflag:$0x2] =	sbarrier.arrive $0xFFFF  }
0xa4: {  	[sflag:s0] =	ssyncadd.tile.s32 @!p0 $0x1;
	_ =	shalt  }
.Lfunc_end2:
_tile_overlayer_lowered:
.L_overlay_start_2:
0xa5: {  	(tag) =	ssettag $0x2  }
0xa6: {  	s0 =	rddreg [dreg:$0x0];
	s2 =	stileid.u32  }
0xa7: {  	s1 =	rddreg [dreg:$0x1];
	p0 =	sne.s32 s2, $0x0  }
0xa8: {  	s3 =	rddreg [dreg:$0x2];
	[bflag:$0x3] =	sbarrier.arrive $0xFFFF;
	s2 =	simm.s32 @!p0 $0x1C02  }
0xa9: {  	[timem:s3], [sflag:s2] =	dma.local @!p0 [hbm:s0], s1  }
0xaa: {  	s0 =	simm.s32 @!p0 $0x2  }
0xab: {  	_ =	swait.ge @!p0 [sflag:s0], s1  }
0xac: {  	s1 =	ssub.s32 @!p0 $0x0, s1;
	[sflag:s0] =	ssyncset.done @!p0 $0x0  }
0xad: {  	[sflag:s0] =	ssyncadd.s32 @!p0 s1  }
0xae: {  	[bflag:$0x3] =	sbarrier.arrive $0xFFFF  }
0xaf: {  	_ =	shalt  }

</sc_bundles>
